<compile_context>
chip_gen: v7x
topology: tpu7x:2x2x1
jax: 0.10.2.dev20260603
libtpu: 0.0.44.dev20260713+nightly
codegen_flags: <defaults>
</compile_context>

<pallas_src>
import functools

import jax
import jax.numpy as jnp
from jax import lax
from jax.experimental import pallas as pl
from jax.experimental.pallas import tpu as pltpu
from jax.experimental.pallas import tpu_sc as plsc

ROWS, D, F = 8192, 512, 4
NC, NS = 2, 16
NW = NC * NS
RPW = ROWS // NW
CH = 64
CHG = CH // 8
NCHUNK = RPW // CH
NBUF = 2

_mesh = plsc.VectorSubcoreMesh(core_axis_name="c", subcore_axis_name="s")


@functools.partial(
    pl.kernel,
    out_type=jax.ShapeDtypeStruct((ROWS * F, D), jnp.float32),
    mesh=_mesh,
    scratch_types=[
        pltpu.VMEM((NBUF, CHG, 8, D), jnp.float32),
        pltpu.SemaphoreType.DMA((NBUF,)),
        pltpu.SemaphoreType.DMA((NBUF,)),
    ],
)
def _fill_encoding(x_hbm, out_hbm, buf, lsem, ssem):
    wid = lax.axis_index("s") * NC + lax.axis_index("c")
    base = wid * RPW
    x3 = x_hbm.reshape(ROWS // 8, 8, D)
    o5 = out_hbm.reshape(ROWS // 8, 8 * F, D)

    def load(c):
        a0 = (base + c * CH) // 8
        return pltpu.make_async_copy(
            x3.at[pl.ds(a0, CHG)], buf.at[c % NBUF], lsem.at[c % NBUF]
        )

    def store(c, r, k):
        g0 = (base + c * CH) // 8
        src = buf.at[c % NBUF, :, pl.ds(r, 1), :]
        dst = o5.at[pl.ds(g0, CHG), pl.ds(F * r + k, 1), :]
        return pltpu.make_async_copy(src, dst, ssem.at[c % NBUF])

    for c in range(min(NBUF, NCHUNK)):
        load(c).start()
    for c in range(NCHUNK):
        load(c).wait()

        def fire(i, _, c=c):
            store(c, i // F, lax.rem(i, F)).start()
            return 0

        def drain(i, _, c=c):
            store(c, 0, 0).wait()
            return 0

        lax.fori_loop(0, 8 * F, fire, 0)
        lax.fori_loop(0, 8 * F, drain, 0)
        if c + NBUF < NCHUNK:
            load(c + NBUF).start()


def kernel(x):
    return _fill_encoding(x)

# --- scband reference (transcript-rebuilt; emitter-appended) ---
"""Pipeline reference for scband-fill-encoding-20272245637294 (READ-ONLY COPY).

The authoritative reference and input builder live on the scoring server;
editing this copy changes nothing except your own understanding.
"""

import jax, jax.numpy as jnp
import numpy as np

FILLER = 4  # init kwarg: repeats per row (jnp.repeat accepts int or per-row counts)

def setup_inputs(seed: int = 0) -> dict:
    key = jax.random.key(seed)
    x = jax.random.normal(key, (8192, 512), dtype=jnp.float32)
    return {"x": x}

def reference(x):
    # FillEncoding.__call__: jnp.repeat(x, self.filler, axis=0)
    return jnp.repeat(x, FILLER, axis=0)

if __name__ == "__main__":
    import jax
    _d = setup_inputs()
    print(jax.jit(kernel)(*tuple(_d.values())))

</pallas_src>

<mosaic_0001>
#map = affine_map<(d0, d1) -> (0, 0)>
module attributes {stable_mosaic.version = 14 : i64} {
  func.func @_fill_encoding(%arg0: i32, %arg1: i32, %arg2: memref<8192x512xf32, #tpu.memory_space<hbm>>, %arg3: memref<32768x512xf32, #tpu.memory_space<hbm>>, %arg4: memref<2x8x8x512xf32, #tpu.memory_space<vmem>>, %arg5: memref<2x!tpu.dma_semaphore, #tpu.memory_space<semaphore_mem>>, %arg6: memref<2x!tpu.dma_semaphore, #tpu.memory_space<semaphore_mem>>) attributes {dimension_semantics = [#tpu.dimension_semantics<core_parallel>, #tpu.dimension_semantics<subcore_parallel>], iteration_bounds = array<i64: 2, 16>, scalar_prefetch = 0 : i64, scratch_operands = 3 : i64, tpu.core_type = #tpu.core_type<sc_vector_subcore>, window_params = [{transform_indices = #map}, {transform_indices = #map}]} {
    %mul3A = arith.constant 2 : i32
    %mul3A_0 = arith.muli %arg1, %mul3A : i32
    %add3A = arith.addi %mul3A_0, %arg0 : i32
    %mul3A_1 = arith.constant 256 : i32
    %mul3A_2 = arith.muli %add3A, %mul3A_1 : i32
    %add3A_3 = arith.constant 0 : i32
    %add3A_4 = arith.addi %mul3A_2, %add3A_3 : i32
    %jit3A = arith.constant 8 : i32
    %div3A = arith.divsi %add3A_4, %jit3A : i32
    %sign3A = arith.constant 0 : i32
    %sign3A_5 = arith.cmpi sgt, %add3A_4, %sign3A : i32
    %sign3A_6 = arith.extui %sign3A_5 : i1 to i32
    %sign3A_7 = arith.constant 0 : i32
    %sign3A_8 = arith.cmpi slt, %add3A_4, %sign3A_7 : i32
    %sign3A_9 = arith.extui %sign3A_8 : i1 to i32
    %sign3A_10 = arith.subi %sign3A_6, %sign3A_9 : i32
    %sign3A_11 = arith.constant 0 : i32
    %sign3A_12 = arith.cmpi sgt, %jit3A, %sign3A_11 : i32
    %sign3A_13 = arith.extui %sign3A_12 : i1 to i32
    %sign3A_14 = arith.constant 0 : i32
    %sign3A_15 = arith.cmpi slt, %jit3A, %sign3A_14 : i32
    %sign3A_16 = arith.extui %sign3A_15 : i1 to i32
    %sign3A_17 = arith.subi %sign3A_13, %sign3A_16 : i32
    %ne3A = arith.cmpi ne, %sign3A_10, %sign3A_17 : i32
    %rem3A = arith.remsi %add3A_4, %jit3A : i32
    %ne3A_18 = arith.constant 0 : i32
    %ne3A_19 = arith.cmpi ne, %rem3A, %ne3A_18 : i32
    %and3A = arith.andi %ne3A, %ne3A_19 : i1
    %sub3A = arith.constant 1 : i32
    %sub3A_20 = arith.subi %div3A, %sub3A : i32
    %select_n3A = arith.select %and3A, %sub3A_20, %div3A : i32
    %dma_start3A = arith.constant 0 : i32
    %dma_start3A_21 = arith.constant 0 : i32
    %dma_start3A_22 = arith.constant 0 : i32
    %dma_start3A_23 = arith.constant 0 : i32
    %dma_start3A_24 = arith.constant 0 : i32
    %dma_start3A_25 = tpu.memref_slice %arg4[%dma_start3A, %dma_start3A_22, %dma_start3A_23, %dma_start3A_24] : memref<2x8x8x512xf32, #tpu.memory_space<vmem>> -> memref<1x8x8x512xf32, #tpu.memory_space<vmem>>
    %dma_start3A_26 = tpu.memref_squeeze %dma_start3A_25 : memref<1x8x8x512xf32, #tpu.memory_space<vmem>> -> memref<8x8x512xf32, #tpu.memory_space<vmem>>
    %dma_start3A_27 = tpu.memref_reshape %arg2 : memref<8192x512xf32, #tpu.memory_space<hbm>> -> memref<1024x8x512xf32, #tpu.memory_space<hbm>>
    %dma_start3A_28 = arith.constant 0 : i32
    %dma_start3A_29 = arith.constant 0 : i32
    %dma_start3A_30 = tpu.memref_slice %dma_start3A_27[%select_n3A, %dma_start3A_28, %dma_start3A_29] : memref<1024x8x512xf32, #tpu.memory_space<hbm>> -> memref<8x8x512xf32, #tpu.memory_space<hbm>>
    %dma_start3A_31 = tpu.memref_slice %arg5[%dma_start3A_21] : memref<2x!tpu.dma_semaphore, #tpu.memory_space<semaphore_mem>> -> memref<1x!tpu.dma_semaphore, #tpu.memory_space<semaphore_mem>>
    %dma_start3A_32 = tpu.memref_squeeze %dma_start3A_31 : memref<1x!tpu.dma_semaphore, #tpu.memory_space<semaphore_mem>> -> memref<!tpu.dma_semaphore, #tpu.memory_space<semaphore_mem>>
    %dma_start3A_33 = arith.constant 0 : i32
    %dma_start3A_34 = arith.constant 0 : i32
    %dma_start3A_35 = arith.constant 0 : i32
    %dma_start3A_36 = tpu.memref_slice %arg4[%dma_start3A, %dma_start3A_33, %dma_start3A_34, %dma_start3A_35] : memref<2x8x8x512xf32, #tpu.memory_space<vmem>> -> memref<1x8x8x512xf32, #tpu.memory_space<vmem>>
    %dma_start3A_37 = tpu.memref_squeeze %dma_start3A_36 : memref<1x8x8x512xf32, #tpu.memory_space<vmem>> -> memref<8x8x512xf32, #tpu.memory_space<vmem>>
    %dma_start3A_38 = tpu.memref_reshape %arg2 : memref<8192x512xf32, #tpu.memory_space<hbm>> -> memref<1024x8x512xf32, #tpu.memory_space<hbm>>
    %dma_start3A_39 = arith.constant 0 : i32
    %dma_start3A_40 = arith.constant 0 : i32
    %dma_start3A_41 = tpu.memref_slice %dma_start3A_38[%select_n3A, %dma_start3A_39, %dma_start3A_40] : memref<1024x8x512xf32, #tpu.memory_space<hbm>> -> memref<8x8x512xf32, #tpu.memory_space<hbm>>
    tpu.enqueue_dma source(%dma_start3A_41 : memref<8x8x512xf32, #tpu.memory_space<hbm>>) target(%dma_start3A_37 : memref<8x8x512xf32, #tpu.memory_space<vmem>>) target_semaphore(%dma_start3A_32 : memref<!tpu.dma_semaphore, #tpu.memory_space<semaphore_mem>>)
    %add3A_42 = arith.constant 64 : i32
    %add3A_43 = arith.addi %mul3A_2, %add3A_42 : i32
    %jit3A_44 = arith.constant 8 : i32
    %div3A_45 = arith.divsi %add3A_43, %jit3A_44 : i32
    %sign3A_46 = arith.constant 0 : i32
    %sign3A_47 = arith.cmpi sgt, %add3A_43, %sign3A_46 : i32
    %sign3A_48 = arith.extui %sign3A_47 : i1 to i32
    %sign3A_49 = arith.constant 0 : i32
    %sign3A_50 = arith.cmpi slt, %add3A_43, %sign3A_49 : i32
    %sign3A_51 = arith.extui %sign3A_50 : i1 to i32
    %sign3A_52 = arith.subi %sign3A_48, %sign3A_51 : i32
    %sign3A_53 = arith.constant 0 : i32
    %sign3A_54 = arith.cmpi sgt, %jit3A_44, %sign3A_53 : i32
    %sign3A_55 = arith.extui %sign3A_54 : i1 to i32
    %sign3A_56 = arith.constant 0 : i32
    %sign3A_57 = arith.cmpi slt, %jit3A_44, %sign3A_56 : i32
    %sign3A_58 = arith.extui %sign3A_57 : i1 to i32
    %sign3A_59 = arith.subi %sign3A_55, %sign3A_58 : i32
    %ne3A_60 = arith.cmpi ne, %sign3A_52, %sign3A_59 : i32
    %rem3A_61 = arith.remsi %add3A_43, %jit3A_44 : i32
    %ne3A_62 = arith.constant 0 : i32
    %ne3A_63 = arith.cmpi ne, %rem3A_61, %ne3A_62 : i32
    %and3A_64 = arith.andi %ne3A_60, %ne3A_63 : i1
    %sub3A_65 = arith.constant 1 : i32
    %sub3A_66 = arith.subi %div3A_45, %sub3A_65 : i32
    %select_n3A_67 = arith.select %and3A_64, %sub3A_66, %div3A_45 : i32
    %dma_start3A_68 = arith.constant 1 : i32
    %dma_start3A_69 = arith.constant 1 : i32
    %dma_start3A_70 = arith.constant 0 : i32
    %dma_start3A_71 = arith.constant 0 : i32
    %dma_start3A_72 = arith.constant 0 : i32
    %dma_start3A_73 = tpu.memref_slice %arg4[%dma_start3A_68, %dma_start3A_70, %dma_start3A_71, %dma_start3A_72] : memref<2x8x8x512xf32, #tpu.memory_space<vmem>> -> memref<1x8x8x512xf32, #tpu.memory_space<vmem>>
    %dma_start3A_74 = tpu.memref_squeeze %dma_start3A_73 : memref<1x8x8x512xf32, #tpu.memory_space<vmem>> -> memref<8x8x512xf32, #tpu.memory_space<vmem>>
    %dma_start3A_75 = tpu.memref_reshape %arg2 : memref<8192x512xf32, #tpu.memory_space<hbm>> -> memref<1024x8x512xf32, #tpu.memory_space<hbm>>
    %dma_start3A_76 = arith.constant 0 : i32
    %dma_start3A_77 = arith.constant 0 : i32
    %dma_start3A_78 = tpu.memref_slice %dma_start3A_75[%select_n3A_67, %dma_start3A_76, %dma_start3A_77] : memref<1024x8x512xf32, #tpu.memory_space<hbm>> -> memref<8x8x512xf32, #tpu.memory_space<hbm>>
    %dma_start3A_79 = tpu.memref_slice %arg5[%dma_start3A_69] : memref<2x!tpu.dma_semaphore, #tpu.memory_space<semaphore_mem>> -> memref<1x!tpu.dma_semaphore, #tpu.memory_space<semaphore_mem>>
    %dma_start3A_80 = tpu.memref_squeeze %dma_start3A_79 : memref<1x!tpu.dma_semaphore, #tpu.memory_space<semaphore_mem>> -> memref<!tpu.dma_semaphore, #tpu.memory_space<semaphore_mem>>
    %dma_start3A_81 = arith.constant 0 : i32
    %dma_start3A_82 = arith.constant 0 : i32
    %dma_start3A_83 = arith.constant 0 : i32
    %dma_start3A_84 = tpu.memref_slice %arg4[%dma_start3A_68, %dma_start3A_81, %dma_start3A_82, %dma_start3A_83] : memref<2x8x8x512xf32, #tpu.memory_space<vmem>> -> memref<1x8x8x512xf32, #tpu.memory_space<vmem>>
    %dma_start3A_85 = tpu.memref_squeeze %dma_start3A_84 : memref<1x8x8x512xf32, #tpu.memory_space<vmem>> -> memref<8x8x512xf32, #tpu.memory_space<vmem>>
    %dma_start3A_86 = tpu.memref_reshape %arg2 : memref<8192x512xf32, #tpu.memory_space<hbm>> -> memref<1024x8x512xf32, #tpu.memory_space<hbm>>
    %dma_start3A_87 = arith.constant 0 : i32
    %dma_start3A_88 = arith.constant 0 : i32
    %dma_start3A_89 = tpu.memref_slice %dma_start3A_86[%select_n3A_67, %dma_start3A_87, %dma_start3A_88] : memref<1024x8x512xf32, #tpu.memory_space<hbm>> -> memref<8x8x512xf32, #tpu.memory_space<hbm>>
    tpu.enqueue_dma source(%dma_start3A_89 : memref<8x8x512xf32, #tpu.memory_space<hbm>>) target(%dma_start3A_85 : memref<8x8x512xf32, #tpu.memory_space<vmem>>) target_semaphore(%dma_start3A_80 : memref<!tpu.dma_semaphore, #tpu.memory_space<semaphore_mem>>)
    %add3A_90 = arith.constant 0 : i32
    %add3A_91 = arith.addi %mul3A_2, %add3A_90 : i32
    %jit3A_92 = arith.constant 8 : i32
    %div3A_93 = arith.divsi %add3A_91, %jit3A_92 : i32
    %sign3A_94 = arith.constant 0 : i32
    %sign3A_95 = arith.cmpi sgt, %add3A_91, %sign3A_94 : i32
    %sign3A_96 = arith.extui %sign3A_95 : i1 to i32
    %sign3A_97 = arith.constant 0 : i32
    %sign3A_98 = arith.cmpi slt, %add3A_91, %sign3A_97 : i32
    %sign3A_99 = arith.extui %sign3A_98 : i1 to i32
    %sign3A_100 = arith.subi %sign3A_96, %sign3A_99 : i32
    %sign3A_101 = arith.constant 0 : i32
    %sign3A_102 = arith.cmpi sgt, %jit3A_92, %sign3A_101 : i32
    %sign3A_103 = arith.extui %sign3A_102 : i1 to i32
    %sign3A_104 = arith.constant 0 : i32
    %sign3A_105 = arith.cmpi slt, %jit3A_92, %sign3A_104 : i32
    %sign3A_106 = arith.extui %sign3A_105 : i1 to i32
    %sign3A_107 = arith.subi %sign3A_103, %sign3A_106 : i32
    %ne3A_108 = arith.cmpi ne, %sign3A_100, %sign3A_107 : i32
    %rem3A_109 = arith.remsi %add3A_91, %jit3A_92 : i32
    %ne3A_110 = arith.constant 0 : i32
    %ne3A_111 = arith.cmpi ne, %rem3A_109, %ne3A_110 : i32
    %and3A_112 = arith.andi %ne3A_108, %ne3A_111 : i1
    %sub3A_113 = arith.constant 1 : i32
    %sub3A_114 = arith.subi %div3A_93, %sub3A_113 : i32
    %select_n3A_115 = arith.select %and3A_112, %sub3A_114, %div3A_93 : i32
    %dma_wait3A = arith.constant 0 : i32
    %dma_wait3A_116 = arith.constant 0 : i32
    %dma_wait3A_117 = arith.constant 0 : i32
    %dma_wait3A_118 = arith.constant 0 : i32
    %dma_wait3A_119 = arith.constant 0 : i32
    %dma_wait3A_120 = tpu.memref_slice %arg4[%dma_wait3A, %dma_wait3A_117, %dma_wait3A_118, %dma_wait3A_119] : memref<2x8x8x512xf32, #tpu.memory_space<vmem>> -> memref<1x8x8x512xf32, #tpu.memory_space<vmem>>
    %dma_wait3A_121 = tpu.memref_squeeze %dma_wait3A_120 : memref<1x8x8x512xf32, #tpu.memory_space<vmem>> -> memref<8x8x512xf32, #tpu.memory_space<vmem>>
    %dma_wait3A_122 = tpu.memref_reshape %arg2 : memref<8192x512xf32, #tpu.memory_space<hbm>> -> memref<1024x8x512xf32, #tpu.memory_space<hbm>>
    %dma_wait3A_123 = arith.constant 0 : i32
    %dma_wait3A_124 = arith.constant 0 : i32
    %dma_wait3A_125 = tpu.memref_slice %dma_wait3A_122[%select_n3A_115, %dma_wait3A_123, %dma_wait3A_124] : memref<1024x8x512xf32, #tpu.memory_space<hbm>> -> memref<8x8x512xf32, #tpu.memory_space<hbm>>
    %dma_wait3A_126 = tpu.memref_slice %arg5[%dma_wait3A_116] : memref<2x!tpu.dma_semaphore, #tpu.memory_space<semaphore_mem>> -> memref<1x!tpu.dma_semaphore, #tpu.memory_space<semaphore_mem>>
    %dma_wait3A_127 = tpu.memref_squeeze %dma_wait3A_126 : memref<1x!tpu.dma_semaphore, #tpu.memory_space<semaphore_mem>> -> memref<!tpu.dma_semaphore, #tpu.memory_space<semaphore_mem>>
    %dma_wait3A_128 = arith.constant 0 : i32
    %dma_wait3A_129 = arith.constant 0 : i32
    %dma_wait3A_130 = arith.constant 0 : i32
    %dma_wait3A_131 = tpu.memref_slice %arg4[%dma_wait3A, %dma_wait3A_128, %dma_wait3A_129, %dma_wait3A_130] : memref<2x8x8x512xf32, #tpu.memory_space<vmem>> -> memref<1x8x8x512xf32, #tpu.memory_space<vmem>>
    %dma_wait3A_132 = tpu.memref_squeeze %dma_wait3A_131 : memref<1x8x8x512xf32, #tpu.memory_space<vmem>> -> memref<8x8x512xf32, #tpu.memory_space<vmem>>
    %dma_wait3A_133 = tpu.memref_reshape %arg2 : memref<8192x512xf32, #tpu.memory_space<hbm>> -> memref<1024x8x512xf32, #tpu.memory_space<hbm>>
    %dma_wait3A_134 = arith.constant 0 : i32
    %dma_wait3A_135 = arith.constant 0 : i32
    %dma_wait3A_136 = tpu.memref_slice %dma_wait3A_133[%select_n3A_115, %dma_wait3A_134, %dma_wait3A_135] : memref<1024x8x512xf32, #tpu.memory_space<hbm>> -> memref<8x8x512xf32, #tpu.memory_space<hbm>>
    tpu.wait_dma2 semaphore(%dma_wait3A_127 : memref<!tpu.dma_semaphore, #tpu.memory_space<semaphore_mem>>) src(%dma_wait3A_136 : memref<8x8x512xf32, #tpu.memory_space<hbm>>) dst(%dma_wait3A_132 : memref<8x8x512xf32, #tpu.memory_space<vmem>>)
    %scan3A = arith.constant 0 : i32
    %scan3A_137 = arith.constant 0 : i32
    %scan3A_138 = arith.constant 32 : i32
    %scan3A_139 = arith.addi %scan3A_137, %scan3A_138 : i32
    %scan3A_140 = arith.constant 1 : i32
    %scan3A_141 = scf.for %scan3A_432 = %scan3A_137 to %scan3A_139 step %scan3A_140 iter_args(%scan3A_433 = %scan3A) -> (i32)  : i32 {
      %jit3A_434 = arith.constant 4 : i32
      %div3A_435 = arith.divsi %scan3A_432, %jit3A_434 : i32
      %sign3A_436 = arith.constant 0 : i32
      %sign3A_437 = arith.cmpi sgt, %scan3A_432, %sign3A_436 : i32
      %sign3A_438 = arith.extui %sign3A_437 : i1 to i32
      %sign3A_439 = arith.constant 0 : i32
      %sign3A_440 = arith.cmpi slt, %scan3A_432, %sign3A_439 : i32
      %sign3A_441 = arith.extui %sign3A_440 : i1 to i32
      %sign3A_442 = arith.subi %sign3A_438, %sign3A_441 : i32
      %sign3A_443 = arith.constant 0 : i32
      %sign3A_444 = arith.cmpi sgt, %jit3A_434, %sign3A_443 : i32
      %sign3A_445 = arith.extui %sign3A_444 : i1 to i32
      %sign3A_446 = arith.constant 0 : i32
      %sign3A_447 = arith.cmpi slt, %jit3A_434, %sign3A_446 : i32
      %sign3A_448 = arith.extui %sign3A_447 : i1 to i32
      %sign3A_449 = arith.subi %sign3A_445, %sign3A_448 : i32
      %ne3A_450 = arith.cmpi ne, %sign3A_442, %sign3A_449 : i32
      %rem3A_451 = arith.remsi %scan3A_432, %jit3A_434 : i32
      %ne3A_452 = arith.constant 0 : i32
      %ne3A_453 = arith.cmpi ne, %rem3A_451, %ne3A_452 : i32
      %and3A_454 = arith.andi %ne3A_450, %ne3A_453 : i1
      %sub3A_455 = arith.constant 1 : i32
      %sub3A_456 = arith.subi %div3A_435, %sub3A_455 : i32
      %select_n3A_457 = arith.select %and3A_454, %sub3A_456, %div3A_435 : i32
      %rem3A_458 = arith.constant 4 : i32
      %rem3A_459 = arith.remsi %scan3A_432, %rem3A_458 : i32
      %add3A_460 = arith.constant 0 : i32
      %add3A_461 = arith.addi %mul3A_2, %add3A_460 : i32
      %jit3A_462 = arith.constant 8 : i32
      %div3A_463 = arith.divsi %add3A_461, %jit3A_462 : i32
      %sign3A_464 = arith.constant 0 : i32
      %sign3A_465 = arith.cmpi sgt, %add3A_461, %sign3A_464 : i32
      %sign3A_466 = arith.extui %sign3A_465 : i1 to i32
      %sign3A_467 = arith.constant 0 : i32
      %sign3A_468 = arith.cmpi slt, %add3A_461, %sign3A_467 : i32
      %sign3A_469 = arith.extui %sign3A_468 : i1 to i32
      %sign3A_470 = arith.subi %sign3A_466, %sign3A_469 : i32
      %sign3A_471 = arith.constant 0 : i32
      %sign3A_472 = arith.cmpi sgt, %jit3A_462, %sign3A_471 : i32
      %sign3A_473 = arith.extui %sign3A_472 : i1 to i32
      %sign3A_474 = arith.constant 0 : i32
      %sign3A_475 = arith.cmpi slt, %jit3A_462, %sign3A_474 : i32
      %sign3A_476 = arith.extui %sign3A_475 : i1 to i32
      %sign3A_477 = arith.subi %sign3A_473, %sign3A_476 : i32
      %ne3A_478 = arith.cmpi ne, %sign3A_470, %sign3A_477 : i32
      %rem3A_479 = arith.remsi %add3A_461, %jit3A_462 : i32
      %ne3A_480 = arith.constant 0 : i32
      %ne3A_481 = arith.cmpi ne, %rem3A_479, %ne3A_480 : i32
      %and3A_482 = arith.andi %ne3A_478, %ne3A_481 : i1
      %sub3A_483 = arith.constant 1 : i32
      %sub3A_484 = arith.subi %div3A_463, %sub3A_483 : i32
      %select_n3A_485 = arith.select %and3A_482, %sub3A_484, %div3A_463 : i32
      %mul3A_486 = arith.constant 4 : i32
      %mul3A_487 = arith.muli %mul3A_486, %select_n3A_457 : i32
      %add3A_488 = arith.addi %mul3A_487, %rem3A_459 : i32
      %dma_start3A_489 = arith.constant 0 : i32
      %dma_start3A_490 = arith.constant 0 : i32
      %dma_start3A_491 = arith.constant 0 : i32
      %dma_start3A_492 = arith.constant 0 : i32
      %dma_start3A_493 = tpu.memref_slice %arg4[%dma_start3A_489, %dma_start3A_491, %select_n3A_457, %dma_start3A_492] : memref<2x8x8x512xf32, #tpu.memory_space<vmem>> -> memref<1x8x1x512xf32, #tpu.memory_space<vmem>>
      %dma_start3A_494 = tpu.memref_squeeze %dma_start3A_493 : memref<1x8x1x512xf32, #tpu.memory_space<vmem>> -> memref<8x1x512xf32, #tpu.memory_space<vmem>>
      %dma_start3A_495 = tpu.memref_reshape %arg3 : memref<32768x512xf32, #tpu.memory_space<hbm>> -> memref<1024x32x512xf32, #tpu.memory_space<hbm>>
      %dma_start3A_496 = arith.constant 0 : i32
      %dma_start3A_497 = tpu.memref_slice %dma_start3A_495[%select_n3A_485, %add3A_488, %dma_start3A_496] : memref<1024x32x512xf32, #tpu.memory_space<hbm>> -> memref<8x1x512xf32, #tpu.memory_space<hbm>>
      %dma_start3A_498 = tpu.memref_slice %arg6[%dma_start3A_490] : memref<2x!tpu.dma_semaphore, #tpu.memory_space<semaphore_mem>> -> memref<1x!tpu.dma_semaphore, #tpu.memory_space<semaphore_mem>>
      %dma_start3A_499 = tpu.memref_squeeze %dma_start3A_498 : memref<1x!tpu.dma_semaphore, #tpu.memory_space<semaphore_mem>> -> memref<!tpu.dma_semaphore, #tpu.memory_space<semaphore_mem>>
      %dma_start3A_500 = tpu.memref_reshape %arg3 : memref<32768x512xf32, #tpu.memory_space<hbm>> -> memref<1024x32x512xf32, #tpu.memory_space<hbm>>
      %dma_start3A_501 = arith.constant 0 : i32
      %dma_start3A_502 = tpu.memref_slice %dma_start3A_500[%select_n3A_485, %add3A_488, %dma_start3A_501] : memref<1024x32x512xf32, #tpu.memory_space<hbm>> -> memref<8x1x512xf32, #tpu.memory_space<hbm>>
      %dma_start3A_503 = arith.constant 0 : i32
      %dma_start3A_504 = arith.constant 0 : i32
      %dma_start3A_505 = tpu.memref_slice %arg4[%dma_start3A_489, %dma_start3A_503, %select_n3A_457, %dma_start3A_504] : memref<2x8x8x512xf32, #tpu.memory_space<vmem>> -> memref<1x8x1x512xf32, #tpu.memory_space<vmem>>
      %dma_start3A_506 = tpu.memref_squeeze %dma_start3A_505 : memref<1x8x1x512xf32, #tpu.memory_space<vmem>> -> memref<8x1x512xf32, #tpu.memory_space<vmem>>
      tpu.enqueue_dma source(%dma_start3A_506 : memref<8x1x512xf32, #tpu.memory_space<vmem>>) target(%dma_start3A_502 : memref<8x1x512xf32, #tpu.memory_space<hbm>>) target_semaphore(%dma_start3A_499 : memref<!tpu.dma_semaphore, #tpu.memory_space<semaphore_mem>>)
      %scan3A_507 = arith.constant 0 : i32
      scf.yield %scan3A_507 : i32
    }
    %scan3A_142 = arith.constant 32 : i32
    %scan3A_143 = arith.constant 0 : i32
    %scan3A_144 = arith.constant 0 : i32
    %scan3A_145 = arith.constant 32 : i32
    %scan3A_146 = arith.addi %scan3A_144, %scan3A_145 : i32
    %scan3A_147 = arith.constant 1 : i32
    %scan3A_148 = scf.for %scan3A_432 = %scan3A_144 to %scan3A_146 step %scan3A_147 iter_args(%scan3A_433 = %scan3A_143) -> (i32)  : i32 {
      %add3A_434 = arith.constant 0 : i32
      %add3A_435 = arith.addi %mul3A_2, %add3A_434 : i32
      %jit3A_436 = arith.constant 8 : i32
      %div3A_437 = arith.divsi %add3A_435, %jit3A_436 : i32
      %sign3A_438 = arith.constant 0 : i32
      %sign3A_439 = arith.cmpi sgt, %add3A_435, %sign3A_438 : i32
      %sign3A_440 = arith.extui %sign3A_439 : i1 to i32
      %sign3A_441 = arith.constant 0 : i32
      %sign3A_442 = arith.cmpi slt, %add3A_435, %sign3A_441 : i32
      %sign3A_443 = arith.extui %sign3A_442 : i1 to i32
      %sign3A_444 = arith.subi %sign3A_440, %sign3A_443 : i32
      %sign3A_445 = arith.constant 0 : i32
      %sign3A_446 = arith.cmpi sgt, %jit3A_436, %sign3A_445 : i32
      %sign3A_447 = arith.extui %sign3A_446 : i1 to i32
      %sign3A_448 = arith.constant 0 : i32
      %sign3A_449 = arith.cmpi slt, %jit3A_436, %sign3A_448 : i32
      %sign3A_450 = arith.extui %sign3A_449 : i1 to i32
      %sign3A_451 = arith.subi %sign3A_447, %sign3A_450 : i32
      %ne3A_452 = arith.cmpi ne, %sign3A_444, %sign3A_451 : i32
      %rem3A_453 = arith.remsi %add3A_435, %jit3A_436 : i32
      %ne3A_454 = arith.constant 0 : i32
      %ne3A_455 = arith.cmpi ne, %rem3A_453, %ne3A_454 : i32
      %and3A_456 = arith.andi %ne3A_452, %ne3A_455 : i1
      %sub3A_457 = arith.constant 1 : i32
      %sub3A_458 = arith.subi %div3A_437, %sub3A_457 : i32
      %select_n3A_459 = arith.select %and3A_456, %sub3A_458, %div3A_437 : i32
      %dma_wait3A_460 = arith.constant 0 : i32
      %dma_wait3A_461 = arith.constant 0 : i32
      %dma_wait3A_462 = arith.constant 0 : i32
      %dma_wait3A_463 = arith.constant 0 : i32
      %dma_wait3A_464 = arith.constant 0 : i32
      %dma_wait3A_465 = tpu.memref_slice %arg4[%dma_wait3A_460, %dma_wait3A_462, %dma_wait3A_463, %dma_wait3A_464] : memref<2x8x8x512xf32, #tpu.memory_space<vmem>> -> memref<1x8x1x512xf32, #tpu.memory_space<vmem>>
      %dma_wait3A_466 = tpu.memref_squeeze %dma_wait3A_465 : memref<1x8x1x512xf32, #tpu.memory_space<vmem>> -> memref<8x1x512xf32, #tpu.memory_space<vmem>>
      %dma_wait3A_467 = tpu.memref_reshape %arg3 : memref<32768x512xf32, #tpu.memory_space<hbm>> -> memref<1024x32x512xf32, #tpu.memory_space<hbm>>
      %dma_wait3A_468 = arith.constant 0 : i32
      %dma_wait3A_469 = arith.constant 0 : i32
      %dma_wait3A_470 = tpu.memref_slice %dma_wait3A_467[%select_n3A_459, %dma_wait3A_468, %dma_wait3A_469] : memref<1024x32x512xf32, #tpu.memory_space<hbm>> -> memref<8x1x512xf32, #tpu.memory_space<hbm>>
      %dma_wait3A_471 = tpu.memref_slice %arg6[%dma_wait3A_461] : memref<2x!tpu.dma_semaphore, #tpu.memory_space<semaphore_mem>> -> memref<1x!tpu.dma_semaphore, #tpu.memory_space<semaphore_mem>>
      %dma_wait3A_472 = tpu.memref_squeeze %dma_wait3A_471 : memref<1x!tpu.dma_semaphore, #tpu.memory_space<semaphore_mem>> -> memref<!tpu.dma_semaphore, #tpu.memory_space<semaphore_mem>>
      %dma_wait3A_473 = tpu.memref_reshape %arg3 : memref<32768x512xf32, #tpu.memory_space<hbm>> -> memref<1024x32x512xf32, #tpu.memory_space<hbm>>
      %dma_wait3A_474 = arith.constant 0 : i32
      %dma_wait3A_475 = arith.constant 0 : i32
      %dma_wait3A_476 = tpu.memref_slice %dma_wait3A_473[%select_n3A_459, %dma_wait3A_474, %dma_wait3A_475] : memref<1024x32x512xf32, #tpu.memory_space<hbm>> -> memref<8x1x512xf32, #tpu.memory_space<hbm>>
      %dma_wait3A_477 = arith.constant 0 : i32
      %dma_wait3A_478 = arith.constant 0 : i32
      %dma_wait3A_479 = arith.constant 0 : i32
      %dma_wait3A_480 = tpu.memref_slice %arg4[%dma_wait3A_460, %dma_wait3A_477, %dma_wait3A_478, %dma_wait3A_479] : memref<2x8x8x512xf32, #tpu.memory_space<vmem>> -> memref<1x8x1x512xf32, #tpu.memory_space<vmem>>
      %dma_wait3A_481 = tpu.memref_squeeze %dma_wait3A_480 : memref<1x8x1x512xf32, #tpu.memory_space<vmem>> -> memref<8x1x512xf32, #tpu.memory_space<vmem>>
      tpu.wait_dma2 semaphore(%dma_wait3A_472 : memref<!tpu.dma_semaphore, #tpu.memory_space<semaphore_mem>>) src(%dma_wait3A_481 : memref<8x1x512xf32, #tpu.memory_space<vmem>>) dst(%dma_wait3A_476 : memref<8x1x512xf32, #tpu.memory_space<hbm>>)
      %scan3A_482 = arith.constant 0 : i32
      scf.yield %scan3A_482 : i32
    }
    %scan3A_149 = arith.constant 32 : i32
    %add3A_150 = arith.constant 128 : i32
    %add3A_151 = arith.addi %mul3A_2, %add3A_150 : i32
    %jit3A_152 = arith.constant 8 : i32
    %div3A_153 = arith.divsi %add3A_151, %jit3A_152 : i32
    %sign3A_154 = arith.constant 0 : i32
    %sign3A_155 = arith.cmpi sgt, %add3A_151, %sign3A_154 : i32
    %sign3A_156 = arith.extui %sign3A_155 : i1 to i32
    %sign3A_157 = arith.constant 0 : i32
    %sign3A_158 = arith.cmpi slt, %add3A_151, %sign3A_157 : i32
    %sign3A_159 = arith.extui %sign3A_158 : i1 to i32
    %sign3A_160 = arith.subi %sign3A_156, %sign3A_159 : i32
    %sign3A_161 = arith.constant 0 : i32
    %sign3A_162 = arith.cmpi sgt, %jit3A_152, %sign3A_161 : i32
    %sign3A_163 = arith.extui %sign3A_162 : i1 to i32
    %sign3A_164 = arith.constant 0 : i32
    %sign3A_165 = arith.cmpi slt, %jit3A_152, %sign3A_164 : i32
    %sign3A_166 = arith.extui %sign3A_165 : i1 to i32
    %sign3A_167 = arith.subi %sign3A_163, %sign3A_166 : i32
    %ne3A_168 = arith.cmpi ne, %sign3A_160, %sign3A_167 : i32
    %rem3A_169 = arith.remsi %add3A_151, %jit3A_152 : i32
    %ne3A_170 = arith.constant 0 : i32
    %ne3A_171 = arith.cmpi ne, %rem3A_169, %ne3A_170 : i32
    %and3A_172 = arith.andi %ne3A_168, %ne3A_171 : i1
    %sub3A_173 = arith.constant 1 : i32
    %sub3A_174 = arith.subi %div3A_153, %sub3A_173 : i32
    %select_n3A_175 = arith.select %and3A_172, %sub3A_174, %div3A_153 : i32
    %dma_start3A_176 = arith.constant 0 : i32
    %dma_start3A_177 = arith.constant 0 : i32
    %dma_start3A_178 = arith.constant 0 : i32
    %dma_start3A_179 = arith.constant 0 : i32
    %dma_start3A_180 = arith.constant 0 : i32
    %dma_start3A_181 = tpu.memref_slice %arg4[%dma_start3A_176, %dma_start3A_178, %dma_start3A_179, %dma_start3A_180] : memref<2x8x8x512xf32, #tpu.memory_space<vmem>> -> memref<1x8x8x512xf32, #tpu.memory_space<vmem>>
    %dma_start3A_182 = tpu.memref_squeeze %dma_start3A_181 : memref<1x8x8x512xf32, #tpu.memory_space<vmem>> -> memref<8x8x512xf32, #tpu.memory_space<vmem>>
    %dma_start3A_183 = tpu.memref_reshape %arg2 : memref<8192x512xf32, #tpu.memory_space<hbm>> -> memref<1024x8x512xf32, #tpu.memory_space<hbm>>
    %dma_start3A_184 = arith.constant 0 : i32
    %dma_start3A_185 = arith.constant 0 : i32
    %dma_start3A_186 = tpu.memref_slice %dma_start3A_183[%select_n3A_175, %dma_start3A_184, %dma_start3A_185] : memref<1024x8x512xf32, #tpu.memory_space<hbm>> -> memref<8x8x512xf32, #tpu.memory_space<hbm>>
    %dma_start3A_187 = tpu.memref_slice %arg5[%dma_start3A_177] : memref<2x!tpu.dma_semaphore, #tpu.memory_space<semaphore_mem>> -> memref<1x!tpu.dma_semaphore, #tpu.memory_space<semaphore_mem>>
    %dma_start3A_188 = tpu.memref_squeeze %dma_start3A_187 : memref<1x!tpu.dma_semaphore, #tpu.memory_space<semaphore_mem>> -> memref<!tpu.dma_semaphore, #tpu.memory_space<semaphore_mem>>
    %dma_start3A_189 = arith.constant 0 : i32
    %dma_start3A_190 = arith.constant 0 : i32
    %dma_start3A_191 = arith.constant 0 : i32
    %dma_start3A_192 = tpu.memref_slice %arg4[%dma_start3A_176, %dma_start3A_189, %dma_start3A_190, %dma_start3A_191] : memref<2x8x8x512xf32, #tpu.memory_space<vmem>> -> memref<1x8x8x512xf32, #tpu.memory_space<vmem>>
    %dma_start3A_193 = tpu.memref_squeeze %dma_start3A_192 : memref<1x8x8x512xf32, #tpu.memory_space<vmem>> -> memref<8x8x512xf32, #tpu.memory_space<vmem>>
    %dma_start3A_194 = tpu.memref_reshape %arg2 : memref<8192x512xf32, #tpu.memory_space<hbm>> -> memref<1024x8x512xf32, #tpu.memory_space<hbm>>
    %dma_start3A_195 = arith.constant 0 : i32
    %dma_start3A_196 = arith.constant 0 : i32
    %dma_start3A_197 = tpu.memref_slice %dma_start3A_194[%select_n3A_175, %dma_start3A_195, %dma_start3A_196] : memref<1024x8x512xf32, #tpu.memory_space<hbm>> -> memref<8x8x512xf32, #tpu.memory_space<hbm>>
    tpu.enqueue_dma source(%dma_start3A_197 : memref<8x8x512xf32, #tpu.memory_space<hbm>>) target(%dma_start3A_193 : memref<8x8x512xf32, #tpu.memory_space<vmem>>) target_semaphore(%dma_start3A_188 : memref<!tpu.dma_semaphore, #tpu.memory_space<semaphore_mem>>)
    %add3A_198 = arith.constant 64 : i32
    %add3A_199 = arith.addi %mul3A_2, %add3A_198 : i32
    %jit3A_200 = arith.constant 8 : i32
    %div3A_201 = arith.divsi %add3A_199, %jit3A_200 : i32
    %sign3A_202 = arith.constant 0 : i32
    %sign3A_203 = arith.cmpi sgt, %add3A_199, %sign3A_202 : i32
    %sign3A_204 = arith.extui %sign3A_203 : i1 to i32
    %sign3A_205 = arith.constant 0 : i32
    %sign3A_206 = arith.cmpi slt, %add3A_199, %sign3A_205 : i32
    %sign3A_207 = arith.extui %sign3A_206 : i1 to i32
    %sign3A_208 = arith.subi %sign3A_204, %sign3A_207 : i32
    %sign3A_209 = arith.constant 0 : i32
    %sign3A_210 = arith.cmpi sgt, %jit3A_200, %sign3A_209 : i32
    %sign3A_211 = arith.extui %sign3A_210 : i1 to i32
    %sign3A_212 = arith.constant 0 : i32
    %sign3A_213 = arith.cmpi slt, %jit3A_200, %sign3A_212 : i32
    %sign3A_214 = arith.extui %sign3A_213 : i1 to i32
    %sign3A_215 = arith.subi %sign3A_211, %sign3A_214 : i32
    %ne3A_216 = arith.cmpi ne, %sign3A_208, %sign3A_215 : i32
    %rem3A_217 = arith.remsi %add3A_199, %jit3A_200 : i32
    %ne3A_218 = arith.constant 0 : i32
    %ne3A_219 = arith.cmpi ne, %rem3A_217, %ne3A_218 : i32
    %and3A_220 = arith.andi %ne3A_216, %ne3A_219 : i1
    %sub3A_221 = arith.constant 1 : i32
    %sub3A_222 = arith.subi %div3A_201, %sub3A_221 : i32
    %select_n3A_223 = arith.select %and3A_220, %sub3A_222, %div3A_201 : i32
    %dma_wait3A_224 = arith.constant 1 : i32
    %dma_wait3A_225 = arith.constant 1 : i32
    %dma_wait3A_226 = arith.constant 0 : i32
    %dma_wait3A_227 = arith.constant 0 : i32
    %dma_wait3A_228 = arith.constant 0 : i32
    %dma_wait3A_229 = tpu.memref_slice %arg4[%dma_wait3A_224, %dma_wait3A_226, %dma_wait3A_227, %dma_wait3A_228] : memref<2x8x8x512xf32, #tpu.memory_space<vmem>> -> memref<1x8x8x512xf32, #tpu.memory_space<vmem>>
    %dma_wait3A_230 = tpu.memref_squeeze %dma_wait3A_229 : memref<1x8x8x512xf32, #tpu.memory_space<vmem>> -> memref<8x8x512xf32, #tpu.memory_space<vmem>>
    %dma_wait3A_231 = tpu.memref_reshape %arg2 : memref<8192x512xf32, #tpu.memory_space<hbm>> -> memref<1024x8x512xf32, #tpu.memory_space<hbm>>
    %dma_wait3A_232 = arith.constant 0 : i32
    %dma_wait3A_233 = arith.constant 0 : i32
    %dma_wait3A_234 = tpu.memref_slice %dma_wait3A_231[%select_n3A_223, %dma_wait3A_232, %dma_wait3A_233] : memref<1024x8x512xf32, #tpu.memory_space<hbm>> -> memref<8x8x512xf32, #tpu.memory_space<hbm>>
    %dma_wait3A_235 = tpu.memref_slice %arg5[%dma_wait3A_225] : memref<2x!tpu.dma_semaphore, #tpu.memory_space<semaphore_mem>> -> memref<1x!tpu.dma_semaphore, #tpu.memory_space<semaphore_mem>>
    %dma_wait3A_236 = tpu.memref_squeeze %dma_wait3A_235 : memref<1x!tpu.dma_semaphore, #tpu.memory_space<semaphore_mem>> -> memref<!tpu.dma_semaphore, #tpu.memory_space<semaphore_mem>>
    %dma_wait3A_237 = arith.constant 0 : i32
    %dma_wait3A_238 = arith.constant 0 : i32
    %dma_wait3A_239 = arith.constant 0 : i32
    %dma_wait3A_240 = tpu.memref_slice %arg4[%dma_wait3A_224, %dma_wait3A_237, %dma_wait3A_238, %dma_wait3A_239] : memref<2x8x8x512xf32, #tpu.memory_space<vmem>> -> memref<1x8x8x512xf32, #tpu.memory_space<vmem>>
    %dma_wait3A_241 = tpu.memref_squeeze %dma_wait3A_240 : memref<1x8x8x512xf32, #tpu.memory_space<vmem>> -> memref<8x8x512xf32, #tpu.memory_space<vmem>>
    %dma_wait3A_242 = tpu.memref_reshape %arg2 : memref<8192x512xf32, #tpu.memory_space<hbm>> -> memref<1024x8x512xf32, #tpu.memory_space<hbm>>
    %dma_wait3A_243 = arith.constant 0 : i32
    %dma_wait3A_244 = arith.constant 0 : i32
    %dma_wait3A_245 = tpu.memref_slice %dma_wait3A_242[%select_n3A_223, %dma_wait3A_243, %dma_wait3A_244] : memref<1024x8x512xf32, #tpu.memory_space<hbm>> -> memref<8x8x512xf32, #tpu.memory_space<hbm>>
    tpu.wait_dma2 semaphore(%dma_wait3A_236 : memref<!tpu.dma_semaphore, #tpu.memory_space<semaphore_mem>>) src(%dma_wait3A_245 : memref<8x8x512xf32, #tpu.memory_space<hbm>>) dst(%dma_wait3A_241 : memref<8x8x512xf32, #tpu.memory_space<vmem>>)
    %scan3A_246 = arith.constant 0 : i32
    %scan3A_247 = arith.constant 0 : i32
    %scan3A_248 = arith.constant 32 : i32
    %scan3A_249 = arith.addi %scan3A_247, %scan3A_248 : i32
    %scan3A_250 = arith.constant 1 : i32
    %scan3A_251 = scf.for %scan3A_432 = %scan3A_247 to %scan3A_249 step %scan3A_250 iter_args(%scan3A_433 = %scan3A_246) -> (i32)  : i32 {
      %jit3A_434 = arith.constant 4 : i32
      %div3A_435 = arith.divsi %scan3A_432, %jit3A_434 : i32
      %sign3A_436 = arith.constant 0 : i32
      %sign3A_437 = arith.cmpi sgt, %scan3A_432, %sign3A_436 : i32
      %sign3A_438 = arith.extui %sign3A_437 : i1 to i32
      %sign3A_439 = arith.constant 0 : i32
      %sign3A_440 = arith.cmpi slt, %scan3A_432, %sign3A_439 : i32
      %sign3A_441 = arith.extui %sign3A_440 : i1 to i32
      %sign3A_442 = arith.subi %sign3A_438, %sign3A_441 : i32
      %sign3A_443 = arith.constant 0 : i32
      %sign3A_444 = arith.cmpi sgt, %jit3A_434, %sign3A_443 : i32
      %sign3A_445 = arith.extui %sign3A_444 : i1 to i32
      %sign3A_446 = arith.constant 0 : i32
      %sign3A_447 = arith.cmpi slt, %jit3A_434, %sign3A_446 : i32
      %sign3A_448 = arith.extui %sign3A_447 : i1 to i32
      %sign3A_449 = arith.subi %sign3A_445, %sign3A_448 : i32
      %ne3A_450 = arith.cmpi ne, %sign3A_442, %sign3A_449 : i32
      %rem3A_451 = arith.remsi %scan3A_432, %jit3A_434 : i32
      %ne3A_452 = arith.constant 0 : i32
      %ne3A_453 = arith.cmpi ne, %rem3A_451, %ne3A_452 : i32
      %and3A_454 = arith.andi %ne3A_450, %ne3A_453 : i1
      %sub3A_455 = arith.constant 1 : i32
      %sub3A_456 = arith.subi %div3A_435, %sub3A_455 : i32
      %select_n3A_457 = arith.select %and3A_454, %sub3A_456, %div3A_435 : i32
      %rem3A_458 = arith.constant 4 : i32
      %rem3A_459 = arith.remsi %scan3A_432, %rem3A_458 : i32
      %add3A_460 = arith.constant 64 : i32
      %add3A_461 = arith.addi %mul3A_2, %add3A_460 : i32
      %jit3A_462 = arith.constant 8 : i32
      %div3A_463 = arith.divsi %add3A_461, %jit3A_462 : i32
      %sign3A_464 = arith.constant 0 : i32
      %sign3A_465 = arith.cmpi sgt, %add3A_461, %sign3A_464 : i32
      %sign3A_466 = arith.extui %sign3A_465 : i1 to i32
      %sign3A_467 = arith.constant 0 : i32
      %sign3A_468 = arith.cmpi slt, %add3A_461, %sign3A_467 : i32
      %sign3A_469 = arith.extui %sign3A_468 : i1 to i32
      %sign3A_470 = arith.subi %sign3A_466, %sign3A_469 : i32
      %sign3A_471 = arith.constant 0 : i32
      %sign3A_472 = arith.cmpi sgt, %jit3A_462, %sign3A_471 : i32
      %sign3A_473 = arith.extui %sign3A_472 : i1 to i32
      %sign3A_474 = arith.constant 0 : i32
      %sign3A_475 = arith.cmpi slt, %jit3A_462, %sign3A_474 : i32
      %sign3A_476 = arith.extui %sign3A_475 : i1 to i32
      %sign3A_477 = arith.subi %sign3A_473, %sign3A_476 : i32
      %ne3A_478 = arith.cmpi ne, %sign3A_470, %sign3A_477 : i32
      %rem3A_479 = arith.remsi %add3A_461, %jit3A_462 : i32
      %ne3A_480 = arith.constant 0 : i32
      %ne3A_481 = arith.cmpi ne, %rem3A_479, %ne3A_480 : i32
      %and3A_482 = arith.andi %ne3A_478, %ne3A_481 : i1
      %sub3A_483 = arith.constant 1 : i32
      %sub3A_484 = arith.subi %div3A_463, %sub3A_483 : i32
      %select_n3A_485 = arith.select %and3A_482, %sub3A_484, %div3A_463 : i32
      %mul3A_486 = arith.constant 4 : i32
      %mul3A_487 = arith.muli %mul3A_486, %select_n3A_457 : i32
      %add3A_488 = arith.addi %mul3A_487, %rem3A_459 : i32
      %dma_start3A_489 = arith.constant 1 : i32
      %dma_start3A_490 = arith.constant 1 : i32
      %dma_start3A_491 = arith.constant 0 : i32
      %dma_start3A_492 = arith.constant 0 : i32
      %dma_start3A_493 = tpu.memref_slice %arg4[%dma_start3A_489, %dma_start3A_491, %select_n3A_457, %dma_start3A_492] : memref<2x8x8x512xf32, #tpu.memory_space<vmem>> -> memref<1x8x1x512xf32, #tpu.memory_space<vmem>>
      %dma_start3A_494 = tpu.memref_squeeze %dma_start3A_493 : memref<1x8x1x512xf32, #tpu.memory_space<vmem>> -> memref<8x1x512xf32, #tpu.memory_space<vmem>>
      %dma_start3A_495 = tpu.memref_reshape %arg3 : memref<32768x512xf32, #tpu.memory_space<hbm>> -> memref<1024x32x512xf32, #tpu.memory_space<hbm>>
      %dma_start3A_496 = arith.constant 0 : i32
      %dma_start3A_497 = tpu.memref_slice %dma_start3A_495[%select_n3A_485, %add3A_488, %dma_start3A_496] : memref<1024x32x512xf32, #tpu.memory_space<hbm>> -> memref<8x1x512xf32, #tpu.memory_space<hbm>>
      %dma_start3A_498 = tpu.memref_slice %arg6[%dma_start3A_490] : memref<2x!tpu.dma_semaphore, #tpu.memory_space<semaphore_mem>> -> memref<1x!tpu.dma_semaphore, #tpu.memory_space<semaphore_mem>>
      %dma_start3A_499 = tpu.memref_squeeze %dma_start3A_498 : memref<1x!tpu.dma_semaphore, #tpu.memory_space<semaphore_mem>> -> memref<!tpu.dma_semaphore, #tpu.memory_space<semaphore_mem>>
      %dma_start3A_500 = tpu.memref_reshape %arg3 : memref<32768x512xf32, #tpu.memory_space<hbm>> -> memref<1024x32x512xf32, #tpu.memory_space<hbm>>
      %dma_start3A_501 = arith.constant 0 : i32
      %dma_start3A_502 = tpu.memref_slice %dma_start3A_500[%select_n3A_485, %add3A_488, %dma_start3A_501] : memref<1024x32x512xf32, #tpu.memory_space<hbm>> -> memref<8x1x512xf32, #tpu.memory_space<hbm>>
      %dma_start3A_503 = arith.constant 0 : i32
      %dma_start3A_504 = arith.constant 0 : i32
      %dma_start3A_505 = tpu.memref_slice %arg4[%dma_start3A_489, %dma_start3A_503, %select_n3A_457, %dma_start3A_504] : memref<2x8x8x512xf32, #tpu.memory_space<vmem>> -> memref<1x8x1x512xf32, #tpu.memory_space<vmem>>
      %dma_start3A_506 = tpu.memref_squeeze %dma_start3A_505 : memref<1x8x1x512xf32, #tpu.memory_space<vmem>> -> memref<8x1x512xf32, #tpu.memory_space<vmem>>
      tpu.enqueue_dma source(%dma_start3A_506 : memref<8x1x512xf32, #tpu.memory_space<vmem>>) target(%dma_start3A_502 : memref<8x1x512xf32, #tpu.memory_space<hbm>>) target_semaphore(%dma_start3A_499 : memref<!tpu.dma_semaphore, #tpu.memory_space<semaphore_mem>>)
      %scan3A_507 = arith.constant 0 : i32
      scf.yield %scan3A_507 : i32
    }
    %scan3A_252 = arith.constant 32 : i32
    %scan3A_253 = arith.constant 0 : i32
    %scan3A_254 = arith.constant 0 : i32
    %scan3A_255 = arith.constant 32 : i32
    %scan3A_256 = arith.addi %scan3A_254, %scan3A_255 : i32
    %scan3A_257 = arith.constant 1 : i32
    %scan3A_258 = scf.for %scan3A_432 = %scan3A_254 to %scan3A_256 step %scan3A_257 iter_args(%scan3A_433 = %scan3A_253) -> (i32)  : i32 {
      %add3A_434 = arith.constant 64 : i32
      %add3A_435 = arith.addi %mul3A_2, %add3A_434 : i32
      %jit3A_436 = arith.constant 8 : i32
      %div3A_437 = arith.divsi %add3A_435, %jit3A_436 : i32
      %sign3A_438 = arith.constant 0 : i32
      %sign3A_439 = arith.cmpi sgt, %add3A_435, %sign3A_438 : i32
      %sign3A_440 = arith.extui %sign3A_439 : i1 to i32
      %sign3A_441 = arith.constant 0 : i32
      %sign3A_442 = arith.cmpi slt, %add3A_435, %sign3A_441 : i32
      %sign3A_443 = arith.extui %sign3A_442 : i1 to i32
      %sign3A_444 = arith.subi %sign3A_440, %sign3A_443 : i32
      %sign3A_445 = arith.constant 0 : i32
      %sign3A_446 = arith.cmpi sgt, %jit3A_436, %sign3A_445 : i32
      %sign3A_447 = arith.extui %sign3A_446 : i1 to i32
      %sign3A_448 = arith.constant 0 : i32
      %sign3A_449 = arith.cmpi slt, %jit3A_436, %sign3A_448 : i32
      %sign3A_450 = arith.extui %sign3A_449 : i1 to i32
      %sign3A_451 = arith.subi %sign3A_447, %sign3A_450 : i32
      %ne3A_452 = arith.cmpi ne, %sign3A_444, %sign3A_451 : i32
      %rem3A_453 = arith.remsi %add3A_435, %jit3A_436 : i32
      %ne3A_454 = arith.constant 0 : i32
      %ne3A_455 = arith.cmpi ne, %rem3A_453, %ne3A_454 : i32
      %and3A_456 = arith.andi %ne3A_452, %ne3A_455 : i1
      %sub3A_457 = arith.constant 1 : i32
      %sub3A_458 = arith.subi %div3A_437, %sub3A_457 : i32
      %select_n3A_459 = arith.select %and3A_456, %sub3A_458, %div3A_437 : i32
      %dma_wait3A_460 = arith.constant 1 : i32
      %dma_wait3A_461 = arith.constant 1 : i32
      %dma_wait3A_462 = arith.constant 0 : i32
      %dma_wait3A_463 = arith.constant 0 : i32
      %dma_wait3A_464 = arith.constant 0 : i32
      %dma_wait3A_465 = tpu.memref_slice %arg4[%dma_wait3A_460, %dma_wait3A_462, %dma_wait3A_463, %dma_wait3A_464] : memref<2x8x8x512xf32, #tpu.memory_space<vmem>> -> memref<1x8x1x512xf32, #tpu.memory_space<vmem>>
      %dma_wait3A_466 = tpu.memref_squeeze %dma_wait3A_465 : memref<1x8x1x512xf32, #tpu.memory_space<vmem>> -> memref<8x1x512xf32, #tpu.memory_space<vmem>>
      %dma_wait3A_467 = tpu.memref_reshape %arg3 : memref<32768x512xf32, #tpu.memory_space<hbm>> -> memref<1024x32x512xf32, #tpu.memory_space<hbm>>
      %dma_wait3A_468 = arith.constant 0 : i32
      %dma_wait3A_469 = arith.constant 0 : i32
      %dma_wait3A_470 = tpu.memref_slice %dma_wait3A_467[%select_n3A_459, %dma_wait3A_468, %dma_wait3A_469] : memref<1024x32x512xf32, #tpu.memory_space<hbm>> -> memref<8x1x512xf32, #tpu.memory_space<hbm>>
      %dma_wait3A_471 = tpu.memref_slice %arg6[%dma_wait3A_461] : memref<2x!tpu.dma_semaphore, #tpu.memory_space<semaphore_mem>> -> memref<1x!tpu.dma_semaphore, #tpu.memory_space<semaphore_mem>>
      %dma_wait3A_472 = tpu.memref_squeeze %dma_wait3A_471 : memref<1x!tpu.dma_semaphore, #tpu.memory_space<semaphore_mem>> -> memref<!tpu.dma_semaphore, #tpu.memory_space<semaphore_mem>>
      %dma_wait3A_473 = tpu.memref_reshape %arg3 : memref<32768x512xf32, #tpu.memory_space<hbm>> -> memref<1024x32x512xf32, #tpu.memory_space<hbm>>
      %dma_wait3A_474 = arith.constant 0 : i32
      %dma_wait3A_475 = arith.constant 0 : i32
      %dma_wait3A_476 = tpu.memref_slice %dma_wait3A_473[%select_n3A_459, %dma_wait3A_474, %dma_wait3A_475] : memref<1024x32x512xf32, #tpu.memory_space<hbm>> -> memref<8x1x512xf32, #tpu.memory_space<hbm>>
      %dma_wait3A_477 = arith.constant 0 : i32
      %dma_wait3A_478 = arith.constant 0 : i32
      %dma_wait3A_479 = arith.constant 0 : i32
      %dma_wait3A_480 = tpu.memref_slice %arg4[%dma_wait3A_460, %dma_wait3A_477, %dma_wait3A_478, %dma_wait3A_479] : memref<2x8x8x512xf32, #tpu.memory_space<vmem>> -> memref<1x8x1x512xf32, #tpu.memory_space<vmem>>
      %dma_wait3A_481 = tpu.memref_squeeze %dma_wait3A_480 : memref<1x8x1x512xf32, #tpu.memory_space<vmem>> -> memref<8x1x512xf32, #tpu.memory_space<vmem>>
      tpu.wait_dma2 semaphore(%dma_wait3A_472 : memref<!tpu.dma_semaphore, #tpu.memory_space<semaphore_mem>>) src(%dma_wait3A_481 : memref<8x1x512xf32, #tpu.memory_space<vmem>>) dst(%dma_wait3A_476 : memref<8x1x512xf32, #tpu.memory_space<hbm>>)
      %scan3A_482 = arith.constant 0 : i32
      scf.yield %scan3A_482 : i32
    }
    %scan3A_259 = arith.constant 32 : i32
    %add3A_260 = arith.constant 192 : i32
    %add3A_261 = arith.addi %mul3A_2, %add3A_260 : i32
    %jit3A_262 = arith.constant 8 : i32
    %div3A_263 = arith.divsi %add3A_261, %jit3A_262 : i32
    %sign3A_264 = arith.constant 0 : i32
    %sign3A_265 = arith.cmpi sgt, %add3A_261, %sign3A_264 : i32
    %sign3A_266 = arith.extui %sign3A_265 : i1 to i32
    %sign3A_267 = arith.constant 0 : i32
    %sign3A_268 = arith.cmpi slt, %add3A_261, %sign3A_267 : i32
    %sign3A_269 = arith.extui %sign3A_268 : i1 to i32
    %sign3A_270 = arith.subi %sign3A_266, %sign3A_269 : i32
    %sign3A_271 = arith.constant 0 : i32
    %sign3A_272 = arith.cmpi sgt, %jit3A_262, %sign3A_271 : i32
    %sign3A_273 = arith.extui %sign3A_272 : i1 to i32
    %sign3A_274 = arith.constant 0 : i32
    %sign3A_275 = arith.cmpi slt, %jit3A_262, %sign3A_274 : i32
    %sign3A_276 = arith.extui %sign3A_275 : i1 to i32
    %sign3A_277 = arith.subi %sign3A_273, %sign3A_276 : i32
    %ne3A_278 = arith.cmpi ne, %sign3A_270, %sign3A_277 : i32
    %rem3A_279 = arith.remsi %add3A_261, %jit3A_262 : i32
    %ne3A_280 = arith.constant 0 : i32
    %ne3A_281 = arith.cmpi ne, %rem3A_279, %ne3A_280 : i32
    %and3A_282 = arith.andi %ne3A_278, %ne3A_281 : i1
    %sub3A_283 = arith.constant 1 : i32
    %sub3A_284 = arith.subi %div3A_263, %sub3A_283 : i32
    %select_n3A_285 = arith.select %and3A_282, %sub3A_284, %div3A_263 : i32
    %dma_start3A_286 = arith.constant 1 : i32
    %dma_start3A_287 = arith.constant 1 : i32
    %dma_start3A_288 = arith.constant 0 : i32
    %dma_start3A_289 = arith.constant 0 : i32
    %dma_start3A_290 = arith.constant 0 : i32
    %dma_start3A_291 = tpu.memref_slice %arg4[%dma_start3A_286, %dma_start3A_288, %dma_start3A_289, %dma_start3A_290] : memref<2x8x8x512xf32, #tpu.memory_space<vmem>> -> memref<1x8x8x512xf32, #tpu.memory_space<vmem>>
    %dma_start3A_292 = tpu.memref_squeeze %dma_start3A_291 : memref<1x8x8x512xf32, #tpu.memory_space<vmem>> -> memref<8x8x512xf32, #tpu.memory_space<vmem>>
    %dma_start3A_293 = tpu.memref_reshape %arg2 : memref<8192x512xf32, #tpu.memory_space<hbm>> -> memref<1024x8x512xf32, #tpu.memory_space<hbm>>
    %dma_start3A_294 = arith.constant 0 : i32
    %dma_start3A_295 = arith.constant 0 : i32
    %dma_start3A_296 = tpu.memref_slice %dma_start3A_293[%select_n3A_285, %dma_start3A_294, %dma_start3A_295] : memref<1024x8x512xf32, #tpu.memory_space<hbm>> -> memref<8x8x512xf32, #tpu.memory_space<hbm>>
    %dma_start3A_297 = tpu.memref_slice %arg5[%dma_start3A_287] : memref<2x!tpu.dma_semaphore, #tpu.memory_space<semaphore_mem>> -> memref<1x!tpu.dma_semaphore, #tpu.memory_space<semaphore_mem>>
    %dma_start3A_298 = tpu.memref_squeeze %dma_start3A_297 : memref<1x!tpu.dma_semaphore, #tpu.memory_space<semaphore_mem>> -> memref<!tpu.dma_semaphore, #tpu.memory_space<semaphore_mem>>
    %dma_start3A_299 = arith.constant 0 : i32
    %dma_start3A_300 = arith.constant 0 : i32
    %dma_start3A_301 = arith.constant 0 : i32
    %dma_start3A_302 = tpu.memref_slice %arg4[%dma_start3A_286, %dma_start3A_299, %dma_start3A_300, %dma_start3A_301] : memref<2x8x8x512xf32, #tpu.memory_space<vmem>> -> memref<1x8x8x512xf32, #tpu.memory_space<vmem>>
    %dma_start3A_303 = tpu.memref_squeeze %dma_start3A_302 : memref<1x8x8x512xf32, #tpu.memory_space<vmem>> -> memref<8x8x512xf32, #tpu.memory_space<vmem>>
    %dma_start3A_304 = tpu.memref_reshape %arg2 : memref<8192x512xf32, #tpu.memory_space<hbm>> -> memref<1024x8x512xf32, #tpu.memory_space<hbm>>
    %dma_start3A_305 = arith.constant 0 : i32
    %dma_start3A_306 = arith.constant 0 : i32
    %dma_start3A_307 = tpu.memref_slice %dma_start3A_304[%select_n3A_285, %dma_start3A_305, %dma_start3A_306] : memref<1024x8x512xf32, #tpu.memory_space<hbm>> -> memref<8x8x512xf32, #tpu.memory_space<hbm>>
    tpu.enqueue_dma source(%dma_start3A_307 : memref<8x8x512xf32, #tpu.memory_space<hbm>>) target(%dma_start3A_303 : memref<8x8x512xf32, #tpu.memory_space<vmem>>) target_semaphore(%dma_start3A_298 : memref<!tpu.dma_semaphore, #tpu.memory_space<semaphore_mem>>)
    %add3A_308 = arith.constant 128 : i32
    %add3A_309 = arith.addi %mul3A_2, %add3A_308 : i32
    %jit3A_310 = arith.constant 8 : i32
    %div3A_311 = arith.divsi %add3A_309, %jit3A_310 : i32
    %sign3A_312 = arith.constant 0 : i32
    %sign3A_313 = arith.cmpi sgt, %add3A_309, %sign3A_312 : i32
    %sign3A_314 = arith.extui %sign3A_313 : i1 to i32
    %sign3A_315 = arith.constant 0 : i32
    %sign3A_316 = arith.cmpi slt, %add3A_309, %sign3A_315 : i32
    %sign3A_317 = arith.extui %sign3A_316 : i1 to i32
    %sign3A_318 = arith.subi %sign3A_314, %sign3A_317 : i32
    %sign3A_319 = arith.constant 0 : i32
    %sign3A_320 = arith.cmpi sgt, %jit3A_310, %sign3A_319 : i32
    %sign3A_321 = arith.extui %sign3A_320 : i1 to i32
    %sign3A_322 = arith.constant 0 : i32
    %sign3A_323 = arith.cmpi slt, %jit3A_310, %sign3A_322 : i32
    %sign3A_324 = arith.extui %sign3A_323 : i1 to i32
    %sign3A_325 = arith.subi %sign3A_321, %sign3A_324 : i32
    %ne3A_326 = arith.cmpi ne, %sign3A_318, %sign3A_325 : i32
    %rem3A_327 = arith.remsi %add3A_309, %jit3A_310 : i32
    %ne3A_328 = arith.constant 0 : i32
    %ne3A_329 = arith.cmpi ne, %rem3A_327, %ne3A_328 : i32
    %and3A_330 = arith.andi %ne3A_326, %ne3A_329 : i1
    %sub3A_331 = arith.constant 1 : i32
    %sub3A_332 = arith.subi %div3A_311, %sub3A_331 : i32
    %select_n3A_333 = arith.select %and3A_330, %sub3A_332, %div3A_311 : i32
    %dma_wait3A_334 = arith.constant 0 : i32
    %dma_wait3A_335 = arith.constant 0 : i32
    %dma_wait3A_336 = arith.constant 0 : i32
    %dma_wait3A_337 = arith.constant 0 : i32
    %dma_wait3A_338 = arith.constant 0 : i32
    %dma_wait3A_339 = tpu.memref_slice %arg4[%dma_wait3A_334, %dma_wait3A_336, %dma_wait3A_337, %dma_wait3A_338] : memref<2x8x8x512xf32, #tpu.memory_space<vmem>> -> memref<1x8x8x512xf32, #tpu.memory_space<vmem>>
    %dma_wait3A_340 = tpu.memref_squeeze %dma_wait3A_339 : memref<1x8x8x512xf32, #tpu.memory_space<vmem>> -> memref<8x8x512xf32, #tpu.memory_space<vmem>>
    %dma_wait3A_341 = tpu.memref_reshape %arg2 : memref<8192x512xf32, #tpu.memory_space<hbm>> -> memref<1024x8x512xf32, #tpu.memory_space<hbm>>
    %dma_wait3A_342 = arith.constant 0 : i32
    %dma_wait3A_343 = arith.constant 0 : i32
    %dma_wait3A_344 = tpu.memref_slice %dma_wait3A_341[%select_n3A_333, %dma_wait3A_342, %dma_wait3A_343] : memref<1024x8x512xf32, #tpu.memory_space<hbm>> -> memref<8x8x512xf32, #tpu.memory_space<hbm>>
    %dma_wait3A_345 = tpu.memref_slice %arg5[%dma_wait3A_335] : memref<2x!tpu.dma_semaphore, #tpu.memory_space<semaphore_mem>> -> memref<1x!tpu.dma_semaphore, #tpu.memory_space<semaphore_mem>>
    %dma_wait3A_346 = tpu.memref_squeeze %dma_wait3A_345 : memref<1x!tpu.dma_semaphore, #tpu.memory_space<semaphore_mem>> -> memref<!tpu.dma_semaphore, #tpu.memory_space<semaphore_mem>>
    %dma_wait3A_347 = arith.constant 0 : i32
    %dma_wait3A_348 = arith.constant 0 : i32
    %dma_wait3A_349 = arith.constant 0 : i32
    %dma_wait3A_350 = tpu.memref_slice %arg4[%dma_wait3A_334, %dma_wait3A_347, %dma_wait3A_348, %dma_wait3A_349] : memref<2x8x8x512xf32, #tpu.memory_space<vmem>> -> memref<1x8x8x512xf32, #tpu.memory_space<vmem>>
    %dma_wait3A_351 = tpu.memref_squeeze %dma_wait3A_350 : memref<1x8x8x512xf32, #tpu.memory_space<vmem>> -> memref<8x8x512xf32, #tpu.memory_space<vmem>>
    %dma_wait3A_352 = tpu.memref_reshape %arg2 : memref<8192x512xf32, #tpu.memory_space<hbm>> -> memref<1024x8x512xf32, #tpu.memory_space<hbm>>
    %dma_wait3A_353 = arith.constant 0 : i32
    %dma_wait3A_354 = arith.constant 0 : i32
    %dma_wait3A_355 = tpu.memref_slice %dma_wait3A_352[%select_n3A_333, %dma_wait3A_353, %dma_wait3A_354] : memref<1024x8x512xf32, #tpu.memory_space<hbm>> -> memref<8x8x512xf32, #tpu.memory_space<hbm>>
    tpu.wait_dma2 semaphore(%dma_wait3A_346 : memref<!tpu.dma_semaphore, #tpu.memory_space<semaphore_mem>>) src(%dma_wait3A_355 : memref<8x8x512xf32, #tpu.memory_space<hbm>>) dst(%dma_wait3A_351 : memref<8x8x512xf32, #tpu.memory_space<vmem>>)
    %scan3A_356 = arith.constant 0 : i32
    %scan3A_357 = arith.constant 0 : i32
    %scan3A_358 = arith.constant 32 : i32
    %scan3A_359 = arith.addi %scan3A_357, %scan3A_358 : i32
    %scan3A_360 = arith.constant 1 : i32
    %scan3A_361 = scf.for %scan3A_432 = %scan3A_357 to %scan3A_359 step %scan3A_360 iter_args(%scan3A_433 = %scan3A_356) -> (i32)  : i32 {
      %jit3A_434 = arith.constant 4 : i32
      %div3A_435 = arith.divsi %scan3A_432, %jit3A_434 : i32
      %sign3A_436 = arith.constant 0 : i32
      %sign3A_437 = arith.cmpi sgt, %scan3A_432, %sign3A_436 : i32
      %sign3A_438 = arith.extui %sign3A_437 : i1 to i32
      %sign3A_439 = arith.constant 0 : i32
      %sign3A_440 = arith.cmpi slt, %scan3A_432, %sign3A_439 : i32
      %sign3A_441 = arith.extui %sign3A_440 : i1 to i32
      %sign3A_442 = arith.subi %sign3A_438, %sign3A_441 : i32
      %sign3A_443 = arith.constant 0 : i32
      %sign3A_444 = arith.cmpi sgt, %jit3A_434, %sign3A_443 : i32
      %sign3A_445 = arith.extui %sign3A_444 : i1 to i32
      %sign3A_446 = arith.constant 0 : i32
      %sign3A_447 = arith.cmpi slt, %jit3A_434, %sign3A_446 : i32
      %sign3A_448 = arith.extui %sign3A_447 : i1 to i32
      %sign3A_449 = arith.subi %sign3A_445, %sign3A_448 : i32
      %ne3A_450 = arith.cmpi ne, %sign3A_442, %sign3A_449 : i32
      %rem3A_451 = arith.remsi %scan3A_432, %jit3A_434 : i32
      %ne3A_452 = arith.constant 0 : i32
      %ne3A_453 = arith.cmpi ne, %rem3A_451, %ne3A_452 : i32
      %and3A_454 = arith.andi %ne3A_450, %ne3A_453 : i1
      %sub3A_455 = arith.constant 1 : i32
      %sub3A_456 = arith.subi %div3A_435, %sub3A_455 : i32
      %select_n3A_457 = arith.select %and3A_454, %sub3A_456, %div3A_435 : i32
      %rem3A_458 = arith.constant 4 : i32
      %rem3A_459 = arith.remsi %scan3A_432, %rem3A_458 : i32
      %add3A_460 = arith.constant 128 : i32
      %add3A_461 = arith.addi %mul3A_2, %add3A_460 : i32
      %jit3A_462 = arith.constant 8 : i32
      %div3A_463 = arith.divsi %add3A_461, %jit3A_462 : i32
      %sign3A_464 = arith.constant 0 : i32
      %sign3A_465 = arith.cmpi sgt, %add3A_461, %sign3A_464 : i32
      %sign3A_466 = arith.extui %sign3A_465 : i1 to i32
      %sign3A_467 = arith.constant 0 : i32
      %sign3A_468 = arith.cmpi slt, %add3A_461, %sign3A_467 : i32
      %sign3A_469 = arith.extui %sign3A_468 : i1 to i32
      %sign3A_470 = arith.subi %sign3A_466, %sign3A_469 : i32
      %sign3A_471 = arith.constant 0 : i32
      %sign3A_472 = arith.cmpi sgt, %jit3A_462, %sign3A_471 : i32
      %sign3A_473 = arith.extui %sign3A_472 : i1 to i32
      %sign3A_474 = arith.constant 0 : i32
      %sign3A_475 = arith.cmpi slt, %jit3A_462, %sign3A_474 : i32
      %sign3A_476 = arith.extui %sign3A_475 : i1 to i32
      %sign3A_477 = arith.subi %sign3A_473, %sign3A_476 : i32
      %ne3A_478 = arith.cmpi ne, %sign3A_470, %sign3A_477 : i32
      %rem3A_479 = arith.remsi %add3A_461, %jit3A_462 : i32
      %ne3A_480 = arith.constant 0 : i32
      %ne3A_481 = arith.cmpi ne, %rem3A_479, %ne3A_480 : i32
      %and3A_482 = arith.andi %ne3A_478, %ne3A_481 : i1
      %sub3A_483 = arith.constant 1 : i32
      %sub3A_484 = arith.subi %div3A_463, %sub3A_483 : i32
      %select_n3A_485 = arith.select %and3A_482, %sub3A_484, %div3A_463 : i32
      %mul3A_486 = arith.constant 4 : i32
      %mul3A_487 = arith.muli %mul3A_486, %select_n3A_457 : i32
      %add3A_488 = arith.addi %mul3A_487, %rem3A_459 : i32
      %dma_start3A_489 = arith.constant 0 : i32
      %dma_start3A_490 = arith.constant 0 : i32
      %dma_start3A_491 = arith.constant 0 : i32
      %dma_start3A_492 = arith.constant 0 : i32
      %dma_start3A_493 = tpu.memref_slice %arg4[%dma_start3A_489, %dma_start3A_491, %select_n3A_457, %dma_start3A_492] : memref<2x8x8x512xf32, #tpu.memory_space<vmem>> -> memref<1x8x1x512xf32, #tpu.memory_space<vmem>>
      %dma_start3A_494 = tpu.memref_squeeze %dma_start3A_493 : memref<1x8x1x512xf32, #tpu.memory_space<vmem>> -> memref<8x1x512xf32, #tpu.memory_space<vmem>>
      %dma_start3A_495 = tpu.memref_reshape %arg3 : memref<32768x512xf32, #tpu.memory_space<hbm>> -> memref<1024x32x512xf32, #tpu.memory_space<hbm>>
      %dma_start3A_496 = arith.constant 0 : i32
      %dma_start3A_497 = tpu.memref_slice %dma_start3A_495[%select_n3A_485, %add3A_488, %dma_start3A_496] : memref<1024x32x512xf32, #tpu.memory_space<hbm>> -> memref<8x1x512xf32, #tpu.memory_space<hbm>>
      %dma_start3A_498 = tpu.memref_slice %arg6[%dma_start3A_490] : memref<2x!tpu.dma_semaphore, #tpu.memory_space<semaphore_mem>> -> memref<1x!tpu.dma_semaphore, #tpu.memory_space<semaphore_mem>>
      %dma_start3A_499 = tpu.memref_squeeze %dma_start3A_498 : memref<1x!tpu.dma_semaphore, #tpu.memory_space<semaphore_mem>> -> memref<!tpu.dma_semaphore, #tpu.memory_space<semaphore_mem>>
      %dma_start3A_500 = tpu.memref_reshape %arg3 : memref<32768x512xf32, #tpu.memory_space<hbm>> -> memref<1024x32x512xf32, #tpu.memory_space<hbm>>
      %dma_start3A_501 = arith.constant 0 : i32
      %dma_start3A_502 = tpu.memref_slice %dma_start3A_500[%select_n3A_485, %add3A_488, %dma_start3A_501] : memref<1024x32x512xf32, #tpu.memory_space<hbm>> -> memref<8x1x512xf32, #tpu.memory_space<hbm>>
      %dma_start3A_503 = arith.constant 0 : i32
      %dma_start3A_504 = arith.constant 0 : i32
      %dma_start3A_505 = tpu.memref_slice %arg4[%dma_start3A_489, %dma_start3A_503, %select_n3A_457, %dma_start3A_504] : memref<2x8x8x512xf32, #tpu.memory_space<vmem>> -> memref<1x8x1x512xf32, #tpu.memory_space<vmem>>
      %dma_start3A_506 = tpu.memref_squeeze %dma_start3A_505 : memref<1x8x1x512xf32, #tpu.memory_space<vmem>> -> memref<8x1x512xf32, #tpu.memory_space<vmem>>
      tpu.enqueue_dma source(%dma_start3A_506 : memref<8x1x512xf32, #tpu.memory_space<vmem>>) target(%dma_start3A_502 : memref<8x1x512xf32, #tpu.memory_space<hbm>>) target_semaphore(%dma_start3A_499 : memref<!tpu.dma_semaphore, #tpu.memory_space<semaphore_mem>>)
      %scan3A_507 = arith.constant 0 : i32
      scf.yield %scan3A_507 : i32
    }
    %scan3A_362 = arith.constant 32 : i32
    %scan3A_363 = arith.constant 0 : i32
    %scan3A_364 = arith.constant 0 : i32
    %scan3A_365 = arith.constant 32 : i32
    %scan3A_366 = arith.addi %scan3A_364, %scan3A_365 : i32
    %scan3A_367 = arith.constant 1 : i32
    %scan3A_368 = scf.for %scan3A_432 = %scan3A_364 to %scan3A_366 step %scan3A_367 iter_args(%scan3A_433 = %scan3A_363) -> (i32)  : i32 {
      %add3A_434 = arith.constant 128 : i32
      %add3A_435 = arith.addi %mul3A_2, %add3A_434 : i32
      %jit3A_436 = arith.constant 8 : i32
      %div3A_437 = arith.divsi %add3A_435, %jit3A_436 : i32
      %sign3A_438 = arith.constant 0 : i32
      %sign3A_439 = arith.cmpi sgt, %add3A_435, %sign3A_438 : i32
      %sign3A_440 = arith.extui %sign3A_439 : i1 to i32
      %sign3A_441 = arith.constant 0 : i32
      %sign3A_442 = arith.cmpi slt, %add3A_435, %sign3A_441 : i32
      %sign3A_443 = arith.extui %sign3A_442 : i1 to i32
      %sign3A_444 = arith.subi %sign3A_440, %sign3A_443 : i32
      %sign3A_445 = arith.constant 0 : i32
      %sign3A_446 = arith.cmpi sgt, %jit3A_436, %sign3A_445 : i32
      %sign3A_447 = arith.extui %sign3A_446 : i1 to i32
      %sign3A_448 = arith.constant 0 : i32
      %sign3A_449 = arith.cmpi slt, %jit3A_436, %sign3A_448 : i32
      %sign3A_450 = arith.extui %sign3A_449 : i1 to i32
      %sign3A_451 = arith.subi %sign3A_447, %sign3A_450 : i32
      %ne3A_452 = arith.cmpi ne, %sign3A_444, %sign3A_451 : i32
      %rem3A_453 = arith.remsi %add3A_435, %jit3A_436 : i32
      %ne3A_454 = arith.constant 0 : i32
      %ne3A_455 = arith.cmpi ne, %rem3A_453, %ne3A_454 : i32
      %and3A_456 = arith.andi %ne3A_452, %ne3A_455 : i1
      %sub3A_457 = arith.constant 1 : i32
      %sub3A_458 = arith.subi %div3A_437, %sub3A_457 : i32
      %select_n3A_459 = arith.select %and3A_456, %sub3A_458, %div3A_437 : i32
      %dma_wait3A_460 = arith.constant 0 : i32
      %dma_wait3A_461 = arith.constant 0 : i32
      %dma_wait3A_462 = arith.constant 0 : i32
      %dma_wait3A_463 = arith.constant 0 : i32
      %dma_wait3A_464 = arith.constant 0 : i32
      %dma_wait3A_465 = tpu.memref_slice %arg4[%dma_wait3A_460, %dma_wait3A_462, %dma_wait3A_463, %dma_wait3A_464] : memref<2x8x8x512xf32, #tpu.memory_space<vmem>> -> memref<1x8x1x512xf32, #tpu.memory_space<vmem>>
      %dma_wait3A_466 = tpu.memref_squeeze %dma_wait3A_465 : memref<1x8x1x512xf32, #tpu.memory_space<vmem>> -> memref<8x1x512xf32, #tpu.memory_space<vmem>>
      %dma_wait3A_467 = tpu.memref_reshape %arg3 : memref<32768x512xf32, #tpu.memory_space<hbm>> -> memref<1024x32x512xf32, #tpu.memory_space<hbm>>
      %dma_wait3A_468 = arith.constant 0 : i32
      %dma_wait3A_469 = arith.constant 0 : i32
      %dma_wait3A_470 = tpu.memref_slice %dma_wait3A_467[%select_n3A_459, %dma_wait3A_468, %dma_wait3A_469] : memref<1024x32x512xf32, #tpu.memory_space<hbm>> -> memref<8x1x512xf32, #tpu.memory_space<hbm>>
      %dma_wait3A_471 = tpu.memref_slice %arg6[%dma_wait3A_461] : memref<2x!tpu.dma_semaphore, #tpu.memory_space<semaphore_mem>> -> memref<1x!tpu.dma_semaphore, #tpu.memory_space<semaphore_mem>>
      %dma_wait3A_472 = tpu.memref_squeeze %dma_wait3A_471 : memref<1x!tpu.dma_semaphore, #tpu.memory_space<semaphore_mem>> -> memref<!tpu.dma_semaphore, #tpu.memory_space<semaphore_mem>>
      %dma_wait3A_473 = tpu.memref_reshape %arg3 : memref<32768x512xf32, #tpu.memory_space<hbm>> -> memref<1024x32x512xf32, #tpu.memory_space<hbm>>
      %dma_wait3A_474 = arith.constant 0 : i32
      %dma_wait3A_475 = arith.constant 0 : i32
      %dma_wait3A_476 = tpu.memref_slice %dma_wait3A_473[%select_n3A_459, %dma_wait3A_474, %dma_wait3A_475] : memref<1024x32x512xf32, #tpu.memory_space<hbm>> -> memref<8x1x512xf32, #tpu.memory_space<hbm>>
      %dma_wait3A_477 = arith.constant 0 : i32
      %dma_wait3A_478 = arith.constant 0 : i32
      %dma_wait3A_479 = arith.constant 0 : i32
      %dma_wait3A_480 = tpu.memref_slice %arg4[%dma_wait3A_460, %dma_wait3A_477, %dma_wait3A_478, %dma_wait3A_479] : memref<2x8x8x512xf32, #tpu.memory_space<vmem>> -> memref<1x8x1x512xf32, #tpu.memory_space<vmem>>
      %dma_wait3A_481 = tpu.memref_squeeze %dma_wait3A_480 : memref<1x8x1x512xf32, #tpu.memory_space<vmem>> -> memref<8x1x512xf32, #tpu.memory_space<vmem>>
      tpu.wait_dma2 semaphore(%dma_wait3A_472 : memref<!tpu.dma_semaphore, #tpu.memory_space<semaphore_mem>>) src(%dma_wait3A_481 : memref<8x1x512xf32, #tpu.memory_space<vmem>>) dst(%dma_wait3A_476 : memref<8x1x512xf32, #tpu.memory_space<hbm>>)
      %scan3A_482 = arith.constant 0 : i32
      scf.yield %scan3A_482 : i32
    }
    %scan3A_369 = arith.constant 32 : i32
    %add3A_370 = arith.constant 192 : i32
    %add3A_371 = arith.addi %mul3A_2, %add3A_370 : i32
    %jit3A_372 = arith.constant 8 : i32
    %div3A_373 = arith.divsi %add3A_371, %jit3A_372 : i32
    %sign3A_374 = arith.constant 0 : i32
    %sign3A_375 = arith.cmpi sgt, %add3A_371, %sign3A_374 : i32
    %sign3A_376 = arith.extui %sign3A_375 : i1 to i32
    %sign3A_377 = arith.constant 0 : i32
    %sign3A_378 = arith.cmpi slt, %add3A_371, %sign3A_377 : i32
    %sign3A_379 = arith.extui %sign3A_378 : i1 to i32
    %sign3A_380 = arith.subi %sign3A_376, %sign3A_379 : i32
    %sign3A_381 = arith.constant 0 : i32
    %sign3A_382 = arith.cmpi sgt, %jit3A_372, %sign3A_381 : i32
    %sign3A_383 = arith.extui %sign3A_382 : i1 to i32
    %sign3A_384 = arith.constant 0 : i32
    %sign3A_385 = arith.cmpi slt, %jit3A_372, %sign3A_384 : i32
    %sign3A_386 = arith.extui %sign3A_385 : i1 to i32
    %sign3A_387 = arith.subi %sign3A_383, %sign3A_386 : i32
    %ne3A_388 = arith.cmpi ne, %sign3A_380, %sign3A_387 : i32
    %rem3A_389 = arith.remsi %add3A_371, %jit3A_372 : i32
    %ne3A_390 = arith.constant 0 : i32
    %ne3A_391 = arith.cmpi ne, %rem3A_389, %ne3A_390 : i32
    %and3A_392 = arith.andi %ne3A_388, %ne3A_391 : i1
    %sub3A_393 = arith.constant 1 : i32
    %sub3A_394 = arith.subi %div3A_373, %sub3A_393 : i32
    %select_n3A_395 = arith.select %and3A_392, %sub3A_394, %div3A_373 : i32
    %dma_wait3A_396 = arith.constant 1 : i32
    %dma_wait3A_397 = arith.constant 1 : i32
    %dma_wait3A_398 = arith.constant 0 : i32
    %dma_wait3A_399 = arith.constant 0 : i32
    %dma_wait3A_400 = arith.constant 0 : i32
    %dma_wait3A_401 = tpu.memref_slice %arg4[%dma_wait3A_396, %dma_wait3A_398, %dma_wait3A_399, %dma_wait3A_400] : memref<2x8x8x512xf32, #tpu.memory_space<vmem>> -> memref<1x8x8x512xf32, #tpu.memory_space<vmem>>
    %dma_wait3A_402 = tpu.memref_squeeze %dma_wait3A_401 : memref<1x8x8x512xf32, #tpu.memory_space<vmem>> -> memref<8x8x512xf32, #tpu.memory_space<vmem>>
    %dma_wait3A_403 = tpu.memref_reshape %arg2 : memref<8192x512xf32, #tpu.memory_space<hbm>> -> memref<1024x8x512xf32, #tpu.memory_space<hbm>>
    %dma_wait3A_404 = arith.constant 0 : i32
    %dma_wait3A_405 = arith.constant 0 : i32
    %dma_wait3A_406 = tpu.memref_slice %dma_wait3A_403[%select_n3A_395, %dma_wait3A_404, %dma_wait3A_405] : memref<1024x8x512xf32, #tpu.memory_space<hbm>> -> memref<8x8x512xf32, #tpu.memory_space<hbm>>
    %dma_wait3A_407 = tpu.memref_slice %arg5[%dma_wait3A_397] : memref<2x!tpu.dma_semaphore, #tpu.memory_space<semaphore_mem>> -> memref<1x!tpu.dma_semaphore, #tpu.memory_space<semaphore_mem>>
    %dma_wait3A_408 = tpu.memref_squeeze %dma_wait3A_407 : memref<1x!tpu.dma_semaphore, #tpu.memory_space<semaphore_mem>> -> memref<!tpu.dma_semaphore, #tpu.memory_space<semaphore_mem>>
    %dma_wait3A_409 = arith.constant 0 : i32
    %dma_wait3A_410 = arith.constant 0 : i32
    %dma_wait3A_411 = arith.constant 0 : i32
    %dma_wait3A_412 = tpu.memref_slice %arg4[%dma_wait3A_396, %dma_wait3A_409, %dma_wait3A_410, %dma_wait3A_411] : memref<2x8x8x512xf32, #tpu.memory_space<vmem>> -> memref<1x8x8x512xf32, #tpu.memory_space<vmem>>
    %dma_wait3A_413 = tpu.memref_squeeze %dma_wait3A_412 : memref<1x8x8x512xf32, #tpu.memory_space<vmem>> -> memref<8x8x512xf32, #tpu.memory_space<vmem>>
    %dma_wait3A_414 = tpu.memref_reshape %arg2 : memref<8192x512xf32, #tpu.memory_space<hbm>> -> memref<1024x8x512xf32, #tpu.memory_space<hbm>>
    %dma_wait3A_415 = arith.constant 0 : i32
    %dma_wait3A_416 = arith.constant 0 : i32
    %dma_wait3A_417 = tpu.memref_slice %dma_wait3A_414[%select_n3A_395, %dma_wait3A_415, %dma_wait3A_416] : memref<1024x8x512xf32, #tpu.memory_space<hbm>> -> memref<8x8x512xf32, #tpu.memory_space<hbm>>
    tpu.wait_dma2 semaphore(%dma_wait3A_408 : memref<!tpu.dma_semaphore, #tpu.memory_space<semaphore_mem>>) src(%dma_wait3A_417 : memref<8x8x512xf32, #tpu.memory_space<hbm>>) dst(%dma_wait3A_413 : memref<8x8x512xf32, #tpu.memory_space<vmem>>)
    %scan3A_418 = arith.constant 0 : i32
    %scan3A_419 = arith.constant 0 : i32
    %scan3A_420 = arith.constant 32 : i32
    %scan3A_421 = arith.addi %scan3A_419, %scan3A_420 : i32
    %scan3A_422 = arith.constant 1 : i32
    %scan3A_423 = scf.for %scan3A_432 = %scan3A_419 to %scan3A_421 step %scan3A_422 iter_args(%scan3A_433 = %scan3A_418) -> (i32)  : i32 {
      %jit3A_434 = arith.constant 4 : i32
      %div3A_435 = arith.divsi %scan3A_432, %jit3A_434 : i32
      %sign3A_436 = arith.constant 0 : i32
      %sign3A_437 = arith.cmpi sgt, %scan3A_432, %sign3A_436 : i32
      %sign3A_438 = arith.extui %sign3A_437 : i1 to i32
      %sign3A_439 = arith.constant 0 : i32
      %sign3A_440 = arith.cmpi slt, %scan3A_432, %sign3A_439 : i32
      %sign3A_441 = arith.extui %sign3A_440 : i1 to i32
      %sign3A_442 = arith.subi %sign3A_438, %sign3A_441 : i32
      %sign3A_443 = arith.constant 0 : i32
      %sign3A_444 = arith.cmpi sgt, %jit3A_434, %sign3A_443 : i32
      %sign3A_445 = arith.extui %sign3A_444 : i1 to i32
      %sign3A_446 = arith.constant 0 : i32
      %sign3A_447 = arith.cmpi slt, %jit3A_434, %sign3A_446 : i32
      %sign3A_448 = arith.extui %sign3A_447 : i1 to i32
      %sign3A_449 = arith.subi %sign3A_445, %sign3A_448 : i32
      %ne3A_450 = arith.cmpi ne, %sign3A_442, %sign3A_449 : i32
      %rem3A_451 = arith.remsi %scan3A_432, %jit3A_434 : i32
      %ne3A_452 = arith.constant 0 : i32
      %ne3A_453 = arith.cmpi ne, %rem3A_451, %ne3A_452 : i32
      %and3A_454 = arith.andi %ne3A_450, %ne3A_453 : i1
      %sub3A_455 = arith.constant 1 : i32
      %sub3A_456 = arith.subi %div3A_435, %sub3A_455 : i32
      %select_n3A_457 = arith.select %and3A_454, %sub3A_456, %div3A_435 : i32
      %rem3A_458 = arith.constant 4 : i32
      %rem3A_459 = arith.remsi %scan3A_432, %rem3A_458 : i32
      %add3A_460 = arith.constant 192 : i32
      %add3A_461 = arith.addi %mul3A_2, %add3A_460 : i32
      %jit3A_462 = arith.constant 8 : i32
      %div3A_463 = arith.divsi %add3A_461, %jit3A_462 : i32
      %sign3A_464 = arith.constant 0 : i32
      %sign3A_465 = arith.cmpi sgt, %add3A_461, %sign3A_464 : i32
      %sign3A_466 = arith.extui %sign3A_465 : i1 to i32
      %sign3A_467 = arith.constant 0 : i32
      %sign3A_468 = arith.cmpi slt, %add3A_461, %sign3A_467 : i32
      %sign3A_469 = arith.extui %sign3A_468 : i1 to i32
      %sign3A_470 = arith.subi %sign3A_466, %sign3A_469 : i32
      %sign3A_471 = arith.constant 0 : i32
      %sign3A_472 = arith.cmpi sgt, %jit3A_462, %sign3A_471 : i32
      %sign3A_473 = arith.extui %sign3A_472 : i1 to i32
      %sign3A_474 = arith.constant 0 : i32
      %sign3A_475 = arith.cmpi slt, %jit3A_462, %sign3A_474 : i32
      %sign3A_476 = arith.extui %sign3A_475 : i1 to i32
      %sign3A_477 = arith.subi %sign3A_473, %sign3A_476 : i32
      %ne3A_478 = arith.cmpi ne, %sign3A_470, %sign3A_477 : i32
      %rem3A_479 = arith.remsi %add3A_461, %jit3A_462 : i32
      %ne3A_480 = arith.constant 0 : i32
      %ne3A_481 = arith.cmpi ne, %rem3A_479, %ne3A_480 : i32
      %and3A_482 = arith.andi %ne3A_478, %ne3A_481 : i1
      %sub3A_483 = arith.constant 1 : i32
      %sub3A_484 = arith.subi %div3A_463, %sub3A_483 : i32
      %select_n3A_485 = arith.select %and3A_482, %sub3A_484, %div3A_463 : i32
      %mul3A_486 = arith.constant 4 : i32
      %mul3A_487 = arith.muli %mul3A_486, %select_n3A_457 : i32
      %add3A_488 = arith.addi %mul3A_487, %rem3A_459 : i32
      %dma_start3A_489 = arith.constant 1 : i32
      %dma_start3A_490 = arith.constant 1 : i32
      %dma_start3A_491 = arith.constant 0 : i32
      %dma_start3A_492 = arith.constant 0 : i32
      %dma_start3A_493 = tpu.memref_slice %arg4[%dma_start3A_489, %dma_start3A_491, %select_n3A_457, %dma_start3A_492] : memref<2x8x8x512xf32, #tpu.memory_space<vmem>> -> memref<1x8x1x512xf32, #tpu.memory_space<vmem>>
      %dma_start3A_494 = tpu.memref_squeeze %dma_start3A_493 : memref<1x8x1x512xf32, #tpu.memory_space<vmem>> -> memref<8x1x512xf32, #tpu.memory_space<vmem>>
      %dma_start3A_495 = tpu.memref_reshape %arg3 : memref<32768x512xf32, #tpu.memory_space<hbm>> -> memref<1024x32x512xf32, #tpu.memory_space<hbm>>
      %dma_start3A_496 = arith.constant 0 : i32
      %dma_start3A_497 = tpu.memref_slice %dma_start3A_495[%select_n3A_485, %add3A_488, %dma_start3A_496] : memref<1024x32x512xf32, #tpu.memory_space<hbm>> -> memref<8x1x512xf32, #tpu.memory_space<hbm>>
      %dma_start3A_498 = tpu.memref_slice %arg6[%dma_start3A_490] : memref<2x!tpu.dma_semaphore, #tpu.memory_space<semaphore_mem>> -> memref<1x!tpu.dma_semaphore, #tpu.memory_space<semaphore_mem>>
      %dma_start3A_499 = tpu.memref_squeeze %dma_start3A_498 : memref<1x!tpu.dma_semaphore, #tpu.memory_space<semaphore_mem>> -> memref<!tpu.dma_semaphore, #tpu.memory_space<semaphore_mem>>
      %dma_start3A_500 = tpu.memref_reshape %arg3 : memref<32768x512xf32, #tpu.memory_space<hbm>> -> memref<1024x32x512xf32, #tpu.memory_space<hbm>>
      %dma_start3A_501 = arith.constant 0 : i32
      %dma_start3A_502 = tpu.memref_slice %dma_start3A_500[%select_n3A_485, %add3A_488, %dma_start3A_501] : memref<1024x32x512xf32, #tpu.memory_space<hbm>> -> memref<8x1x512xf32, #tpu.memory_space<hbm>>
      %dma_start3A_503 = arith.constant 0 : i32
      %dma_start3A_504 = arith.constant 0 : i32
      %dma_start3A_505 = tpu.memref_slice %arg4[%dma_start3A_489, %dma_start3A_503, %select_n3A_457, %dma_start3A_504] : memref<2x8x8x512xf32, #tpu.memory_space<vmem>> -> memref<1x8x1x512xf32, #tpu.memory_space<vmem>>
      %dma_start3A_506 = tpu.memref_squeeze %dma_start3A_505 : memref<1x8x1x512xf32, #tpu.memory_space<vmem>> -> memref<8x1x512xf32, #tpu.memory_space<vmem>>
      tpu.enqueue_dma source(%dma_start3A_506 : memref<8x1x512xf32, #tpu.memory_space<vmem>>) target(%dma_start3A_502 : memref<8x1x512xf32, #tpu.memory_space<hbm>>) target_semaphore(%dma_start3A_499 : memref<!tpu.dma_semaphore, #tpu.memory_space<semaphore_mem>>)
      %scan3A_507 = arith.constant 0 : i32
      scf.yield %scan3A_507 : i32
    }
    %scan3A_424 = arith.constant 32 : i32
    %scan3A_425 = arith.constant 0 : i32
    %scan3A_426 = arith.constant 0 : i32
    %scan3A_427 = arith.constant 32 : i32
    %scan3A_428 = arith.addi %scan3A_426, %scan3A_427 : i32
    %scan3A_429 = arith.constant 1 : i32
    %scan3A_430 = scf.for %scan3A_432 = %scan3A_426 to %scan3A_428 step %scan3A_429 iter_args(%scan3A_433 = %scan3A_425) -> (i32)  : i32 {
      %add3A_434 = arith.constant 192 : i32
      %add3A_435 = arith.addi %mul3A_2, %add3A_434 : i32
      %jit3A_436 = arith.constant 8 : i32
      %div3A_437 = arith.divsi %add3A_435, %jit3A_436 : i32
      %sign3A_438 = arith.constant 0 : i32
      %sign3A_439 = arith.cmpi sgt, %add3A_435, %sign3A_438 : i32
      %sign3A_440 = arith.extui %sign3A_439 : i1 to i32
      %sign3A_441 = arith.constant 0 : i32
      %sign3A_442 = arith.cmpi slt, %add3A_435, %sign3A_441 : i32
      %sign3A_443 = arith.extui %sign3A_442 : i1 to i32
      %sign3A_444 = arith.subi %sign3A_440, %sign3A_443 : i32
      %sign3A_445 = arith.constant 0 : i32
      %sign3A_446 = arith.cmpi sgt, %jit3A_436, %sign3A_445 : i32
      %sign3A_447 = arith.extui %sign3A_446 : i1 to i32
      %sign3A_448 = arith.constant 0 : i32
      %sign3A_449 = arith.cmpi slt, %jit3A_436, %sign3A_448 : i32
      %sign3A_450 = arith.extui %sign3A_449 : i1 to i32
      %sign3A_451 = arith.subi %sign3A_447, %sign3A_450 : i32
      %ne3A_452 = arith.cmpi ne, %sign3A_444, %sign3A_451 : i32
      %rem3A_453 = arith.remsi %add3A_435, %jit3A_436 : i32
      %ne3A_454 = arith.constant 0 : i32
      %ne3A_455 = arith.cmpi ne, %rem3A_453, %ne3A_454 : i32
      %and3A_456 = arith.andi %ne3A_452, %ne3A_455 : i1
      %sub3A_457 = arith.constant 1 : i32
      %sub3A_458 = arith.subi %div3A_437, %sub3A_457 : i32
      %select_n3A_459 = arith.select %and3A_456, %sub3A_458, %div3A_437 : i32
      %dma_wait3A_460 = arith.constant 1 : i32
      %dma_wait3A_461 = arith.constant 1 : i32
      %dma_wait3A_462 = arith.constant 0 : i32
      %dma_wait3A_463 = arith.constant 0 : i32
      %dma_wait3A_464 = arith.constant 0 : i32
      %dma_wait3A_465 = tpu.memref_slice %arg4[%dma_wait3A_460, %dma_wait3A_462, %dma_wait3A_463, %dma_wait3A_464] : memref<2x8x8x512xf32, #tpu.memory_space<vmem>> -> memref<1x8x1x512xf32, #tpu.memory_space<vmem>>
      %dma_wait3A_466 = tpu.memref_squeeze %dma_wait3A_465 : memref<1x8x1x512xf32, #tpu.memory_space<vmem>> -> memref<8x1x512xf32, #tpu.memory_space<vmem>>
      %dma_wait3A_467 = tpu.memref_reshape %arg3 : memref<32768x512xf32, #tpu.memory_space<hbm>> -> memref<1024x32x512xf32, #tpu.memory_space<hbm>>
      %dma_wait3A_468 = arith.constant 0 : i32
      %dma_wait3A_469 = arith.constant 0 : i32
      %dma_wait3A_470 = tpu.memref_slice %dma_wait3A_467[%select_n3A_459, %dma_wait3A_468, %dma_wait3A_469] : memref<1024x32x512xf32, #tpu.memory_space<hbm>> -> memref<8x1x512xf32, #tpu.memory_space<hbm>>
      %dma_wait3A_471 = tpu.memref_slice %arg6[%dma_wait3A_461] : memref<2x!tpu.dma_semaphore, #tpu.memory_space<semaphore_mem>> -> memref<1x!tpu.dma_semaphore, #tpu.memory_space<semaphore_mem>>
      %dma_wait3A_472 = tpu.memref_squeeze %dma_wait3A_471 : memref<1x!tpu.dma_semaphore, #tpu.memory_space<semaphore_mem>> -> memref<!tpu.dma_semaphore, #tpu.memory_space<semaphore_mem>>
      %dma_wait3A_473 = tpu.memref_reshape %arg3 : memref<32768x512xf32, #tpu.memory_space<hbm>> -> memref<1024x32x512xf32, #tpu.memory_space<hbm>>
      %dma_wait3A_474 = arith.constant 0 : i32
      %dma_wait3A_475 = arith.constant 0 : i32
      %dma_wait3A_476 = tpu.memref_slice %dma_wait3A_473[%select_n3A_459, %dma_wait3A_474, %dma_wait3A_475] : memref<1024x32x512xf32, #tpu.memory_space<hbm>> -> memref<8x1x512xf32, #tpu.memory_space<hbm>>
      %dma_wait3A_477 = arith.constant 0 : i32
      %dma_wait3A_478 = arith.constant 0 : i32
      %dma_wait3A_479 = arith.constant 0 : i32
      %dma_wait3A_480 = tpu.memref_slice %arg4[%dma_wait3A_460, %dma_wait3A_477, %dma_wait3A_478, %dma_wait3A_479] : memref<2x8x8x512xf32, #tpu.memory_space<vmem>> -> memref<1x8x1x512xf32, #tpu.memory_space<vmem>>
      %dma_wait3A_481 = tpu.memref_squeeze %dma_wait3A_480 : memref<1x8x1x512xf32, #tpu.memory_space<vmem>> -> memref<8x1x512xf32, #tpu.memory_space<vmem>>
      tpu.wait_dma2 semaphore(%dma_wait3A_472 : memref<!tpu.dma_semaphore, #tpu.memory_space<semaphore_mem>>) src(%dma_wait3A_481 : memref<8x1x512xf32, #tpu.memory_space<vmem>>) dst(%dma_wait3A_476 : memref<8x1x512xf32, #tpu.memory_space<hbm>>)
      %scan3A_482 = arith.constant 0 : i32
      scf.yield %scan3A_482 : i32
    }
    %scan3A_431 = arith.constant 32 : i32
    return
  }
}

</mosaic_0001>

<sc_bundles>
// kernel: kernel.3.cloned.1.call-start
scs
__scs_entry_jumppad:
0x0: {  	(pc) =	sbr.rel $0x88, $3  }
0x1: {  	(tag) =	ssettag $0x0;
	lr =	simm.s32 $0x1  }
0x2: {  	[smem:$0x3FA0] =	sst lr;
	_ =	strace $0xD0000000  }
0x3: {  	_ = 	snop  }
0x4: {  	_ = 	snop  }
0x5: {  	_ = 	snop  }
0x6: {  	_ = 	snop  }
0x7: {  	_ = 	snop  }
__scs_overlays_trampoline_lowered:
0x8: {  	[smem:$0x3FAF] =	sst s0  }
0x9: {  	[smem:$0x3FB0] =	sst s1  }
0xa: {  	[smem:$0x3FB1] =	sst s2  }
0xb: {  	[smem:$0x3FB2] =	sst s3  }
0xc: {  	[smem:$0x3FB3] =	sst s4  }
0xd: {  	[smem:$0x3FB4] =	sst s5  }
0xe: {  	[smem:$0x3FB5] =	sst s6  }
0xf: {  	[smem:$0x3FB6] =	sst s7  }
0x10: {  	[smem:$0x3FB7] =	sst s8  }
0x11: {  	[smem:$0x3FB8] =	sst s9;
	s0 =	simm.s32 @!p0 $0x0  }
0x12: {  	s1 =	sld [smem:$0x3F9E];
	s0 =	simm.s32 @p0 $0x1  }
0x13: {  	[smem:$0x3FB9] =	sst s0;
	s0 =	simm.s32 @!p1 $0x0  }
0x14: {  	s2 =	sld [smem:$0x3F9D];
	s0 =	simm.s32 @p1 $0x1  }
0x15: {  	[smem:$0x3FBA] =	sst s0;
	s0 =	simm.s32 @!p2 $0x0  }
0x16: {  	s3 =	sld [smem:$0x3FDB];
	s0 =	simm.s32 @p2 $0x1  }
0x17: {  	s4 =	simm.s32 $0x1BF5;
	[smem:$0x3FBC] =	sst s0  }
0x18: {  	s0 =	sld [smem:$0x3F9F];
	_ =	swait.ge [sflag:s4], $0x0  }
0x19: {  	s7 =	sld [smem:$0x3FA0]  }
0x1a: {  	s8 =	sadd.s32 $0xFFFFE003, lr  }
0x1b: {  	s9 =	sadd.s32 $0xFFFFFEF7, lr;
	s5 =	simm.s32 $0xFFFFFFFF;
	p2 =	slt.u32 s8, $0xFFFFF086  }
0x1c: {  	p1 =	slt.u32 s9, $0xF7A;
	s5 =	simm.s32 @!p2 $0x0  }
0x1d: {  	s5 =	simm.s32 @p1 $0x1;
	p0 =	seq.s32 s7, s2  }
0x1e: {  	s7 =	smul.u32 @!p0 $0xF7A, s2;
	p2 =	seq.s32 @!p0 s5, $0x0  }
0x1f: {  	s9 =	smul.u32 $0xF7A, s1;
	s8 =	simm.s32 @!p0 $0x1BF5;
	p2 =	por !p2, p0  }
0x20: {  	[sflag:s8] =	ssyncset.s32 @!p0 $0xFFFFF086;
	s6 =	sadd.s32 @!p0 s3, s7;
	s7 =	simm.s32 @!p0 $0x108  }
0x21: {  	s3 =	sadd.s32 s3, s9;
	s6 =	sadd.s32 @!p0 $0x88, s6;
	s7 =	simm.s32 @p2 $0x1082  }
0x22: {  	[simem:s7], [sflag:s8] =	dma.local @!p0 [hbm:s6], $0xF7A  }
0x23: {  	s9 =	sor.u32 $0xD0000000, s2;
	s6 =	simm.s32 $0x108;
	_ =	swait.ge @!p0 [sflag:s8], $0x0  }
0x24: {  	s3 =	sadd.s32 $0x88, s3;
	s6 =	simm.s32 @!p1 $0x1082;
	[sflag:s4] =	ssyncset.s32 $0xFFFFF086  }
0x25: {  	[simem:s6], [sflag:s4] =	dma.local [hbm:s3], $0xF7A  }
0x26: {  	[smem:$0x3FA0] =	sst s1;
	(tag) =	ssettag s2;
	_ =	strace s9  }
0x27: {  	s1 =	sld [smem:$0x3FB0]  }
0x28: {  	s2 =	sld [smem:$0x3FB1]  }
0x29: {  	s4 =	sld [smem:$0x3FB3]  }
0x2a: {  	p0 =	seq.s32 s5, $0x0;
	s5 =	sld [smem:$0x3FB4]  }
0x2b: {  	s6 =	sld [smem:$0x3FB5]  }
0x2c: {  	s7 =	sld [smem:$0x3FB6]  }
0x2d: {  	s3 =	simm.s32 $0x108;
	s8 =	sld [smem:$0x3FB7]  }
0x2e: {  	s3 =	simm.s32 @!p0 $0x1082;
	s9 =	sld [smem:$0x3FB8]  }
0x2f: {  	lr =	sadd.s32 s0, s3;
	s0 =	sld [smem:$0x3FAF]  }
0x30: {  	s3 =	sld [smem:$0x3FB2]  }
0x31: {  	[smem:$0x3FBB] =	sst s10  }
0x32: {  	s10 =	sld [smem:$0x3FB9];
	_ =	sdelay $0x3  }
0x33: {  	p0 =	seq.s32 s10, $0x1;
	s10 =	sld [smem:$0x3FBB];
	_ =	sdelay $0x3  }
0x34: {  	[smem:$0x3FBB] =	sst s10  }
0x35: {  	s10 =	sld [smem:$0x3FBA];
	_ =	sdelay $0x3  }
0x36: {  	p1 =	seq.s32 s10, $0x1;
	s10 =	sld [smem:$0x3FBB];
	_ =	sdelay $0x3  }
0x37: {  	[smem:$0x3FBB] =	sst s10  }
0x38: {  	s10 =	sld [smem:$0x3FBC]  }
0x39: {  	_ = 	snop;
	(pc) =	sbr.ind lr, $3  }
0x3a: {  	_ = 	snop  }
0x3b: {  	_ = 	snop  }
0x3c: {  	p2 =	seq.s32 s10, $0x1;
	s10 =	sld [smem:$0x3FBB]  }
0x3d: {  	_ =	shalt  }
0x3e: {  	_ =	shalt  }
0x3f: {  	_ =	shalt  }
0x40: {  	_ =	shalt  }
0x41: {  	_ =	shalt  }
0x42: {  	_ =	shalt  }
0x43: {  	_ =	shalt  }
0x44: {  	_ =	shalt  }
0x45: {  	_ =	shalt  }
0x46: {  	_ =	shalt  }
0x47: {  	_ =	shalt  }
0x48: {  	_ =	shalt  }
0x49: {  	_ =	shalt  }
0x4a: {  	_ =	shalt  }
0x4b: {  	_ =	shalt  }
0x4c: {  	_ =	shalt  }
0x4d: {  	_ =	shalt  }
0x4e: {  	_ =	shalt  }
0x4f: {  	_ =	shalt  }
0x50: {  	_ =	shalt  }
0x51: {  	_ =	shalt  }
0x52: {  	_ =	shalt  }
0x53: {  	_ =	shalt  }
0x54: {  	_ =	shalt  }
0x55: {  	_ =	shalt  }
0x56: {  	_ =	shalt  }
0x57: {  	_ =	shalt  }
0x58: {  	_ =	shalt  }
0x59: {  	_ =	shalt  }
0x5a: {  	_ =	shalt  }
0x5b: {  	_ =	shalt  }
0x5c: {  	_ =	shalt  }
0x5d: {  	_ =	shalt  }
0x5e: {  	_ =	shalt  }
0x5f: {  	_ =	shalt  }
0x60: {  	_ =	shalt  }
0x61: {  	_ =	shalt  }
0x62: {  	_ =	shalt  }
0x63: {  	_ =	shalt  }
0x64: {  	_ =	shalt  }
0x65: {  	_ =	shalt  }
0x66: {  	_ =	shalt  }
0x67: {  	_ =	shalt  }
0x68: {  	_ =	shalt  }
0x69: {  	_ =	shalt  }
0x6a: {  	_ =	shalt  }
0x6b: {  	_ =	shalt  }
0x6c: {  	_ =	shalt  }
0x6d: {  	_ =	shalt  }
0x6e: {  	_ =	shalt  }
0x6f: {  	_ =	shalt  }
0x70: {  	_ =	shalt  }
0x71: {  	_ =	shalt  }
0x72: {  	_ =	shalt  }
0x73: {  	_ =	shalt  }
0x74: {  	_ =	shalt  }
0x75: {  	_ =	shalt  }
0x76: {  	_ =	shalt  }
0x77: {  	_ =	shalt  }
0x78: {  	_ =	shalt  }
0x79: {  	_ =	shalt  }
0x7a: {  	_ =	shalt  }
0x7b: {  	_ =	shalt  }
0x7c: {  	_ =	shalt  }
0x7d: {  	_ =	shalt  }
0x7e: {  	_ =	shalt  }
0x7f: {  	_ =	shalt  }
0x80: {  	_ =	shalt  }
0x81: {  	_ =	shalt  }
0x82: {  	_ =	shalt  }
0x83: {  	_ =	shalt  }
0x84: {  	_ =	shalt  }
0x85: {  	_ =	shalt  }
0x86: {  	_ =	shalt  }
0x87: {  	_ =	shalt  }
.Lfunc_end0:
.L_simem_size_0:
called_computation_lowered:
.L_overlay_start_0:
0x88: {  	s2 =	sld [smem:$0x3FD9]  }
0x89: {  	s3 =	sld [smem:$0x3FFE];
	_ =	sdelay $0x1  }
0x8a: {  	s1 =	srdreg.scid  }
0x8b: {  	s0 =	sand.u32 $0x1, s1  }
0x8c: {  	s18 =	sshll.u32 s0, $0xA;
	s2 =	sadd.s32 s3, s2  }
0x8d: {  	s2 =	sadd.s32 s2, s18  }
0x8e: {  	[smem:$0x3FC7] =	sst s2  }
0x8f: {  	_ = 	snop  }
0x90: {  	s2 =	sld [smem:$0x3FC9]  }
0x91: {  	s19 =	sld [smem:$0x3FD0];
	(tm) =	ssettm $0x1  }
0x92: {  	s4 =	sld [smem:$0x3FFB];
	_ =	sdelay $0x3  }
0x93: {  	_ =	strace s4  }
0x94: {  	s4 =	sld [smem:$0x3FFC];
	_ =	sdelay $0x3  }
0x95: {  	_ =	strace s4  }
0x96: {  	s4 =	sld [smem:$0x3FFD];
	_ =	sdelay $0x3  }
0x97: {  	_ =	strace s4  }
0x98: {  	_ =	strace $0x8FFFFFFF  }
0x99: {  	s20 =	sld [smem:$0x3FDB];
	_ =	sdelay $0x1  }
0x9a: {  	s5 =	simm.s32 $_scs_section_size  }
0x9b: {  	s6 =	simm.s32 $_size__tile_overlayer_lowered;
	s7 =	simm.s32 $_tile_overlayer_lowered  }
0x9c: {  	s23 =	simm.s32 $0x1BFF;
	s22 =	sshll.u32 s7, $0x1;
	s4 =	sadd.s32 s5, s20  }
0x9d: {  	s8 =	simm.s32 $0x0;
	s21 =	sshll.u32 s6, $0x1;
	s6 =	sadd.s32 s22, s4  }
0x9e: {  	[timem:s8], [sflag:s23] =	dma.local [hbm:s6], s21  }
0x9f: {  	_ =	swait.ge [sflag:s23], s21  }
0xa0: {  	s5 =	ssub.s32 $0x0, s21;
	[sflag:s23] =	ssyncset.done $0x0  }
0xa1: {  	[sflag:s23] =	ssyncadd.s32 s5;
	_ =	sdelay $0x1  }
0xa2: {  	s24 =	simm.s32 $0x1B8B  }
0xa3: {  	_ =	swait.ge [sflag:s24], $0x1  }
0xa4: {  	[sflag:s24] =	ssyncset.done $0x0  }
0xa5: {  	s25 =	simm.s32 $0x1B8E;
	[sflag:s24] =	ssyncadd.s32 $0xFFFFFFFF  }
0xa6: {  	s26 =	simm.s32 $execute0_lowered;
	[smem:$0x3FD2] =	sst s25  }
0xa7: {  	s5 =	sshll.u32 s26, $0x1;
	_ =	strace $0x80000046;
	[dreg:$0x1] =	wrdreg $0xFFFFFFFF  }
0xa8: {  	s28 =	simm.s32 $_size_execute0_lowered;
	s4 =	sadd.s32 s4, s5;
	[dreg:$0x0] =	wrdreg $0x0  }
0xa9: {  	s5 =	sshll.u32 s28, $0x1;
	[dreg:$0x2] =	wrdreg s4  }
0xaa: {  	[dreg:$0x3] =	wrdreg s5  }
0xab: {  	[dreg:$0x4] =	wrdreg $0xC0  }
0xac: {  	_ =	task [dreg:s8], $0x5FFFF  }
0xad: {  	[dreg:$0x1] =	wrdreg $0xFFFFFFFF  }
0xae: {  	[dreg:$0x0] =	wrdreg $0x60  }
0xaf: {  	[dreg:$0x2] =	wrdreg s2  }
0xb0: {  	[dreg:$0x3] =	wrdreg s19  }
0xb1: {  	[dreg:$0x4] =	wrdreg $0x9  }
0xb2: {  	_ =	task.clear_ibuf [dreg:s8], $0x5FFFF;
	_ =	strace $0x90000046  }
0xb3: {  	s29 =	simm.s32 $0x9;
	_ =	strace $0x80000048  }
0xb4: {  	_ =	swait.ge [sflag:s29], $0x1  }
0xb5: {  	[sflag:s29] =	ssyncadd.s32 $0xFFFFFFFF  }
0xb6: {  	_ =	strace $0x90000048  }
0xb7: {  	_ =	sfence  }
0xb8: {  	s30 =	sld [smem:$0x0];
	_ =	sdelay $0x2  }
0xb9: {  	s31 =	sshll.u32 s1, $0xD;
	s1 =	sshrl.u32 s1, $0x2  }
0xba: {  	s3 =	sand.u32 $0x4000, s31;
	s1 =	sadd.s32 s1, s30  }
0xbb: {  	s0 =	sor.u32 s3, s0;
	s1 =	sshll.u32 s1, $0x11  }
0xbc: {  	s0 =	sor.u32 s1, s0  }
0xbd: {  	s0 =	sadd.s32 $0x8F2B, s0  }
0xbe: {  	[sflag:s0] =	ssyncadd.remote.s32 $0x1  }
0xbf: {  	_ =	sfence.sel $0xFFFF  }
0xc0: {  	[dreg:$0x0] =	wrdreg $0xFFFFFFFF;
	(pc) =	sbr.abs _section_cstart, $3  }
0xc1: {  	[dreg:$0x1] =	wrdreg $0xFFFFFFFF  }
0xc2: {  	_ =	task.clear_ibuf [dreg:s8], $0x2FFFF;
	_ =	strace $0x9FFFFFFF  }
0xc3: {  	(tm) =	ssettm $0x7FFFFFFF  }
tec
execute0_lowered:
.L_overlay_start_1:
0x0: {  	(tag) =	ssettag $0x1  }
0x1: {  	s6 =	rddreg [dreg:$0x0]  }
0x2: {  	s7 =	rddreg [dreg:$0x1]  }
0x3: {  	s0 =	rddreg [dreg:$0x2];
	s3 =	srdreg.scid  }
0x4: {  	s2 =	simm.s32 $0x0;
	s1 =	stileid.u32;
	s3 =	sand.u32 $0x1, s3  }
0x5: {  	s13 =	simm.s32 $0x0;
	s4 =	sshll.u32 s1, $0x9;
	s5 =	sshll.u32 s3, $0x8  }
0x6: {  	[smem:$0x7FF] =	sst s2;
	s3 =	ssub.s32 $0x2, s3;
	s4 =	sor.u32 s5, s4  }
0x7: {  	_ =	strace $0x80000047;
	s23 =	sshrl.u32 s3, $0x1;
	s8 =	sshll.u32 s4, $0x6  }
0x8: {  	s9 =	sshrl.u32 s4, $0x3;
	s10 =	ssub.s32 s3, s23;
	s11 =	sshll.u32 s4, $0x8  }
0x9: {  	s3 =	sadd.s32 s6, s8;
	s24 =	sor.u32 $0x8, s9;
	s12 =	sor.u32 $0x10, s9  }
0xa: {  	s26 =	sadd.s32 s7, s11;
	s9 =	sor.u32 $0x18, s9;
	s11 =	simm.s32 $0x2  }
0xb: {  	s25 =	sshll.u32 s24, $0x9;
	s28 =	sshll.u32 s12, $0x9;
	[dreg:$0x3] =	wrdreg s26  }
0xc: {  	s8 =	sshll.u32 s24, $0xB;
	s29 =	sshll.u32 s12, $0xB;
	s31 =	sshll.u32 s9, $0xB  }
0xd: {  	s9 =	sshll.u32 s9, $0x9;
	s12 =	simm.s32 $0x4;
	s8 =	sadd.s32 s7, s8  }
0xe: {  	s4 =	sadd.s32 s6, s25;
	s30 =	sadd.s32 s7, s29;
	[dreg:$0x4] =	wrdreg s8  }
0xf: {  	s5 =	sadd.s32 s6, s28;
	s7 =	sadd.s32 s7, s31;
	[dreg:$0x5] =	wrdreg s30  }
0x10: {  	s6 =	sadd.s32 s6, s9;
	s9 =	simm.s32 $0x1;
	[dreg:$0x6] =	wrdreg s7  }
0x11: {  	s7 =	smax.u32 s10, $0x1;
	s8 =	simm.s32 $0x8000;
	s10 =	simm.s32 $0x3  }
.LBB2_1:
0x12: {  	[tilespmem:s2], [sflag:$0x1] =	stream.linear.gather [hbm4b:s3+s2], $0x8000, $0x38;
	[tilespmem:$0x10000] =	vst v63  }
0x13: {  	_ = 	snop  }
0x14: {  	[tilespmem:s8], [sflag:$0x2] =	stream.linear.gather [hbm4b:s4+s2], $0x8000, $0x38;
	[tilespmem:$0x10000] =	vst v63  }
0x15: {  	_ =	swait.ge [sflag:s9], $0x8000  }
0x16: {  	s15 =	sand.u32 $0x600, s2;
	s14 =	rddreg [dreg:$0x3]  }
0x17: {  	s16 =	sand.u32 $0x70, s2;
	[sflag:s9] =	ssyncset.done $0x0;
	s14 =	sadd.s32 s15, s14  }
0x18: {  	s20 =	sand.u32 $0x380, s2;
	[sflag:s9] =	ssyncadd.s32 $0xFFFF8000;
	s19 =	sadd.s32 s16, s14  }
0x19: {  	[hbm4b:s19+s2] =	stream.linear.scatter [tilespmem:s20], [sflag:$0x3], $0x80, $0x38;
	[tilespmem:$0x10000] =	vst v63  }
0x1a: {  	s28 =	sor.u32 $0x400, s20;
	s29 =	sadd.s32 $0x80, s19  }
0x1b: {  	[hbm4b:s29+s2] =	stream.linear.scatter [tilespmem:s28], [sflag:$0x3], $0x80, $0x38;
	[tilespmem:$0x10000] =	vst v63  }
0x1c: {  	s30 =	sor.u32 $0x800, s20;
	s31 =	sadd.s32 $0x100, s19  }
0x1d: {  	[hbm4b:s31+s2] =	stream.linear.scatter [tilespmem:s30], [sflag:$0x3], $0x80, $0x38;
	[tilespmem:$0x10000] =	vst v63  }
0x1e: {  	s15 =	sor.u32 $0xC00, s20;
	s16 =	sadd.s32 $0x180, s19  }
0x1f: {  	[hbm4b:s16+s2] =	stream.linear.scatter [tilespmem:s15], [sflag:$0x3], $0x80, $0x38;
	[tilespmem:$0x10000] =	vst v63  }
0x20: {  	s17 =	sor.u32 $0x1000, s20;
	s18 =	sadd.s32 $0x800, s19  }
0x21: {  	[hbm4b:s18+s2] =	stream.linear.scatter [tilespmem:s17], [sflag:$0x3], $0x80, $0x38;
	[tilespmem:$0x10000] =	vst v63  }
0x22: {  	s21 =	sor.u32 $0x1400, s20;
	s22 =	sadd.s32 $0x880, s19  }
0x23: {  	[hbm4b:s22+s2] =	stream.linear.scatter [tilespmem:s21], [sflag:$0x3], $0x80, $0x38;
	[tilespmem:$0x10000] =	vst v63  }
0x24: {  	s23 =	sor.u32 $0x1800, s20;
	s24 =	sadd.s32 $0x900, s19  }
0x25: {  	[hbm4b:s24+s2] =	stream.linear.scatter [tilespmem:s23], [sflag:$0x3], $0x80, $0x38;
	[tilespmem:$0x10000] =	vst v63  }
0x26: {  	s25 =	sor.u32 $0x1C00, s20;
	s26 =	sadd.s32 $0x980, s19  }
0x27: {  	[hbm4b:s26+s2] =	stream.linear.scatter [tilespmem:s25], [sflag:$0x3], $0x80, $0x38;
	[tilespmem:$0x10000] =	vst v63  }
0x28: {  	s28 =	sor.u32 $0x2000, s20;
	s29 =	sadd.s32 $0x1000, s19  }
0x29: {  	[hbm4b:s29+s2] =	stream.linear.scatter [tilespmem:s28], [sflag:$0x3], $0x80, $0x38;
	[tilespmem:$0x10000] =	vst v63  }
0x2a: {  	s30 =	sor.u32 $0x2400, s20;
	s31 =	sadd.s32 $0x1080, s19  }
0x2b: {  	[hbm4b:s31+s2] =	stream.linear.scatter [tilespmem:s30], [sflag:$0x3], $0x80, $0x38;
	[tilespmem:$0x10000] =	vst v63  }
0x2c: {  	s15 =	sor.u32 $0x2800, s20;
	s16 =	sadd.s32 $0x1100, s19  }
0x2d: {  	[hbm4b:s16+s2] =	stream.linear.scatter [tilespmem:s15], [sflag:$0x3], $0x80, $0x38;
	[tilespmem:$0x10000] =	vst v63  }
0x2e: {  	s17 =	sor.u32 $0x2C00, s20;
	s18 =	sadd.s32 $0x1180, s19  }
0x2f: {  	[hbm4b:s18+s2] =	stream.linear.scatter [tilespmem:s17], [sflag:$0x3], $0x80, $0x38;
	[tilespmem:$0x10000] =	vst v63  }
0x30: {  	s21 =	sor.u32 $0x3000, s20;
	s22 =	sadd.s32 $0x1800, s19  }
0x31: {  	[hbm4b:s22+s2] =	stream.linear.scatter [tilespmem:s21], [sflag:$0x3], $0x80, $0x38;
	[tilespmem:$0x10000] =	vst v63  }
0x32: {  	s23 =	sor.u32 $0x3400, s20;
	s24 =	sadd.s32 $0x1880, s19  }
0x33: {  	[hbm4b:s24+s2] =	stream.linear.scatter [tilespmem:s23], [sflag:$0x3], $0x80, $0x38;
	[tilespmem:$0x10000] =	vst v63  }
0x34: {  	s25 =	sor.u32 $0x3800, s20;
	s26 =	sadd.s32 $0x1900, s19  }
0x35: {  	[hbm4b:s26+s2] =	stream.linear.scatter [tilespmem:s25], [sflag:$0x3], $0x80, $0x38;
	[tilespmem:$0x10000] =	vst v63  }
0x36: {  	s28 =	sor.u32 $0x3C00, s20;
	s29 =	sadd.s32 $0x1980, s19  }
0x37: {  	[hbm4b:s29+s2] =	stream.linear.scatter [tilespmem:s28], [sflag:$0x3], $0x80, $0x38;
	[tilespmem:$0x10000] =	vst v63  }
0x38: {  	s30 =	sor.u32 $0x4000, s20;
	s31 =	sadd.s32 $0x2000, s19  }
0x39: {  	[hbm4b:s31+s2] =	stream.linear.scatter [tilespmem:s30], [sflag:$0x3], $0x80, $0x38;
	[tilespmem:$0x10000] =	vst v63  }
0x3a: {  	s15 =	sor.u32 $0x4400, s20;
	s16 =	sadd.s32 $0x2080, s19  }
0x3b: {  	[hbm4b:s16+s2] =	stream.linear.scatter [tilespmem:s15], [sflag:$0x3], $0x80, $0x38;
	[tilespmem:$0x10000] =	vst v63  }
0x3c: {  	s17 =	sor.u32 $0x4800, s20;
	s18 =	sadd.s32 $0x2100, s19  }
0x3d: {  	[hbm4b:s18+s2] =	stream.linear.scatter [tilespmem:s17], [sflag:$0x3], $0x80, $0x38;
	[tilespmem:$0x10000] =	vst v63  }
0x3e: {  	s21 =	sor.u32 $0x4C00, s20;
	s22 =	sadd.s32 $0x2180, s19  }
0x3f: {  	[hbm4b:s22+s2] =	stream.linear.scatter [tilespmem:s21], [sflag:$0x3], $0x80, $0x38;
	[tilespmem:$0x10000] =	vst v63  }
0x40: {  	s23 =	sor.u32 $0x5000, s20;
	s24 =	sadd.s32 $0x2800, s19  }
0x41: {  	[hbm4b:s24+s2] =	stream.linear.scatter [tilespmem:s23], [sflag:$0x3], $0x80, $0x38;
	[tilespmem:$0x10000] =	vst v63  }
0x42: {  	s25 =	sor.u32 $0x5400, s20;
	s26 =	sadd.s32 $0x2880, s19  }
0x43: {  	[hbm4b:s26+s2] =	stream.linear.scatter [tilespmem:s25], [sflag:$0x3], $0x80, $0x38;
	[tilespmem:$0x10000] =	vst v63  }
0x44: {  	s28 =	sor.u32 $0x5800, s20;
	s29 =	sadd.s32 $0x2900, s19;
	s30 =	sor.u32 $0x5C00, s20  }
0x45: {  	[hbm4b:s29+s2] =	stream.linear.scatter [tilespmem:s28], [sflag:$0x3], $0x80, $0x38;
	[tilespmem:$0x10000] =	vst v63  }
0x46: {  	s31 =	sadd.s32 $0x2980, s19;
	s16 =	sor.u32 $0x6000, s20;
	s15 =	simm.s32 $0x20  }
0x47: {  	[hbm4b:s31+s2] =	stream.linear.scatter [tilespmem:s30], [sflag:$0x3], $0x80, $0x38;
	[tilespmem:$0x10000] =	vst v63  }
0x48: {  	s17 =	sadd.s32 $0x3000, s19;
	s18 =	sor.u32 $0x6400, s20;
	s21 =	sadd.s32 $0x3080, s19  }
0x49: {  	[hbm4b:s17+s2] =	stream.linear.scatter [tilespmem:s16], [sflag:$0x3], $0x80, $0x38;
	[tilespmem:$0x10000] =	vst v63  }
0x4a: {  	s22 =	sor.u32 $0x6800, s20;
	s23 =	sadd.s32 $0x3100, s19;
	s24 =	sor.u32 $0x6C00, s20  }
0x4b: {  	[hbm4b:s21+s2] =	stream.linear.scatter [tilespmem:s18], [sflag:$0x3], $0x80, $0x38;
	[tilespmem:$0x10000] =	vst v63  }
0x4c: {  	s25 =	sadd.s32 $0x3180, s19;
	s26 =	sor.u32 $0x7000, s20;
	s28 =	simm.s32 $0x40  }
0x4d: {  	[hbm4b:s23+s2] =	stream.linear.scatter [tilespmem:s22], [sflag:$0x3], $0x80, $0x38;
	[tilespmem:$0x10000] =	vst v63  }
0x4e: {  	s29 =	sor.u32 $0x7400, s20;
	s14 =	sand.u32 $0x600, s28;
	s30 =	sor.u32 $0x7800, s20  }
0x4f: {  	[hbm4b:s25+s2] =	stream.linear.scatter [tilespmem:s24], [sflag:$0x3], $0x80, $0x38;
	[tilespmem:$0x10000] =	vst v63  }
0x50: {  	s31 =	sadd.s32 $0x3900, s19;
	s20 =	sor.u32 $0x7C00, s20;
	s16 =	sadd.s32 $0x3800, s19  }
0x51: {  	[hbm4b:s16+s2] =	stream.linear.scatter [tilespmem:s26], [sflag:$0x3], $0x80, $0x38;
	[tilespmem:$0x10000] =	vst v63  }
0x52: {  	s17 =	sadd.s32 $0x3880, s19;
	s19 =	sadd.s32 $0x3980, s19;
	s21 =	rddreg [dreg:$0x3]  }
0x53: {  	[hbm4b:s17+s2] =	stream.linear.scatter [tilespmem:s29], [sflag:$0x3], $0x80, $0x38;
	[tilespmem:$0x10000] =	vst v63  }
0x54: {  	s18 =	simm.s32 $0x80;
	s16 =	simm.s32 $0x10;
	s17 =	simm.s32 $0x40  }
0x55: {  	[hbm4b:s31+s2] =	stream.linear.scatter [tilespmem:s30], [sflag:$0x3], $0x80, $0x38;
	[tilespmem:$0x10000] =	vst v63  }
.LBB2_2:
0x56: {  	[hbm4b:s19+s2] =	stream.linear.scatter [tilespmem:s20], [sflag:$0x3], $0x80, $0x38;
	[tilespmem:$0x10000] =	vst v63  }
0x57: {  	s28 =	sand.u32 $0x70, s16;
	s29 =	sadd.s32 s14, s21  }
0x58: {  	s20 =	sand.u32 $0x380, s15;
	s19 =	sadd.s32 s28, s29  }
0x59: {  	[hbm4b:s19+s2] =	stream.linear.scatter [tilespmem:s20], [sflag:$0x3], $0x80, $0x38;
	[tilespmem:$0x10000] =	vst v63  }
0x5a: {  	s15 =	sor.u32 $0x400, s20;
	s30 =	sadd.s32 $0x80, s19  }
0x5b: {  	[hbm4b:s30+s2] =	stream.linear.scatter [tilespmem:s15], [sflag:$0x3], $0x80, $0x38;
	[tilespmem:$0x10000] =	vst v63  }
0x5c: {  	s31 =	sor.u32 $0x800, s20;
	s23 =	sadd.s32 $0x100, s19  }
0x5d: {  	[hbm4b:s23+s2] =	stream.linear.scatter [tilespmem:s31], [sflag:$0x3], $0x80, $0x38;
	[tilespmem:$0x10000] =	vst v63  }
0x5e: {  	s24 =	sadd.s32 $0x180, s19;
	s23 =	sor.u32 $0xC00, s20  }
0x5f: {  	[hbm4b:s24+s2] =	stream.linear.scatter [tilespmem:s23], [sflag:$0x3], $0x80, $0x38;
	[tilespmem:$0x10000] =	vst v63  }
0x60: {  	s25 =	sor.u32 $0x1000, s20;
	s26 =	sadd.s32 $0x800, s19  }
0x61: {  	[hbm4b:s26+s2] =	stream.linear.scatter [tilespmem:s25], [sflag:$0x3], $0x80, $0x38;
	[tilespmem:$0x10000] =	vst v63  }
0x62: {  	s28 =	sor.u32 $0x1400, s20;
	s29 =	sadd.s32 $0x880, s19  }
0x63: {  	[hbm4b:s29+s2] =	stream.linear.scatter [tilespmem:s28], [sflag:$0x3], $0x80, $0x38;
	[tilespmem:$0x10000] =	vst v63  }
0x64: {  	s30 =	sor.u32 $0x1800, s20;
	s31 =	sadd.s32 $0x900, s19  }
0x65: {  	[hbm4b:s31+s2] =	stream.linear.scatter [tilespmem:s30], [sflag:$0x3], $0x80, $0x38;
	[tilespmem:$0x10000] =	vst v63  }
0x66: {  	s23 =	sor.u32 $0x1C00, s20;
	s24 =	sadd.s32 $0x980, s19  }
0x67: {  	[hbm4b:s24+s2] =	stream.linear.scatter [tilespmem:s23], [sflag:$0x3], $0x80, $0x38;
	[tilespmem:$0x10000] =	vst v63  }
0x68: {  	s25 =	sor.u32 $0x2000, s20;
	s26 =	sadd.s32 $0x1000, s19  }
0x69: {  	[hbm4b:s26+s2] =	stream.linear.scatter [tilespmem:s25], [sflag:$0x3], $0x80, $0x38;
	[tilespmem:$0x10000] =	vst v63  }
0x6a: {  	s28 =	sor.u32 $0x2400, s20;
	s29 =	sadd.s32 $0x1080, s19  }
0x6b: {  	[hbm4b:s29+s2] =	stream.linear.scatter [tilespmem:s28], [sflag:$0x3], $0x80, $0x38;
	[tilespmem:$0x10000] =	vst v63  }
0x6c: {  	s30 =	sor.u32 $0x2800, s20;
	s31 =	sadd.s32 $0x1100, s19  }
0x6d: {  	[hbm4b:s31+s2] =	stream.linear.scatter [tilespmem:s30], [sflag:$0x3], $0x80, $0x38;
	[tilespmem:$0x10000] =	vst v63  }
0x6e: {  	s23 =	sor.u32 $0x2C00, s20;
	s24 =	sadd.s32 $0x1180, s19  }
0x6f: {  	[hbm4b:s24+s2] =	stream.linear.scatter [tilespmem:s23], [sflag:$0x3], $0x80, $0x38;
	[tilespmem:$0x10000] =	vst v63  }
0x70: {  	s25 =	sor.u32 $0x3000, s20;
	s26 =	sadd.s32 $0x1800, s19  }
0x71: {  	[hbm4b:s26+s2] =	stream.linear.scatter [tilespmem:s25], [sflag:$0x3], $0x80, $0x38;
	[tilespmem:$0x10000] =	vst v63  }
0x72: {  	s28 =	sor.u32 $0x3400, s20;
	s29 =	sadd.s32 $0x1880, s19  }
0x73: {  	[hbm4b:s29+s2] =	stream.linear.scatter [tilespmem:s28], [sflag:$0x3], $0x80, $0x38;
	[tilespmem:$0x10000] =	vst v63  }
0x74: {  	s30 =	sor.u32 $0x3800, s20;
	s31 =	sadd.s32 $0x1900, s19  }
0x75: {  	[hbm4b:s31+s2] =	stream.linear.scatter [tilespmem:s30], [sflag:$0x3], $0x80, $0x38;
	[tilespmem:$0x10000] =	vst v63  }
0x76: {  	s23 =	sor.u32 $0x3C00, s20;
	s24 =	sadd.s32 $0x1980, s19  }
0x77: {  	[hbm4b:s24+s2] =	stream.linear.scatter [tilespmem:s23], [sflag:$0x3], $0x80, $0x38;
	[tilespmem:$0x10000] =	vst v63  }
0x78: {  	s25 =	sor.u32 $0x4000, s20;
	s26 =	sadd.s32 $0x2000, s19  }
0x79: {  	[hbm4b:s26+s2] =	stream.linear.scatter [tilespmem:s25], [sflag:$0x3], $0x80, $0x38;
	[tilespmem:$0x10000] =	vst v63  }
0x7a: {  	s28 =	sor.u32 $0x4400, s20;
	s29 =	sadd.s32 $0x2080, s19  }
0x7b: {  	[hbm4b:s29+s2] =	stream.linear.scatter [tilespmem:s28], [sflag:$0x3], $0x80, $0x38;
	[tilespmem:$0x10000] =	vst v63  }
0x7c: {  	s30 =	sor.u32 $0x4800, s20;
	s31 =	sadd.s32 $0x2100, s19  }
0x7d: {  	[hbm4b:s31+s2] =	stream.linear.scatter [tilespmem:s30], [sflag:$0x3], $0x80, $0x38;
	[tilespmem:$0x10000] =	vst v63  }
0x7e: {  	s23 =	sor.u32 $0x4C00, s20;
	s24 =	sadd.s32 $0x2180, s19  }
0x7f: {  	[hbm4b:s24+s2] =	stream.linear.scatter [tilespmem:s23], [sflag:$0x3], $0x80, $0x38;
	[tilespmem:$0x10000] =	vst v63  }
0x80: {  	s25 =	sor.u32 $0x5000, s20;
	s26 =	sadd.s32 $0x2800, s19  }
0x81: {  	[hbm4b:s26+s2] =	stream.linear.scatter [tilespmem:s25], [sflag:$0x3], $0x80, $0x38;
	[tilespmem:$0x10000] =	vst v63  }
0x82: {  	s28 =	sor.u32 $0x5400, s20;
	s29 =	sadd.s32 $0x2880, s19  }
0x83: {  	[hbm4b:s29+s2] =	stream.linear.scatter [tilespmem:s28], [sflag:$0x3], $0x80, $0x38;
	[tilespmem:$0x10000] =	vst v63  }
0x84: {  	s30 =	sor.u32 $0x5800, s20;
	s31 =	sadd.s32 $0x2900, s19  }
0x85: {  	[hbm4b:s31+s2] =	stream.linear.scatter [tilespmem:s30], [sflag:$0x3], $0x80, $0x38;
	[tilespmem:$0x10000] =	vst v63  }
0x86: {  	s22 =	smov.u32 s17;
	s23 =	sor.u32 $0x5C00, s20;
	s24 =	sadd.s32 $0x2980, s19  }
0x87: {  	[hbm4b:s24+s2] =	stream.linear.scatter [tilespmem:s23], [sflag:$0x3], $0x80, $0x38;
	[tilespmem:$0x10000] =	vst v63  }
0x88: {  	s14 =	sand.u32 $0x600, s18;
	s25 =	sor.u32 $0x6000, s20;
	s26 =	sadd.s32 $0x3000, s19  }
0x89: {  	[hbm4b:s26+s2] =	stream.linear.scatter [tilespmem:s25], [sflag:$0x3], $0x80, $0x38;
	[tilespmem:$0x10000] =	vst v63  }
0x8a: {  	p0 =	sne.s32 s17, $0x3E0;
	s28 =	sor.u32 $0x6400, s20;
	s29 =	sadd.s32 $0x3080, s19  }
0x8b: {  	[hbm4b:s29+s2] =	stream.linear.scatter [tilespmem:s28], [sflag:$0x3], $0x80, $0x38;
	[tilespmem:$0x10000] =	vst v63  }
0x8c: {  	s17 =	sadd.s32 $0x20, s17;
	s30 =	sor.u32 $0x6800, s20;
	s31 =	sadd.s32 $0x3100, s19  }
0x8d: {  	[hbm4b:s31+s2] =	stream.linear.scatter [tilespmem:s30], [sflag:$0x3], $0x80, $0x38;
	[tilespmem:$0x10000] =	vst v63  }
0x8e: {  	s16 =	sadd.s32 $0x10, s16;
	s23 =	sor.u32 $0x6C00, s20;
	s24 =	sadd.s32 $0x3180, s19  }
0x8f: {  	[hbm4b:s24+s2] =	stream.linear.scatter [tilespmem:s23], [sflag:$0x3], $0x80, $0x38;
	[tilespmem:$0x10000] =	vst v63  }
0x90: {  	s21 =	rddreg [dreg:$0x3];
	s25 =	sor.u32 $0x7000, s20;
	s26 =	sadd.s32 $0x3800, s19  }
0x91: {  	[hbm4b:s26+s2] =	stream.linear.scatter [tilespmem:s25], [sflag:$0x3], $0x80, $0x38;
	[tilespmem:$0x10000] =	vst v63  }
.Ltmp0:
0x92: {  	s18 =	sadd.s32 $0x40, s18;
	s15 =	smov.u32 s22;
	(pc) =	sbr.rel @p0 .LBB2_2-.Ltmp0, $4  }
0x93: {  	s28 =	sor.u32 $0x7400, s20;
	s29 =	sadd.s32 $0x3880, s19;
	s30 =	sor.u32 $0x7800, s20  }
0x94: {  	[hbm4b:s29+s2] =	stream.linear.scatter [tilespmem:s28], [sflag:$0x3], $0x80, $0x38;
	[tilespmem:$0x10000] =	vst v63  }
0x95: {  	s31 =	sadd.s32 $0x3900, s19;
	s20 =	sor.u32 $0x7C00, s20;
	s19 =	sadd.s32 $0x3980, s19  }
0x96: {  	[hbm4b:s31+s2] =	stream.linear.scatter [tilespmem:s30], [sflag:$0x3], $0x80, $0x38;
	[tilespmem:$0x10000] =	vst v63  }
0x97: {  	[hbm4b:s19+s2] =	stream.linear.scatter [tilespmem:s20], [sflag:$0x3], $0x80, $0x38;
	[tilespmem:$0x10000] =	vst v63  }
0x98: {  	s16 =	sand.u32 $0x70, s16;
	s14 =	sadd.s32 s14, s21  }
0x99: {  	s15 =	sand.u32 $0x380, s15;
	s14 =	sadd.s32 s16, s14  }
0x9a: {  	[hbm4b:s14+s2] =	stream.linear.scatter [tilespmem:s15], [sflag:$0x3], $0x80, $0x38;
	[tilespmem:$0x10000] =	vst v63  }
0x9b: {  	s31 =	sor.u32 $0x400, s15;
	s17 =	sadd.s32 $0x80, s14  }
0x9c: {  	[hbm4b:s17+s2] =	stream.linear.scatter [tilespmem:s31], [sflag:$0x3], $0x80, $0x38;
	[tilespmem:$0x10000] =	vst v63  }
0x9d: {  	s18 =	sadd.s32 $0x100, s14;
	s17 =	sor.u32 $0x800, s15  }
0x9e: {  	[hbm4b:s18+s2] =	stream.linear.scatter [tilespmem:s17], [sflag:$0x3], $0x80, $0x38;
	[tilespmem:$0x10000] =	vst v63  }
0x9f: {  	s19 =	sor.u32 $0xC00, s15;
	s20 =	sadd.s32 $0x180, s14  }
0xa0: {  	[hbm4b:s20+s2] =	stream.linear.scatter [tilespmem:s19], [sflag:$0x3], $0x80, $0x38;
	[tilespmem:$0x10000] =	vst v63  }
0xa1: {  	s21 =	sor.u32 $0x1000, s15;
	s22 =	sadd.s32 $0x800, s14  }
0xa2: {  	[hbm4b:s22+s2] =	stream.linear.scatter [tilespmem:s21], [sflag:$0x3], $0x80, $0x38;
	[tilespmem:$0x10000] =	vst v63  }
0xa3: {  	s23 =	sor.u32 $0x1400, s15;
	s24 =	sadd.s32 $0x880, s14  }
0xa4: {  	[hbm4b:s24+s2] =	stream.linear.scatter [tilespmem:s23], [sflag:$0x3], $0x80, $0x38;
	[tilespmem:$0x10000] =	vst v63  }
0xa5: {  	s25 =	sor.u32 $0x1800, s15;
	s26 =	sadd.s32 $0x900, s14  }
0xa6: {  	[hbm4b:s26+s2] =	stream.linear.scatter [tilespmem:s25], [sflag:$0x3], $0x80, $0x38;
	[tilespmem:$0x10000] =	vst v63  }
0xa7: {  	s28 =	sor.u32 $0x1C00, s15;
	s29 =	sadd.s32 $0x980, s14  }
0xa8: {  	[hbm4b:s29+s2] =	stream.linear.scatter [tilespmem:s28], [sflag:$0x3], $0x80, $0x38;
	[tilespmem:$0x10000] =	vst v63  }
0xa9: {  	s30 =	sor.u32 $0x2000, s15;
	s31 =	sadd.s32 $0x1000, s14  }
0xaa: {  	[hbm4b:s31+s2] =	stream.linear.scatter [tilespmem:s30], [sflag:$0x3], $0x80, $0x38;
	[tilespmem:$0x10000] =	vst v63  }
0xab: {  	s17 =	sor.u32 $0x2400, s15;
	s18 =	sadd.s32 $0x1080, s14  }
0xac: {  	[hbm4b:s18+s2] =	stream.linear.scatter [tilespmem:s17], [sflag:$0x3], $0x80, $0x38;
	[tilespmem:$0x10000] =	vst v63  }
0xad: {  	s19 =	sor.u32 $0x2800, s15;
	s20 =	sadd.s32 $0x1100, s14  }
0xae: {  	[hbm4b:s20+s2] =	stream.linear.scatter [tilespmem:s19], [sflag:$0x3], $0x80, $0x38;
	[tilespmem:$0x10000] =	vst v63  }
0xaf: {  	s21 =	sor.u32 $0x2C00, s15;
	s22 =	sadd.s32 $0x1180, s14  }
0xb0: {  	[hbm4b:s22+s2] =	stream.linear.scatter [tilespmem:s21], [sflag:$0x3], $0x80, $0x38;
	[tilespmem:$0x10000] =	vst v63  }
0xb1: {  	s23 =	sor.u32 $0x3000, s15;
	s24 =	sadd.s32 $0x1800, s14  }
0xb2: {  	[hbm4b:s24+s2] =	stream.linear.scatter [tilespmem:s23], [sflag:$0x3], $0x80, $0x38;
	[tilespmem:$0x10000] =	vst v63  }
0xb3: {  	s25 =	sor.u32 $0x3400, s15;
	s26 =	sadd.s32 $0x1880, s14  }
0xb4: {  	[hbm4b:s26+s2] =	stream.linear.scatter [tilespmem:s25], [sflag:$0x3], $0x80, $0x38;
	[tilespmem:$0x10000] =	vst v63  }
0xb5: {  	s28 =	sor.u32 $0x3800, s15;
	s29 =	sadd.s32 $0x1900, s14  }
0xb6: {  	[hbm4b:s29+s2] =	stream.linear.scatter [tilespmem:s28], [sflag:$0x3], $0x80, $0x38;
	[tilespmem:$0x10000] =	vst v63  }
0xb7: {  	s30 =	sor.u32 $0x3C00, s15;
	s31 =	sadd.s32 $0x1980, s14  }
0xb8: {  	[hbm4b:s31+s2] =	stream.linear.scatter [tilespmem:s30], [sflag:$0x3], $0x80, $0x38;
	[tilespmem:$0x10000] =	vst v63  }
0xb9: {  	s17 =	sor.u32 $0x4000, s15;
	s18 =	sadd.s32 $0x2000, s14  }
0xba: {  	[hbm4b:s18+s2] =	stream.linear.scatter [tilespmem:s17], [sflag:$0x3], $0x80, $0x38;
	[tilespmem:$0x10000] =	vst v63  }
0xbb: {  	s19 =	sor.u32 $0x4400, s15;
	s20 =	sadd.s32 $0x2080, s14  }
0xbc: {  	[hbm4b:s20+s2] =	stream.linear.scatter [tilespmem:s19], [sflag:$0x3], $0x80, $0x38;
	[tilespmem:$0x10000] =	vst v63  }
0xbd: {  	s21 =	sor.u32 $0x4800, s15;
	s22 =	sadd.s32 $0x2100, s14  }
0xbe: {  	[hbm4b:s22+s2] =	stream.linear.scatter [tilespmem:s21], [sflag:$0x3], $0x80, $0x38;
	[tilespmem:$0x10000] =	vst v63  }
0xbf: {  	s23 =	sor.u32 $0x4C00, s15;
	s24 =	sadd.s32 $0x2180, s14  }
0xc0: {  	[hbm4b:s24+s2] =	stream.linear.scatter [tilespmem:s23], [sflag:$0x3], $0x80, $0x38;
	[tilespmem:$0x10000] =	vst v63  }
0xc1: {  	s25 =	sor.u32 $0x5000, s15;
	s26 =	sadd.s32 $0x2800, s14  }
0xc2: {  	[hbm4b:s26+s2] =	stream.linear.scatter [tilespmem:s25], [sflag:$0x3], $0x80, $0x38;
	[tilespmem:$0x10000] =	vst v63  }
0xc3: {  	s28 =	sor.u32 $0x5400, s15;
	s29 =	sadd.s32 $0x2880, s14  }
0xc4: {  	[hbm4b:s29+s2] =	stream.linear.scatter [tilespmem:s28], [sflag:$0x3], $0x80, $0x38;
	[tilespmem:$0x10000] =	vst v63  }
0xc5: {  	s30 =	sor.u32 $0x5800, s15;
	s31 =	sadd.s32 $0x2900, s14  }
0xc6: {  	[hbm4b:s31+s2] =	stream.linear.scatter [tilespmem:s30], [sflag:$0x3], $0x80, $0x38;
	[tilespmem:$0x10000] =	vst v63  }
0xc7: {  	s17 =	sor.u32 $0x5C00, s15;
	s18 =	sadd.s32 $0x2980, s14  }
0xc8: {  	[hbm4b:s18+s2] =	stream.linear.scatter [tilespmem:s17], [sflag:$0x3], $0x80, $0x38;
	[tilespmem:$0x10000] =	vst v63  }
0xc9: {  	s19 =	sor.u32 $0x6000, s15;
	s20 =	sadd.s32 $0x3000, s14  }
0xca: {  	[hbm4b:s20+s2] =	stream.linear.scatter [tilespmem:s19], [sflag:$0x3], $0x80, $0x38;
	[tilespmem:$0x10000] =	vst v63  }
0xcb: {  	s21 =	sor.u32 $0x6400, s15;
	s22 =	sadd.s32 $0x3080, s14  }
0xcc: {  	[hbm4b:s22+s2] =	stream.linear.scatter [tilespmem:s21], [sflag:$0x3], $0x80, $0x38;
	[tilespmem:$0x10000] =	vst v63  }
0xcd: {  	s23 =	sor.u32 $0x6800, s15;
	s24 =	sadd.s32 $0x3100, s14  }
0xce: {  	[hbm4b:s24+s2] =	stream.linear.scatter [tilespmem:s23], [sflag:$0x3], $0x80, $0x38;
	[tilespmem:$0x10000] =	vst v63  }
0xcf: {  	s25 =	sor.u32 $0x6C00, s15;
	s26 =	sadd.s32 $0x3180, s14  }
0xd0: {  	[hbm4b:s26+s2] =	stream.linear.scatter [tilespmem:s25], [sflag:$0x3], $0x80, $0x38;
	[tilespmem:$0x10000] =	vst v63  }
0xd1: {  	s28 =	sor.u32 $0x7000, s15;
	s29 =	sadd.s32 $0x3800, s14  }
0xd2: {  	[hbm4b:s29+s2] =	stream.linear.scatter [tilespmem:s28], [sflag:$0x3], $0x80, $0x38;
	[tilespmem:$0x10000] =	vst v63  }
0xd3: {  	s30 =	sor.u32 $0x7400, s15;
	s31 =	sadd.s32 $0x3880, s14  }
0xd4: {  	[hbm4b:s31+s2] =	stream.linear.scatter [tilespmem:s30], [sflag:$0x3], $0x80, $0x38;
	[tilespmem:$0x10000] =	vst v63  }
0xd5: {  	s18 =	sor.u32 $0x7800, s15;
	s19 =	sadd.s32 $0x3900, s14  }
0xd6: {  	[hbm4b:s19+s2] =	stream.linear.scatter [tilespmem:s18], [sflag:$0x3], $0x80, $0x38;
	[tilespmem:$0x10000] =	vst v63  }
0xd7: {  	s15 =	sor.u32 $0x7C00, s15;
	s14 =	sadd.s32 $0x3980, s14  }
0xd8: {  	[hbm4b:s14+s2] =	stream.linear.scatter [tilespmem:s15], [sflag:$0x3], $0x80, $0x38;
	[tilespmem:$0x10000] =	vst v63  }
0xd9: {  	_ =	swait.ge [sflag:s10], $0x1000  }
0xda: {  	[sflag:s10] =	ssyncset.done $0x0  }
0xdb: {  	[sflag:s10] =	ssyncadd.s32 $0xFFFFF000  }
0xdc: {  	_ =	swait.ge [sflag:s10], $0x1000  }
0xdd: {  	[sflag:s10] =	ssyncset.done $0x0  }
0xde: {  	[sflag:s10] =	ssyncadd.s32 $0xFFFFF000  }
0xdf: {  	_ =	swait.ge [sflag:s10], $0x1000  }
0xe0: {  	[sflag:s10] =	ssyncset.done $0x0  }
0xe1: {  	[sflag:s10] =	ssyncadd.s32 $0xFFFFF000  }
0xe2: {  	_ =	swait.ge [sflag:s10], $0x1000  }
0xe3: {  	[sflag:s10] =	ssyncset.done $0x0  }
0xe4: {  	[sflag:s10] =	ssyncadd.s32 $0xFFFFF000  }
0xe5: {  	_ =	swait.ge [sflag:s10], $0x1000  }
0xe6: {  	[sflag:s10] =	ssyncset.done $0x0  }
0xe7: {  	[sflag:s10] =	ssyncadd.s32 $0xFFFFF000  }
0xe8: {  	_ =	swait.ge [sflag:s10], $0x1000  }
0xe9: {  	[sflag:s10] =	ssyncset.done $0x0  }
0xea: {  	[sflag:s10] =	ssyncadd.s32 $0xFFFFF000  }
0xeb: {  	_ =	swait.ge [sflag:s10], $0x1000  }
0xec: {  	[sflag:s10] =	ssyncset.done $0x0  }
0xed: {  	[sflag:s10] =	ssyncadd.s32 $0xFFFFF000  }
0xee: {  	_ =	swait.ge [sflag:s10], $0x1000  }
0xef: {  	[sflag:s10] =	ssyncset.done $0x0  }
0xf0: {  	[sflag:s10] =	ssyncadd.s32 $0xFFFFF000  }
0xf1: {  	_ =	swait.ge [sflag:s10], $0x1000  }
0xf2: {  	[sflag:s10] =	ssyncset.done $0x0  }
0xf3: {  	[sflag:s10] =	ssyncadd.s32 $0xFFFFF000  }
0xf4: {  	_ =	swait.ge [sflag:s10], $0x1000  }
0xf5: {  	[sflag:s10] =	ssyncset.done $0x0  }
0xf6: {  	[sflag:s10] =	ssyncadd.s32 $0xFFFFF000  }
0xf7: {  	_ =	swait.ge [sflag:s10], $0x1000  }
0xf8: {  	[sflag:s10] =	ssyncset.done $0x0  }
0xf9: {  	[sflag:s10] =	ssyncadd.s32 $0xFFFFF000  }
0xfa: {  	_ =	swait.ge [sflag:s10], $0x1000  }
0xfb: {  	[sflag:s10] =	ssyncset.done $0x0  }
0xfc: {  	[sflag:s10] =	ssyncadd.s32 $0xFFFFF000  }
0xfd: {  	_ =	swait.ge [sflag:s10], $0x1000  }
0xfe: {  	[sflag:s10] =	ssyncset.done $0x0  }
0xff: {  	[sflag:s10] =	ssyncadd.s32 $0xFFFFF000  }
0x100: {  	_ =	swait.ge [sflag:s10], $0x1000  }
0x101: {  	[sflag:s10] =	ssyncset.done $0x0  }
0x102: {  	[sflag:s10] =	ssyncadd.s32 $0xFFFFF000  }
0x103: {  	_ =	swait.ge [sflag:s10], $0x1000  }
0x104: {  	[sflag:s10] =	ssyncset.done $0x0  }
0x105: {  	[sflag:s10] =	ssyncadd.s32 $0xFFFFF000  }
0x106: {  	_ =	swait.ge [sflag:s10], $0x1000  }
0x107: {  	[sflag:s10] =	ssyncset.done $0x0  }
0x108: {  	[sflag:s10] =	ssyncadd.s32 $0xFFFFF000  }
0x109: {  	_ =	swait.ge [sflag:s10], $0x1000  }
0x10a: {  	[sflag:s10] =	ssyncset.done $0x0  }
0x10b: {  	[sflag:s10] =	ssyncadd.s32 $0xFFFFF000  }
0x10c: {  	_ =	swait.ge [sflag:s10], $0x1000  }
0x10d: {  	[sflag:s10] =	ssyncset.done $0x0  }
0x10e: {  	[sflag:s10] =	ssyncadd.s32 $0xFFFFF000  }
0x10f: {  	_ =	swait.ge [sflag:s10], $0x1000  }
0x110: {  	[sflag:s10] =	ssyncset.done $0x0  }
0x111: {  	[sflag:s10] =	ssyncadd.s32 $0xFFFFF000  }
0x112: {  	_ =	swait.ge [sflag:s10], $0x1000  }
0x113: {  	[sflag:s10] =	ssyncset.done $0x0  }
0x114: {  	[sflag:s10] =	ssyncadd.s32 $0xFFFFF000  }
0x115: {  	_ =	swait.ge [sflag:s10], $0x1000  }
0x116: {  	[sflag:s10] =	ssyncset.done $0x0  }
0x117: {  	[sflag:s10] =	ssyncadd.s32 $0xFFFFF000  }
0x118: {  	_ =	swait.ge [sflag:s10], $0x1000  }
0x119: {  	[sflag:s10] =	ssyncset.done $0x0  }
0x11a: {  	[sflag:s10] =	ssyncadd.s32 $0xFFFFF000  }
0x11b: {  	_ =	swait.ge [sflag:s10], $0x1000  }
0x11c: {  	[sflag:s10] =	ssyncset.done $0x0  }
0x11d: {  	[sflag:s10] =	ssyncadd.s32 $0xFFFFF000  }
0x11e: {  	_ =	swait.ge [sflag:s10], $0x1000  }
0x11f: {  	[sflag:s10] =	ssyncset.done $0x0  }
0x120: {  	[sflag:s10] =	ssyncadd.s32 $0xFFFFF000  }
0x121: {  	_ =	swait.ge [sflag:s10], $0x1000  }
0x122: {  	[sflag:s10] =	ssyncset.done $0x0  }
0x123: {  	[sflag:s10] =	ssyncadd.s32 $0xFFFFF000  }
0x124: {  	_ =	swait.ge [sflag:s10], $0x1000  }
0x125: {  	[sflag:s10] =	ssyncset.done $0x0  }
0x126: {  	[sflag:s10] =	ssyncadd.s32 $0xFFFFF000  }
0x127: {  	_ =	swait.ge [sflag:s10], $0x1000  }
0x128: {  	[sflag:s10] =	ssyncset.done $0x0  }
0x129: {  	[sflag:s10] =	ssyncadd.s32 $0xFFFFF000  }
0x12a: {  	_ =	swait.ge [sflag:s10], $0x1000  }
0x12b: {  	[sflag:s10] =	ssyncset.done $0x0  }
0x12c: {  	[sflag:s10] =	ssyncadd.s32 $0xFFFFF000  }
0x12d: {  	_ =	swait.ge [sflag:s10], $0x1000  }
0x12e: {  	[sflag:s10] =	ssyncset.done $0x0  }
0x12f: {  	[sflag:s10] =	ssyncadd.s32 $0xFFFFF000  }
0x130: {  	_ =	swait.ge [sflag:s10], $0x1000  }
0x131: {  	[sflag:s10] =	ssyncset.done $0x0  }
0x132: {  	[sflag:s10] =	ssyncadd.s32 $0xFFFFF000  }
0x133: {  	_ =	swait.ge [sflag:s10], $0x1000  }
0x134: {  	[sflag:s10] =	ssyncset.done $0x0  }
0x135: {  	[sflag:s10] =	ssyncadd.s32 $0xFFFFF000  }
0x136: {  	_ =	swait.ge [sflag:s10], $0x1000  }
0x137: {  	[sflag:s10] =	ssyncset.done $0x0  }
0x138: {  	s20 =	simm.s32 $0x0;
	[sflag:s10] =	ssyncadd.s32 $0xFFFFF000  }
0x139: {  	[tilespmem:s20], [sflag:$0x1] =	stream.linear.gather [hbm4b:s5+s20], $0x8000, $0x38;
	[tilespmem:$0x10000] =	vst v63  }
0x13a: {  	_ =	swait.ge [sflag:s11], $0x8000  }
0x13b: {  	s22 =	sand.u32 $0x600, s20;
	s18 =	sand.u32 $0x380, s20;
	s21 =	rddreg [dreg:$0x4]  }
0x13c: {  	s14 =	sand.u32 $0x70, s20;
	[sflag:s11] =	ssyncset.done $0x0;
	s15 =	sadd.s32 s22, s21  }
0x13d: {  	s23 =	sor.u32 $0x8000, s18;
	[sflag:s11] =	ssyncadd.s32 $0xFFFF8000;
	s19 =	sadd.s32 s14, s15  }
0x13e: {  	[hbm4b:s19+s2] =	stream.linear.scatter [tilespmem:s23], [sflag:$0x4], $0x80, $0x38;
	[tilespmem:$0x10000] =	vst v63  }
0x13f: {  	s24 =	sor.u32 $0x8400, s18;
	s15 =	sadd.s32 $0x80, s19  }
0x140: {  	[hbm4b:s15+s2] =	stream.linear.scatter [tilespmem:s24], [sflag:$0x4], $0x80, $0x38;
	[tilespmem:$0x10000] =	vst v63  }
0x141: {  	s25 =	sor.u32 $0x8800, s18;
	s26 =	sadd.s32 $0x100, s19  }
0x142: {  	[hbm4b:s26+s2] =	stream.linear.scatter [tilespmem:s25], [sflag:$0x4], $0x80, $0x38;
	[tilespmem:$0x10000] =	vst v63  }
0x143: {  	s28 =	sor.u32 $0x8C00, s18;
	s29 =	sadd.s32 $0x180, s19  }
0x144: {  	[hbm4b:s29+s2] =	stream.linear.scatter [tilespmem:s28], [sflag:$0x4], $0x80, $0x38;
	[tilespmem:$0x10000] =	vst v63  }
0x145: {  	s30 =	sor.u32 $0x9000, s18;
	s31 =	sadd.s32 $0x800, s19  }
0x146: {  	[hbm4b:s31+s2] =	stream.linear.scatter [tilespmem:s30], [sflag:$0x4], $0x80, $0x38;
	[tilespmem:$0x10000] =	vst v63  }
0x147: {  	s16 =	sadd.s32 $0x880, s19;
	s15 =	sor.u32 $0x9400, s18  }
0x148: {  	[hbm4b:s16+s2] =	stream.linear.scatter [tilespmem:s15], [sflag:$0x4], $0x80, $0x38;
	[tilespmem:$0x10000] =	vst v63  }
0x149: {  	s17 =	sor.u32 $0x9800, s18;
	s20 =	sadd.s32 $0x900, s19  }
0x14a: {  	[hbm4b:s20+s2] =	stream.linear.scatter [tilespmem:s17], [sflag:$0x4], $0x80, $0x38;
	[tilespmem:$0x10000] =	vst v63  }
0x14b: {  	s21 =	sor.u32 $0x9C00, s18;
	s22 =	sadd.s32 $0x980, s19  }
0x14c: {  	[hbm4b:s22+s2] =	stream.linear.scatter [tilespmem:s21], [sflag:$0x4], $0x80, $0x38;
	[tilespmem:$0x10000] =	vst v63  }
0x14d: {  	s23 =	sor.u32 $0xA000, s18;
	s24 =	sadd.s32 $0x1000, s19  }
0x14e: {  	[hbm4b:s24+s2] =	stream.linear.scatter [tilespmem:s23], [sflag:$0x4], $0x80, $0x38;
	[tilespmem:$0x10000] =	vst v63  }
0x14f: {  	s25 =	sor.u32 $0xA400, s18;
	s26 =	sadd.s32 $0x1080, s19  }
0x150: {  	[hbm4b:s26+s2] =	stream.linear.scatter [tilespmem:s25], [sflag:$0x4], $0x80, $0x38;
	[tilespmem:$0x10000] =	vst v63  }
0x151: {  	s28 =	sor.u32 $0xA800, s18;
	s29 =	sadd.s32 $0x1100, s19  }
0x152: {  	[hbm4b:s29+s2] =	stream.linear.scatter [tilespmem:s28], [sflag:$0x4], $0x80, $0x38;
	[tilespmem:$0x10000] =	vst v63  }
0x153: {  	s30 =	sor.u32 $0xAC00, s18;
	s31 =	sadd.s32 $0x1180, s19  }
0x154: {  	[hbm4b:s31+s2] =	stream.linear.scatter [tilespmem:s30], [sflag:$0x4], $0x80, $0x38;
	[tilespmem:$0x10000] =	vst v63  }
0x155: {  	s15 =	sor.u32 $0xB000, s18;
	s16 =	sadd.s32 $0x1800, s19  }
0x156: {  	[hbm4b:s16+s2] =	stream.linear.scatter [tilespmem:s15], [sflag:$0x4], $0x80, $0x38;
	[tilespmem:$0x10000] =	vst v63  }
0x157: {  	s17 =	sor.u32 $0xB400, s18;
	s20 =	sadd.s32 $0x1880, s19  }
0x158: {  	[hbm4b:s20+s2] =	stream.linear.scatter [tilespmem:s17], [sflag:$0x4], $0x80, $0x38;
	[tilespmem:$0x10000] =	vst v63  }
0x159: {  	s21 =	sor.u32 $0xB800, s18;
	s22 =	sadd.s32 $0x1900, s19  }
0x15a: {  	[hbm4b:s22+s2] =	stream.linear.scatter [tilespmem:s21], [sflag:$0x4], $0x80, $0x38;
	[tilespmem:$0x10000] =	vst v63  }
0x15b: {  	s23 =	sor.u32 $0xBC00, s18;
	s24 =	sadd.s32 $0x1980, s19  }
0x15c: {  	[hbm4b:s24+s2] =	stream.linear.scatter [tilespmem:s23], [sflag:$0x4], $0x80, $0x38;
	[tilespmem:$0x10000] =	vst v63  }
0x15d: {  	s25 =	sor.u32 $0xC000, s18;
	s26 =	sadd.s32 $0x2000, s19  }
0x15e: {  	[hbm4b:s26+s2] =	stream.linear.scatter [tilespmem:s25], [sflag:$0x4], $0x80, $0x38;
	[tilespmem:$0x10000] =	vst v63  }
0x15f: {  	s28 =	sor.u32 $0xC400, s18;
	s29 =	sadd.s32 $0x2080, s19  }
0x160: {  	[hbm4b:s29+s2] =	stream.linear.scatter [tilespmem:s28], [sflag:$0x4], $0x80, $0x38;
	[tilespmem:$0x10000] =	vst v63  }
0x161: {  	s30 =	sor.u32 $0xC800, s18;
	s31 =	sadd.s32 $0x2100, s19  }
0x162: {  	[hbm4b:s31+s2] =	stream.linear.scatter [tilespmem:s30], [sflag:$0x4], $0x80, $0x38;
	[tilespmem:$0x10000] =	vst v63  }
0x163: {  	s15 =	sor.u32 $0xCC00, s18;
	s16 =	sadd.s32 $0x2180, s19  }
0x164: {  	[hbm4b:s16+s2] =	stream.linear.scatter [tilespmem:s15], [sflag:$0x4], $0x80, $0x38;
	[tilespmem:$0x10000] =	vst v63  }
0x165: {  	s17 =	sor.u32 $0xD000, s18;
	s20 =	sadd.s32 $0x2800, s19  }
0x166: {  	[hbm4b:s20+s2] =	stream.linear.scatter [tilespmem:s17], [sflag:$0x4], $0x80, $0x38;
	[tilespmem:$0x10000] =	vst v63  }
0x167: {  	s21 =	sor.u32 $0xD400, s18;
	s22 =	sadd.s32 $0x2880, s19;
	s23 =	sor.u32 $0xD800, s18  }
0x168: {  	[hbm4b:s22+s2] =	stream.linear.scatter [tilespmem:s21], [sflag:$0x4], $0x80, $0x38;
	[tilespmem:$0x10000] =	vst v63  }
0x169: {  	s24 =	sadd.s32 $0x2900, s19;
	s25 =	sor.u32 $0xDC00, s18;
	s26 =	sadd.s32 $0x2980, s19  }
0x16a: {  	[hbm4b:s24+s2] =	stream.linear.scatter [tilespmem:s23], [sflag:$0x4], $0x80, $0x38;
	[tilespmem:$0x10000] =	vst v63  }
0x16b: {  	s28 =	sor.u32 $0xE000, s18;
	s29 =	sadd.s32 $0x3000, s19;
	s30 =	sor.u32 $0xE400, s18  }
0x16c: {  	[hbm4b:s26+s2] =	stream.linear.scatter [tilespmem:s25], [sflag:$0x4], $0x80, $0x38;
	[tilespmem:$0x10000] =	vst v63  }
0x16d: {  	s31 =	sadd.s32 $0x3080, s19;
	s16 =	sor.u32 $0xE800, s18;
	s20 =	simm.s32 $0x20  }
0x16e: {  	[hbm4b:s29+s2] =	stream.linear.scatter [tilespmem:s28], [sflag:$0x4], $0x80, $0x38;
	[tilespmem:$0x10000] =	vst v63  }
0x16f: {  	s17 =	sadd.s32 $0x3100, s19;
	s14 =	sand.u32 $0x380, s20;
	s22 =	sor.u32 $0xEC00, s18  }
0x170: {  	[hbm4b:s31+s2] =	stream.linear.scatter [tilespmem:s30], [sflag:$0x4], $0x80, $0x38;
	[tilespmem:$0x10000] =	vst v63  }
0x171: {  	s21 =	simm.s32 $0x40;
	s23 =	sadd.s32 $0x3180, s19;
	s24 =	simm.s32 $0x40  }
0x172: {  	[hbm4b:s17+s2] =	stream.linear.scatter [tilespmem:s16], [sflag:$0x4], $0x80, $0x38;
	[tilespmem:$0x10000] =	vst v63  }
0x173: {  	s15 =	sand.u32 $0x600, s24;
	s25 =	sor.u32 $0xF000, s18;
	s26 =	sadd.s32 $0x3800, s19  }
0x174: {  	[hbm4b:s23+s2] =	stream.linear.scatter [tilespmem:s22], [sflag:$0x4], $0x80, $0x38;
	[tilespmem:$0x10000] =	vst v63  }
0x175: {  	s28 =	sor.u32 $0xF400, s18;
	s29 =	sadd.s32 $0x3880, s19;
	s30 =	sor.u32 $0xF800, s18  }
0x176: {  	[hbm4b:s26+s2] =	stream.linear.scatter [tilespmem:s25], [sflag:$0x4], $0x80, $0x38;
	[tilespmem:$0x10000] =	vst v63  }
0x177: {  	s31 =	sadd.s32 $0x3900, s19;
	s16 =	simm.s32 $0x10;
	s17 =	simm.s32 $0x80  }
0x178: {  	[hbm4b:s29+s2] =	stream.linear.scatter [tilespmem:s28], [sflag:$0x4], $0x80, $0x38;
	[tilespmem:$0x10000] =	vst v63  }
0x179: {  	s22 =	rddreg [dreg:$0x4];
	s23 =	sor.u32 $0xFC00, s18;
	s18 =	sadd.s32 $0x3980, s19  }
0x17a: {  	[hbm4b:s31+s2] =	stream.linear.scatter [tilespmem:s30], [sflag:$0x4], $0x80, $0x38;
	[tilespmem:$0x10000] =	vst v63  }
.LBB2_4:
0x17b: {  	[hbm4b:s18+s2] =	stream.linear.scatter [tilespmem:s23], [sflag:$0x4], $0x80, $0x38;
	[tilespmem:$0x10000] =	vst v63  }
0x17c: {  	s20 =	sand.u32 $0x70, s16;
	s22 =	sadd.s32 s15, s22  }
0x17d: {  	s26 =	sor.u32 $0x8000, s14;
	s20 =	sadd.s32 s20, s22  }
0x17e: {  	[hbm4b:s20+s2] =	stream.linear.scatter [tilespmem:s26], [sflag:$0x4], $0x80, $0x38;
	[tilespmem:$0x10000] =	vst v63  }
0x17f: {  	s28 =	sor.u32 $0x8400, s14;
	s29 =	sadd.s32 $0x80, s20  }
0x180: {  	[hbm4b:s29+s2] =	stream.linear.scatter [tilespmem:s28], [sflag:$0x4], $0x80, $0x38;
	[tilespmem:$0x10000] =	vst v63  }
0x181: {  	s30 =	sor.u32 $0x8800, s14;
	s31 =	sadd.s32 $0x100, s20  }
0x182: {  	[hbm4b:s31+s2] =	stream.linear.scatter [tilespmem:s30], [sflag:$0x4], $0x80, $0x38;
	[tilespmem:$0x10000] =	vst v63  }
0x183: {  	s23 =	sor.u32 $0x8C00, s14;
	s24 =	sadd.s32 $0x180, s20  }
0x184: {  	[hbm4b:s24+s2] =	stream.linear.scatter [tilespmem:s23], [sflag:$0x4], $0x80, $0x38;
	[tilespmem:$0x10000] =	vst v63  }
0x185: {  	s25 =	sor.u32 $0x9000, s14;
	s26 =	sadd.s32 $0x800, s20  }
0x186: {  	[hbm4b:s26+s2] =	stream.linear.scatter [tilespmem:s25], [sflag:$0x4], $0x80, $0x38;
	[tilespmem:$0x10000] =	vst v63  }
0x187: {  	s28 =	sor.u32 $0x9400, s14;
	s29 =	sadd.s32 $0x880, s20  }
0x188: {  	[hbm4b:s29+s2] =	stream.linear.scatter [tilespmem:s28], [sflag:$0x4], $0x80, $0x38;
	[tilespmem:$0x10000] =	vst v63  }
0x189: {  	s30 =	sor.u32 $0x9800, s14;
	s31 =	sadd.s32 $0x900, s20  }
0x18a: {  	[hbm4b:s31+s2] =	stream.linear.scatter [tilespmem:s30], [sflag:$0x4], $0x80, $0x38;
	[tilespmem:$0x10000] =	vst v63  }
0x18b: {  	s23 =	sor.u32 $0x9C00, s14;
	s24 =	sadd.s32 $0x980, s20  }
0x18c: {  	[hbm4b:s24+s2] =	stream.linear.scatter [tilespmem:s23], [sflag:$0x4], $0x80, $0x38;
	[tilespmem:$0x10000] =	vst v63  }
0x18d: {  	s25 =	sor.u32 $0xA000, s14;
	s26 =	sadd.s32 $0x1000, s20  }
0x18e: {  	[hbm4b:s26+s2] =	stream.linear.scatter [tilespmem:s25], [sflag:$0x4], $0x80, $0x38;
	[tilespmem:$0x10000] =	vst v63  }
0x18f: {  	s28 =	sor.u32 $0xA400, s14;
	s29 =	sadd.s32 $0x1080, s20  }
0x190: {  	[hbm4b:s29+s2] =	stream.linear.scatter [tilespmem:s28], [sflag:$0x4], $0x80, $0x38;
	[tilespmem:$0x10000] =	vst v63  }
0x191: {  	s30 =	sor.u32 $0xA800, s14;
	s31 =	sadd.s32 $0x1100, s20  }
0x192: {  	[hbm4b:s31+s2] =	stream.linear.scatter [tilespmem:s30], [sflag:$0x4], $0x80, $0x38;
	[tilespmem:$0x10000] =	vst v63  }
0x193: {  	s23 =	sor.u32 $0xAC00, s14;
	s24 =	sadd.s32 $0x1180, s20  }
0x194: {  	[hbm4b:s24+s2] =	stream.linear.scatter [tilespmem:s23], [sflag:$0x4], $0x80, $0x38;
	[tilespmem:$0x10000] =	vst v63  }
0x195: {  	s25 =	sor.u32 $0xB000, s14;
	s26 =	sadd.s32 $0x1800, s20  }
0x196: {  	[hbm4b:s26+s2] =	stream.linear.scatter [tilespmem:s25], [sflag:$0x4], $0x80, $0x38;
	[tilespmem:$0x10000] =	vst v63  }
0x197: {  	s28 =	sor.u32 $0xB400, s14;
	s29 =	sadd.s32 $0x1880, s20  }
0x198: {  	[hbm4b:s29+s2] =	stream.linear.scatter [tilespmem:s28], [sflag:$0x4], $0x80, $0x38;
	[tilespmem:$0x10000] =	vst v63  }
0x199: {  	s30 =	sor.u32 $0xB800, s14;
	s31 =	sadd.s32 $0x1900, s20  }
0x19a: {  	[hbm4b:s31+s2] =	stream.linear.scatter [tilespmem:s30], [sflag:$0x4], $0x80, $0x38;
	[tilespmem:$0x10000] =	vst v63  }
0x19b: {  	s23 =	sor.u32 $0xBC00, s14;
	s24 =	sadd.s32 $0x1980, s20  }
0x19c: {  	[hbm4b:s24+s2] =	stream.linear.scatter [tilespmem:s23], [sflag:$0x4], $0x80, $0x38;
	[tilespmem:$0x10000] =	vst v63  }
0x19d: {  	s25 =	sor.u32 $0xC000, s14;
	s26 =	sadd.s32 $0x2000, s20  }
0x19e: {  	[hbm4b:s26+s2] =	stream.linear.scatter [tilespmem:s25], [sflag:$0x4], $0x80, $0x38;
	[tilespmem:$0x10000] =	vst v63  }
0x19f: {  	s28 =	sor.u32 $0xC400, s14;
	s29 =	sadd.s32 $0x2080, s20  }
0x1a0: {  	[hbm4b:s29+s2] =	stream.linear.scatter [tilespmem:s28], [sflag:$0x4], $0x80, $0x38;
	[tilespmem:$0x10000] =	vst v63  }
0x1a1: {  	s30 =	sor.u32 $0xC800, s14;
	s31 =	sadd.s32 $0x2100, s20  }
0x1a2: {  	[hbm4b:s31+s2] =	stream.linear.scatter [tilespmem:s30], [sflag:$0x4], $0x80, $0x38;
	[tilespmem:$0x10000] =	vst v63  }
0x1a3: {  	s23 =	sor.u32 $0xCC00, s14;
	s24 =	sadd.s32 $0x2180, s20  }
0x1a4: {  	[hbm4b:s24+s2] =	stream.linear.scatter [tilespmem:s23], [sflag:$0x4], $0x80, $0x38;
	[tilespmem:$0x10000] =	vst v63  }
0x1a5: {  	s25 =	sor.u32 $0xD000, s14;
	s26 =	sadd.s32 $0x2800, s20  }
0x1a6: {  	[hbm4b:s26+s2] =	stream.linear.scatter [tilespmem:s25], [sflag:$0x4], $0x80, $0x38;
	[tilespmem:$0x10000] =	vst v63  }
0x1a7: {  	s28 =	sor.u32 $0xD400, s14;
	s29 =	sadd.s32 $0x2880, s20  }
0x1a8: {  	[hbm4b:s29+s2] =	stream.linear.scatter [tilespmem:s28], [sflag:$0x4], $0x80, $0x38;
	[tilespmem:$0x10000] =	vst v63  }
0x1a9: {  	s18 =	smov.u32 s21;
	s30 =	sor.u32 $0xD800, s14;
	s31 =	sadd.s32 $0x2900, s20  }
0x1aa: {  	[hbm4b:s31+s2] =	stream.linear.scatter [tilespmem:s30], [sflag:$0x4], $0x80, $0x38;
	[tilespmem:$0x10000] =	vst v63  }
0x1ab: {  	s15 =	sand.u32 $0x600, s17;
	s23 =	sor.u32 $0xDC00, s14;
	s24 =	sadd.s32 $0x2980, s20  }
0x1ac: {  	[hbm4b:s24+s2] =	stream.linear.scatter [tilespmem:s23], [sflag:$0x4], $0x80, $0x38;
	[tilespmem:$0x10000] =	vst v63  }
0x1ad: {  	s19 =	sadd.s32 $0x20, s21;
	s25 =	sor.u32 $0xE000, s14;
	s26 =	sadd.s32 $0x3000, s20  }
0x1ae: {  	[hbm4b:s26+s2] =	stream.linear.scatter [tilespmem:s25], [sflag:$0x4], $0x80, $0x38;
	[tilespmem:$0x10000] =	vst v63  }
0x1af: {  	p0 =	sne.s32 s21, $0x3E0;
	s28 =	sor.u32 $0xE400, s14;
	s29 =	sadd.s32 $0x3080, s20  }
0x1b0: {  	[hbm4b:s29+s2] =	stream.linear.scatter [tilespmem:s28], [sflag:$0x4], $0x80, $0x38;
	[tilespmem:$0x10000] =	vst v63  }
0x1b1: {  	s16 =	sadd.s32 $0x10, s16;
	s30 =	sor.u32 $0xE800, s14;
	s31 =	sadd.s32 $0x3100, s20  }
0x1b2: {  	[hbm4b:s31+s2] =	stream.linear.scatter [tilespmem:s30], [sflag:$0x4], $0x80, $0x38;
	[tilespmem:$0x10000] =	vst v63  }
0x1b3: {  	s17 =	sadd.s32 $0x40, s17;
	s23 =	sor.u32 $0xEC00, s14;
	s24 =	sadd.s32 $0x3180, s20  }
0x1b4: {  	[hbm4b:s24+s2] =	stream.linear.scatter [tilespmem:s23], [sflag:$0x4], $0x80, $0x38;
	[tilespmem:$0x10000] =	vst v63  }
0x1b5: {  	s22 =	rddreg [dreg:$0x4];
	s25 =	sor.u32 $0xF000, s14;
	s26 =	sadd.s32 $0x3800, s20  }
0x1b6: {  	[hbm4b:s26+s2] =	stream.linear.scatter [tilespmem:s25], [sflag:$0x4], $0x80, $0x38;
	[tilespmem:$0x10000] =	vst v63  }
.Ltmp1:
0x1b7: {  	s21 =	smov.u32 s19;
	s28 =	sor.u32 $0xF400, s14;
	(pc) =	sbr.rel @p0 .LBB2_4-.Ltmp1, $4  }
0x1b8: {  	s29 =	sadd.s32 $0x3880, s20;
	s30 =	sor.u32 $0xF800, s14;
	s31 =	sadd.s32 $0x3900, s20  }
0x1b9: {  	[hbm4b:s29+s2] =	stream.linear.scatter [tilespmem:s28], [sflag:$0x4], $0x80, $0x38;
	[tilespmem:$0x10000] =	vst v63  }
0x1ba: {  	s23 =	sor.u32 $0xFC00, s14;
	s14 =	sand.u32 $0x380, s18;
	s18 =	sadd.s32 $0x3980, s20  }
0x1bb: {  	[hbm4b:s31+s2] =	stream.linear.scatter [tilespmem:s30], [sflag:$0x4], $0x80, $0x38;
	[tilespmem:$0x10000] =	vst v63  }
0x1bc: {  	[hbm4b:s18+s2] =	stream.linear.scatter [tilespmem:s23], [sflag:$0x4], $0x80, $0x38;
	[tilespmem:$0x10000] =	vst v63  }
0x1bd: {  	s16 =	sand.u32 $0x70, s16;
	s15 =	sadd.s32 s15, s22  }
0x1be: {  	s19 =	sor.u32 $0x8000, s14;
	s15 =	sadd.s32 s16, s15  }
0x1bf: {  	[hbm4b:s15+s2] =	stream.linear.scatter [tilespmem:s19], [sflag:$0x4], $0x80, $0x38;
	[tilespmem:$0x10000] =	vst v63  }
0x1c0: {  	s20 =	sor.u32 $0x8400, s14;
	s17 =	sadd.s32 $0x80, s15  }
0x1c1: {  	[hbm4b:s17+s2] =	stream.linear.scatter [tilespmem:s20], [sflag:$0x4], $0x80, $0x38;
	[tilespmem:$0x10000] =	vst v63  }
0x1c2: {  	s21 =	sor.u32 $0x8800, s14;
	s22 =	sadd.s32 $0x100, s15  }
0x1c3: {  	[hbm4b:s22+s2] =	stream.linear.scatter [tilespmem:s21], [sflag:$0x4], $0x80, $0x38;
	[tilespmem:$0x10000] =	vst v63  }
0x1c4: {  	s23 =	sor.u32 $0x8C00, s14;
	s24 =	sadd.s32 $0x180, s15  }
0x1c5: {  	[hbm4b:s24+s2] =	stream.linear.scatter [tilespmem:s23], [sflag:$0x4], $0x80, $0x38;
	[tilespmem:$0x10000] =	vst v63  }
0x1c6: {  	s25 =	sor.u32 $0x9000, s14;
	s26 =	sadd.s32 $0x800, s15  }
0x1c7: {  	[hbm4b:s26+s2] =	stream.linear.scatter [tilespmem:s25], [sflag:$0x4], $0x80, $0x38;
	[tilespmem:$0x10000] =	vst v63  }
0x1c8: {  	s28 =	sor.u32 $0x9400, s14;
	s29 =	sadd.s32 $0x880, s15  }
0x1c9: {  	[hbm4b:s29+s2] =	stream.linear.scatter [tilespmem:s28], [sflag:$0x4], $0x80, $0x38;
	[tilespmem:$0x10000] =	vst v63  }
0x1ca: {  	s30 =	sor.u32 $0x9800, s14;
	s31 =	sadd.s32 $0x900, s15  }
0x1cb: {  	[hbm4b:s31+s2] =	stream.linear.scatter [tilespmem:s30], [sflag:$0x4], $0x80, $0x38;
	[tilespmem:$0x10000] =	vst v63  }
0x1cc: {  	s18 =	sadd.s32 $0x980, s15;
	s17 =	sor.u32 $0x9C00, s14  }
0x1cd: {  	[hbm4b:s18+s2] =	stream.linear.scatter [tilespmem:s17], [sflag:$0x4], $0x80, $0x38;
	[tilespmem:$0x10000] =	vst v63  }
0x1ce: {  	s19 =	sor.u32 $0xA000, s14;
	s20 =	sadd.s32 $0x1000, s15  }
0x1cf: {  	[hbm4b:s20+s2] =	stream.linear.scatter [tilespmem:s19], [sflag:$0x4], $0x80, $0x38;
	[tilespmem:$0x10000] =	vst v63  }
0x1d0: {  	s21 =	sor.u32 $0xA400, s14;
	s22 =	sadd.s32 $0x1080, s15  }
0x1d1: {  	[hbm4b:s22+s2] =	stream.linear.scatter [tilespmem:s21], [sflag:$0x4], $0x80, $0x38;
	[tilespmem:$0x10000] =	vst v63  }
0x1d2: {  	s23 =	sor.u32 $0xA800, s14;
	s24 =	sadd.s32 $0x1100, s15  }
0x1d3: {  	[hbm4b:s24+s2] =	stream.linear.scatter [tilespmem:s23], [sflag:$0x4], $0x80, $0x38;
	[tilespmem:$0x10000] =	vst v63  }
0x1d4: {  	s25 =	sor.u32 $0xAC00, s14;
	s26 =	sadd.s32 $0x1180, s15  }
0x1d5: {  	[hbm4b:s26+s2] =	stream.linear.scatter [tilespmem:s25], [sflag:$0x4], $0x80, $0x38;
	[tilespmem:$0x10000] =	vst v63  }
0x1d6: {  	s28 =	sor.u32 $0xB000, s14;
	s29 =	sadd.s32 $0x1800, s15  }
0x1d7: {  	[hbm4b:s29+s2] =	stream.linear.scatter [tilespmem:s28], [sflag:$0x4], $0x80, $0x38;
	[tilespmem:$0x10000] =	vst v63  }
0x1d8: {  	s30 =	sor.u32 $0xB400, s14;
	s31 =	sadd.s32 $0x1880, s15  }
0x1d9: {  	[hbm4b:s31+s2] =	stream.linear.scatter [tilespmem:s30], [sflag:$0x4], $0x80, $0x38;
	[tilespmem:$0x10000] =	vst v63  }
0x1da: {  	s17 =	sor.u32 $0xB800, s14;
	s18 =	sadd.s32 $0x1900, s15  }
0x1db: {  	[hbm4b:s18+s2] =	stream.linear.scatter [tilespmem:s17], [sflag:$0x4], $0x80, $0x38;
	[tilespmem:$0x10000] =	vst v63  }
0x1dc: {  	s19 =	sor.u32 $0xBC00, s14;
	s20 =	sadd.s32 $0x1980, s15  }
0x1dd: {  	[hbm4b:s20+s2] =	stream.linear.scatter [tilespmem:s19], [sflag:$0x4], $0x80, $0x38;
	[tilespmem:$0x10000] =	vst v63  }
0x1de: {  	s21 =	sor.u32 $0xC000, s14;
	s22 =	sadd.s32 $0x2000, s15  }
0x1df: {  	[hbm4b:s22+s2] =	stream.linear.scatter [tilespmem:s21], [sflag:$0x4], $0x80, $0x38;
	[tilespmem:$0x10000] =	vst v63  }
0x1e0: {  	s23 =	sor.u32 $0xC400, s14;
	s24 =	sadd.s32 $0x2080, s15  }
0x1e1: {  	[hbm4b:s24+s2] =	stream.linear.scatter [tilespmem:s23], [sflag:$0x4], $0x80, $0x38;
	[tilespmem:$0x10000] =	vst v63  }
0x1e2: {  	s25 =	sor.u32 $0xC800, s14;
	s26 =	sadd.s32 $0x2100, s15  }
0x1e3: {  	[hbm4b:s26+s2] =	stream.linear.scatter [tilespmem:s25], [sflag:$0x4], $0x80, $0x38;
	[tilespmem:$0x10000] =	vst v63  }
0x1e4: {  	s28 =	sor.u32 $0xCC00, s14;
	s29 =	sadd.s32 $0x2180, s15  }
0x1e5: {  	[hbm4b:s29+s2] =	stream.linear.scatter [tilespmem:s28], [sflag:$0x4], $0x80, $0x38;
	[tilespmem:$0x10000] =	vst v63  }
0x1e6: {  	s30 =	sor.u32 $0xD000, s14;
	s31 =	sadd.s32 $0x2800, s15  }
0x1e7: {  	[hbm4b:s31+s2] =	stream.linear.scatter [tilespmem:s30], [sflag:$0x4], $0x80, $0x38;
	[tilespmem:$0x10000] =	vst v63  }
0x1e8: {  	s17 =	sor.u32 $0xD400, s14;
	s18 =	sadd.s32 $0x2880, s15  }
0x1e9: {  	[hbm4b:s18+s2] =	stream.linear.scatter [tilespmem:s17], [sflag:$0x4], $0x80, $0x38;
	[tilespmem:$0x10000] =	vst v63  }
0x1ea: {  	s19 =	sor.u32 $0xD800, s14;
	s20 =	sadd.s32 $0x2900, s15  }
0x1eb: {  	[hbm4b:s20+s2] =	stream.linear.scatter [tilespmem:s19], [sflag:$0x4], $0x80, $0x38;
	[tilespmem:$0x10000] =	vst v63  }
0x1ec: {  	s21 =	sor.u32 $0xDC00, s14;
	s22 =	sadd.s32 $0x2980, s15  }
0x1ed: {  	[hbm4b:s22+s2] =	stream.linear.scatter [tilespmem:s21], [sflag:$0x4], $0x80, $0x38;
	[tilespmem:$0x10000] =	vst v63  }
0x1ee: {  	s23 =	sor.u32 $0xE000, s14;
	s24 =	sadd.s32 $0x3000, s15  }
0x1ef: {  	[hbm4b:s24+s2] =	stream.linear.scatter [tilespmem:s23], [sflag:$0x4], $0x80, $0x38;
	[tilespmem:$0x10000] =	vst v63  }
0x1f0: {  	s25 =	sor.u32 $0xE400, s14;
	s26 =	sadd.s32 $0x3080, s15  }
0x1f1: {  	[hbm4b:s26+s2] =	stream.linear.scatter [tilespmem:s25], [sflag:$0x4], $0x80, $0x38;
	[tilespmem:$0x10000] =	vst v63  }
0x1f2: {  	s28 =	sor.u32 $0xE800, s14;
	s29 =	sadd.s32 $0x3100, s15  }
0x1f3: {  	[hbm4b:s29+s2] =	stream.linear.scatter [tilespmem:s28], [sflag:$0x4], $0x80, $0x38;
	[tilespmem:$0x10000] =	vst v63  }
0x1f4: {  	s30 =	sor.u32 $0xEC00, s14;
	s31 =	sadd.s32 $0x3180, s15  }
0x1f5: {  	[hbm4b:s31+s2] =	stream.linear.scatter [tilespmem:s30], [sflag:$0x4], $0x80, $0x38;
	[tilespmem:$0x10000] =	vst v63  }
0x1f6: {  	s18 =	sor.u32 $0xF000, s14;
	s19 =	sadd.s32 $0x3800, s15  }
0x1f7: {  	[hbm4b:s19+s2] =	stream.linear.scatter [tilespmem:s18], [sflag:$0x4], $0x80, $0x38;
	[tilespmem:$0x10000] =	vst v63  }
0x1f8: {  	s20 =	sor.u32 $0xF400, s14;
	s21 =	sadd.s32 $0x3880, s15  }
0x1f9: {  	[hbm4b:s21+s2] =	stream.linear.scatter [tilespmem:s20], [sflag:$0x4], $0x80, $0x38;
	[tilespmem:$0x10000] =	vst v63  }
0x1fa: {  	s22 =	sor.u32 $0xF800, s14;
	s23 =	sadd.s32 $0x3900, s15  }
0x1fb: {  	[hbm4b:s23+s2] =	stream.linear.scatter [tilespmem:s22], [sflag:$0x4], $0x80, $0x38;
	[tilespmem:$0x10000] =	vst v63  }
0x1fc: {  	s24 =	sor.u32 $0xFC00, s14;
	s15 =	sadd.s32 $0x3980, s15  }
0x1fd: {  	[hbm4b:s15+s2] =	stream.linear.scatter [tilespmem:s24], [sflag:$0x4], $0x80, $0x38;
	[tilespmem:$0x10000] =	vst v63  }
0x1fe: {  	_ =	swait.ge [sflag:s12], $0x1000  }
0x1ff: {  	[sflag:s12] =	ssyncset.done $0x0  }
0x200: {  	[sflag:s12] =	ssyncadd.s32 $0xFFFFF000  }
0x201: {  	_ =	swait.ge [sflag:s12], $0x1000  }
0x202: {  	[sflag:s12] =	ssyncset.done $0x0  }
0x203: {  	[sflag:s12] =	ssyncadd.s32 $0xFFFFF000  }
0x204: {  	_ =	swait.ge [sflag:s12], $0x1000  }
0x205: {  	[sflag:s12] =	ssyncset.done $0x0  }
0x206: {  	[sflag:s12] =	ssyncadd.s32 $0xFFFFF000  }
0x207: {  	_ =	swait.ge [sflag:s12], $0x1000  }
0x208: {  	[sflag:s12] =	ssyncset.done $0x0  }
0x209: {  	[sflag:s12] =	ssyncadd.s32 $0xFFFFF000  }
0x20a: {  	_ =	swait.ge [sflag:s12], $0x1000  }
0x20b: {  	[sflag:s12] =	ssyncset.done $0x0  }
0x20c: {  	[sflag:s12] =	ssyncadd.s32 $0xFFFFF000  }
0x20d: {  	_ =	swait.ge [sflag:s12], $0x1000  }
0x20e: {  	[sflag:s12] =	ssyncset.done $0x0  }
0x20f: {  	[sflag:s12] =	ssyncadd.s32 $0xFFFFF000  }
0x210: {  	_ =	swait.ge [sflag:s12], $0x1000  }
0x211: {  	[sflag:s12] =	ssyncset.done $0x0  }
0x212: {  	[sflag:s12] =	ssyncadd.s32 $0xFFFFF000  }
0x213: {  	_ =	swait.ge [sflag:s12], $0x1000  }
0x214: {  	[sflag:s12] =	ssyncset.done $0x0  }
0x215: {  	[sflag:s12] =	ssyncadd.s32 $0xFFFFF000  }
0x216: {  	_ =	swait.ge [sflag:s12], $0x1000  }
0x217: {  	[sflag:s12] =	ssyncset.done $0x0  }
0x218: {  	[sflag:s12] =	ssyncadd.s32 $0xFFFFF000  }
0x219: {  	_ =	swait.ge [sflag:s12], $0x1000  }
0x21a: {  	[sflag:s12] =	ssyncset.done $0x0  }
0x21b: {  	[sflag:s12] =	ssyncadd.s32 $0xFFFFF000  }
0x21c: {  	_ =	swait.ge [sflag:s12], $0x1000  }
0x21d: {  	[sflag:s12] =	ssyncset.done $0x0  }
0x21e: {  	[sflag:s12] =	ssyncadd.s32 $0xFFFFF000  }
0x21f: {  	_ =	swait.ge [sflag:s12], $0x1000  }
0x220: {  	[sflag:s12] =	ssyncset.done $0x0  }
0x221: {  	[sflag:s12] =	ssyncadd.s32 $0xFFFFF000  }
0x222: {  	_ =	swait.ge [sflag:s12], $0x1000  }
0x223: {  	[sflag:s12] =	ssyncset.done $0x0  }
0x224: {  	[sflag:s12] =	ssyncadd.s32 $0xFFFFF000  }
0x225: {  	_ =	swait.ge [sflag:s12], $0x1000  }
0x226: {  	[sflag:s12] =	ssyncset.done $0x0  }
0x227: {  	[sflag:s12] =	ssyncadd.s32 $0xFFFFF000  }
0x228: {  	_ =	swait.ge [sflag:s12], $0x1000  }
0x229: {  	[sflag:s12] =	ssyncset.done $0x0  }
0x22a: {  	[sflag:s12] =	ssyncadd.s32 $0xFFFFF000  }
0x22b: {  	_ =	swait.ge [sflag:s12], $0x1000  }
0x22c: {  	[sflag:s12] =	ssyncset.done $0x0  }
0x22d: {  	[sflag:s12] =	ssyncadd.s32 $0xFFFFF000  }
0x22e: {  	_ =	swait.ge [sflag:s12], $0x1000  }
0x22f: {  	[sflag:s12] =	ssyncset.done $0x0  }
0x230: {  	[sflag:s12] =	ssyncadd.s32 $0xFFFFF000  }
0x231: {  	_ =	swait.ge [sflag:s12], $0x1000  }
0x232: {  	[sflag:s12] =	ssyncset.done $0x0  }
0x233: {  	[sflag:s12] =	ssyncadd.s32 $0xFFFFF000  }
0x234: {  	_ =	swait.ge [sflag:s12], $0x1000  }
0x235: {  	[sflag:s12] =	ssyncset.done $0x0  }
0x236: {  	[sflag:s12] =	ssyncadd.s32 $0xFFFFF000  }
0x237: {  	_ =	swait.ge [sflag:s12], $0x1000  }
0x238: {  	[sflag:s12] =	ssyncset.done $0x0  }
0x239: {  	[sflag:s12] =	ssyncadd.s32 $0xFFFFF000  }
0x23a: {  	_ =	swait.ge [sflag:s12], $0x1000  }
0x23b: {  	[sflag:s12] =	ssyncset.done $0x0  }
0x23c: {  	[sflag:s12] =	ssyncadd.s32 $0xFFFFF000  }
0x23d: {  	_ =	swait.ge [sflag:s12], $0x1000  }
0x23e: {  	[sflag:s12] =	ssyncset.done $0x0  }
0x23f: {  	[sflag:s12] =	ssyncadd.s32 $0xFFFFF000  }
0x240: {  	_ =	swait.ge [sflag:s12], $0x1000  }
0x241: {  	[sflag:s12] =	ssyncset.done $0x0  }
0x242: {  	[sflag:s12] =	ssyncadd.s32 $0xFFFFF000  }
0x243: {  	_ =	swait.ge [sflag:s12], $0x1000  }
0x244: {  	[sflag:s12] =	ssyncset.done $0x0  }
0x245: {  	[sflag:s12] =	ssyncadd.s32 $0xFFFFF000  }
0x246: {  	_ =	swait.ge [sflag:s12], $0x1000  }
0x247: {  	[sflag:s12] =	ssyncset.done $0x0  }
0x248: {  	[sflag:s12] =	ssyncadd.s32 $0xFFFFF000  }
0x249: {  	_ =	swait.ge [sflag:s12], $0x1000  }
0x24a: {  	[sflag:s12] =	ssyncset.done $0x0  }
0x24b: {  	[sflag:s12] =	ssyncadd.s32 $0xFFFFF000  }
0x24c: {  	_ =	swait.ge [sflag:s12], $0x1000  }
0x24d: {  	[sflag:s12] =	ssyncset.done $0x0  }
0x24e: {  	[sflag:s12] =	ssyncadd.s32 $0xFFFFF000  }
0x24f: {  	_ =	swait.ge [sflag:s12], $0x1000  }
0x250: {  	[sflag:s12] =	ssyncset.done $0x0  }
0x251: {  	[sflag:s12] =	ssyncadd.s32 $0xFFFFF000  }
0x252: {  	_ =	swait.ge [sflag:s12], $0x1000  }
0x253: {  	[sflag:s12] =	ssyncset.done $0x0  }
0x254: {  	[sflag:s12] =	ssyncadd.s32 $0xFFFFF000  }
0x255: {  	_ =	swait.ge [sflag:s12], $0x1000  }
0x256: {  	[sflag:s12] =	ssyncset.done $0x0  }
0x257: {  	[sflag:s12] =	ssyncadd.s32 $0xFFFFF000  }
0x258: {  	_ =	swait.ge [sflag:s12], $0x1000  }
0x259: {  	[sflag:s12] =	ssyncset.done $0x0  }
0x25a: {  	[sflag:s12] =	ssyncadd.s32 $0xFFFFF000  }
0x25b: {  	_ =	swait.ge [sflag:s12], $0x1000  }
0x25c: {  	[sflag:s12] =	ssyncset.done $0x0  }
0x25d: {  	s25 =	simm.s32 $0x0;
	[sflag:s12] =	ssyncadd.s32 $0xFFFFF000  }
0x25e: {  	[tilespmem:s8], [sflag:$0x2] =	stream.linear.gather [hbm4b:s6+s25], $0x8000, $0x38;
	[tilespmem:$0x10000] =	vst v63  }
0x25f: {  	_ =	swait.ge [sflag:s9], $0x8000  }
0x260: {  	s28 =	sand.u32 $0x600, s25;
	s26 =	rddreg [dreg:$0x5]  }
0x261: {  	s29 =	sand.u32 $0x70, s25;
	[sflag:s9] =	ssyncset.done $0x0;
	s15 =	sadd.s32 s28, s26  }
0x262: {  	s20 =	sand.u32 $0x380, s25;
	[sflag:s9] =	ssyncadd.s32 $0xFFFF8000;
	s19 =	sadd.s32 s29, s15  }
0x263: {  	[hbm4b:s19+s2] =	stream.linear.scatter [tilespmem:s20], [sflag:$0x3], $0x80, $0x38;
	[tilespmem:$0x10000] =	vst v63  }
0x264: {  	s14 =	sor.u32 $0x400, s20;
	s15 =	sadd.s32 $0x80, s19  }
0x265: {  	[hbm4b:s15+s2] =	stream.linear.scatter [tilespmem:s14], [sflag:$0x3], $0x80, $0x38;
	[tilespmem:$0x10000] =	vst v63  }
0x266: {  	s30 =	sor.u32 $0x800, s20;
	s31 =	sadd.s32 $0x100, s19  }
0x267: {  	[hbm4b:s31+s2] =	stream.linear.scatter [tilespmem:s30], [sflag:$0x3], $0x80, $0x38;
	[tilespmem:$0x10000] =	vst v63  }
0x268: {  	s16 =	sadd.s32 $0x180, s19;
	s15 =	sor.u32 $0xC00, s20  }
0x269: {  	[hbm4b:s16+s2] =	stream.linear.scatter [tilespmem:s15], [sflag:$0x3], $0x80, $0x38;
	[tilespmem:$0x10000] =	vst v63  }
0x26a: {  	s17 =	sor.u32 $0x1000, s20;
	s18 =	sadd.s32 $0x800, s19  }
0x26b: {  	[hbm4b:s18+s2] =	stream.linear.scatter [tilespmem:s17], [sflag:$0x3], $0x80, $0x38;
	[tilespmem:$0x10000] =	vst v63  }
0x26c: {  	s21 =	sor.u32 $0x1400, s20;
	s22 =	sadd.s32 $0x880, s19  }
0x26d: {  	[hbm4b:s22+s2] =	stream.linear.scatter [tilespmem:s21], [sflag:$0x3], $0x80, $0x38;
	[tilespmem:$0x10000] =	vst v63  }
0x26e: {  	s23 =	sor.u32 $0x1800, s20;
	s24 =	sadd.s32 $0x900, s19  }
0x26f: {  	[hbm4b:s24+s2] =	stream.linear.scatter [tilespmem:s23], [sflag:$0x3], $0x80, $0x38;
	[tilespmem:$0x10000] =	vst v63  }
0x270: {  	s25 =	sor.u32 $0x1C00, s20;
	s26 =	sadd.s32 $0x980, s19  }
0x271: {  	[hbm4b:s26+s2] =	stream.linear.scatter [tilespmem:s25], [sflag:$0x3], $0x80, $0x38;
	[tilespmem:$0x10000] =	vst v63  }
0x272: {  	s28 =	sor.u32 $0x2000, s20;
	s29 =	sadd.s32 $0x1000, s19  }
0x273: {  	[hbm4b:s29+s2] =	stream.linear.scatter [tilespmem:s28], [sflag:$0x3], $0x80, $0x38;
	[tilespmem:$0x10000] =	vst v63  }
0x274: {  	s30 =	sor.u32 $0x2400, s20;
	s31 =	sadd.s32 $0x1080, s19  }
0x275: {  	[hbm4b:s31+s2] =	stream.linear.scatter [tilespmem:s30], [sflag:$0x3], $0x80, $0x38;
	[tilespmem:$0x10000] =	vst v63  }
0x276: {  	s15 =	sor.u32 $0x2800, s20;
	s16 =	sadd.s32 $0x1100, s19  }
0x277: {  	[hbm4b:s16+s2] =	stream.linear.scatter [tilespmem:s15], [sflag:$0x3], $0x80, $0x38;
	[tilespmem:$0x10000] =	vst v63  }
0x278: {  	s17 =	sor.u32 $0x2C00, s20;
	s18 =	sadd.s32 $0x1180, s19  }
0x279: {  	[hbm4b:s18+s2] =	stream.linear.scatter [tilespmem:s17], [sflag:$0x3], $0x80, $0x38;
	[tilespmem:$0x10000] =	vst v63  }
0x27a: {  	s21 =	sor.u32 $0x3000, s20;
	s22 =	sadd.s32 $0x1800, s19  }
0x27b: {  	[hbm4b:s22+s2] =	stream.linear.scatter [tilespmem:s21], [sflag:$0x3], $0x80, $0x38;
	[tilespmem:$0x10000] =	vst v63  }
0x27c: {  	s23 =	sor.u32 $0x3400, s20;
	s24 =	sadd.s32 $0x1880, s19  }
0x27d: {  	[hbm4b:s24+s2] =	stream.linear.scatter [tilespmem:s23], [sflag:$0x3], $0x80, $0x38;
	[tilespmem:$0x10000] =	vst v63  }
0x27e: {  	s25 =	sor.u32 $0x3800, s20;
	s26 =	sadd.s32 $0x1900, s19  }
0x27f: {  	[hbm4b:s26+s2] =	stream.linear.scatter [tilespmem:s25], [sflag:$0x3], $0x80, $0x38;
	[tilespmem:$0x10000] =	vst v63  }
0x280: {  	s28 =	sor.u32 $0x3C00, s20;
	s29 =	sadd.s32 $0x1980, s19  }
0x281: {  	[hbm4b:s29+s2] =	stream.linear.scatter [tilespmem:s28], [sflag:$0x3], $0x80, $0x38;
	[tilespmem:$0x10000] =	vst v63  }
0x282: {  	s30 =	sor.u32 $0x4000, s20;
	s31 =	sadd.s32 $0x2000, s19  }
0x283: {  	[hbm4b:s31+s2] =	stream.linear.scatter [tilespmem:s30], [sflag:$0x3], $0x80, $0x38;
	[tilespmem:$0x10000] =	vst v63  }
0x284: {  	s15 =	sor.u32 $0x4400, s20;
	s16 =	sadd.s32 $0x2080, s19  }
0x285: {  	[hbm4b:s16+s2] =	stream.linear.scatter [tilespmem:s15], [sflag:$0x3], $0x80, $0x38;
	[tilespmem:$0x10000] =	vst v63  }
0x286: {  	s17 =	sor.u32 $0x4800, s20;
	s18 =	sadd.s32 $0x2100, s19  }
0x287: {  	[hbm4b:s18+s2] =	stream.linear.scatter [tilespmem:s17], [sflag:$0x3], $0x80, $0x38;
	[tilespmem:$0x10000] =	vst v63  }
0x288: {  	s21 =	sor.u32 $0x4C00, s20;
	s22 =	sadd.s32 $0x2180, s19  }
0x289: {  	[hbm4b:s22+s2] =	stream.linear.scatter [tilespmem:s21], [sflag:$0x3], $0x80, $0x38;
	[tilespmem:$0x10000] =	vst v63  }
0x28a: {  	s23 =	sor.u32 $0x5000, s20;
	s24 =	sadd.s32 $0x2800, s19  }
0x28b: {  	[hbm4b:s24+s2] =	stream.linear.scatter [tilespmem:s23], [sflag:$0x3], $0x80, $0x38;
	[tilespmem:$0x10000] =	vst v63  }
0x28c: {  	s25 =	sor.u32 $0x5400, s20;
	s26 =	sadd.s32 $0x2880, s19  }
0x28d: {  	[hbm4b:s26+s2] =	stream.linear.scatter [tilespmem:s25], [sflag:$0x3], $0x80, $0x38;
	[tilespmem:$0x10000] =	vst v63  }
0x28e: {  	s28 =	sor.u32 $0x5800, s20;
	s29 =	sadd.s32 $0x2900, s19;
	s30 =	sor.u32 $0x5C00, s20  }
0x28f: {  	[hbm4b:s29+s2] =	stream.linear.scatter [tilespmem:s28], [sflag:$0x3], $0x80, $0x38;
	[tilespmem:$0x10000] =	vst v63  }
0x290: {  	s31 =	sadd.s32 $0x2980, s19;
	s15 =	sor.u32 $0x6000, s20;
	s16 =	sadd.s32 $0x3000, s19  }
0x291: {  	[hbm4b:s31+s2] =	stream.linear.scatter [tilespmem:s30], [sflag:$0x3], $0x80, $0x38;
	[tilespmem:$0x10000] =	vst v63  }
0x292: {  	s17 =	sor.u32 $0x6400, s20;
	s18 =	sadd.s32 $0x3080, s19;
	s21 =	sor.u32 $0x6800, s20  }
0x293: {  	[hbm4b:s16+s2] =	stream.linear.scatter [tilespmem:s15], [sflag:$0x3], $0x80, $0x38;
	[tilespmem:$0x10000] =	vst v63  }
0x294: {  	s22 =	sadd.s32 $0x3100, s19;
	s23 =	sor.u32 $0x6C00, s20;
	s24 =	sadd.s32 $0x3180, s19  }
0x295: {  	[hbm4b:s18+s2] =	stream.linear.scatter [tilespmem:s17], [sflag:$0x3], $0x80, $0x38;
	[tilespmem:$0x10000] =	vst v63  }
0x296: {  	s25 =	sor.u32 $0x7000, s20;
	s26 =	sadd.s32 $0x3800, s19;
	s28 =	simm.s32 $0x40  }
0x297: {  	[hbm4b:s22+s2] =	stream.linear.scatter [tilespmem:s21], [sflag:$0x3], $0x80, $0x38;
	[tilespmem:$0x10000] =	vst v63  }
0x298: {  	s29 =	sor.u32 $0x7400, s20;
	s14 =	sand.u32 $0x600, s28;
	s30 =	sor.u32 $0x7800, s20  }
0x299: {  	[hbm4b:s24+s2] =	stream.linear.scatter [tilespmem:s23], [sflag:$0x3], $0x80, $0x38;
	[tilespmem:$0x10000] =	vst v63  }
0x29a: {  	s31 =	sadd.s32 $0x3900, s19;
	s20 =	sor.u32 $0x7C00, s20;
	s15 =	simm.s32 $0x20  }
0x29b: {  	[hbm4b:s26+s2] =	stream.linear.scatter [tilespmem:s25], [sflag:$0x3], $0x80, $0x38;
	[tilespmem:$0x10000] =	vst v63  }
0x29c: {  	s16 =	simm.s32 $0x10;
	s17 =	sadd.s32 $0x3880, s19;
	s18 =	simm.s32 $0x80  }
0x29d: {  	[hbm4b:s17+s2] =	stream.linear.scatter [tilespmem:s29], [sflag:$0x3], $0x80, $0x38;
	[tilespmem:$0x10000] =	vst v63  }
0x29e: {  	s19 =	sadd.s32 $0x3980, s19;
	s21 =	rddreg [dreg:$0x5];
	s17 =	simm.s32 $0x40  }
0x29f: {  	[hbm4b:s31+s2] =	stream.linear.scatter [tilespmem:s30], [sflag:$0x3], $0x80, $0x38;
	[tilespmem:$0x10000] =	vst v63  }
.LBB2_6:
0x2a0: {  	[hbm4b:s19+s2] =	stream.linear.scatter [tilespmem:s20], [sflag:$0x3], $0x80, $0x38;
	[tilespmem:$0x10000] =	vst v63  }
0x2a1: {  	s28 =	sand.u32 $0x70, s16;
	s29 =	sadd.s32 s14, s21  }
0x2a2: {  	s20 =	sand.u32 $0x380, s15;
	s19 =	sadd.s32 s28, s29  }
0x2a3: {  	[hbm4b:s19+s2] =	stream.linear.scatter [tilespmem:s20], [sflag:$0x3], $0x80, $0x38;
	[tilespmem:$0x10000] =	vst v63  }
0x2a4: {  	s15 =	sor.u32 $0x400, s20;
	s30 =	sadd.s32 $0x80, s19  }
0x2a5: {  	[hbm4b:s30+s2] =	stream.linear.scatter [tilespmem:s15], [sflag:$0x3], $0x80, $0x38;
	[tilespmem:$0x10000] =	vst v63  }
0x2a6: {  	s31 =	sor.u32 $0x800, s20;
	s23 =	sadd.s32 $0x100, s19  }
0x2a7: {  	[hbm4b:s23+s2] =	stream.linear.scatter [tilespmem:s31], [sflag:$0x3], $0x80, $0x38;
	[tilespmem:$0x10000] =	vst v63  }
0x2a8: {  	s24 =	sadd.s32 $0x180, s19;
	s23 =	sor.u32 $0xC00, s20  }
0x2a9: {  	[hbm4b:s24+s2] =	stream.linear.scatter [tilespmem:s23], [sflag:$0x3], $0x80, $0x38;
	[tilespmem:$0x10000] =	vst v63  }
0x2aa: {  	s25 =	sor.u32 $0x1000, s20;
	s26 =	sadd.s32 $0x800, s19  }
0x2ab: {  	[hbm4b:s26+s2] =	stream.linear.scatter [tilespmem:s25], [sflag:$0x3], $0x80, $0x38;
	[tilespmem:$0x10000] =	vst v63  }
0x2ac: {  	s28 =	sor.u32 $0x1400, s20;
	s29 =	sadd.s32 $0x880, s19  }
0x2ad: {  	[hbm4b:s29+s2] =	stream.linear.scatter [tilespmem:s28], [sflag:$0x3], $0x80, $0x38;
	[tilespmem:$0x10000] =	vst v63  }
0x2ae: {  	s30 =	sor.u32 $0x1800, s20;
	s31 =	sadd.s32 $0x900, s19  }
0x2af: {  	[hbm4b:s31+s2] =	stream.linear.scatter [tilespmem:s30], [sflag:$0x3], $0x80, $0x38;
	[tilespmem:$0x10000] =	vst v63  }
0x2b0: {  	s23 =	sor.u32 $0x1C00, s20;
	s24 =	sadd.s32 $0x980, s19  }
0x2b1: {  	[hbm4b:s24+s2] =	stream.linear.scatter [tilespmem:s23], [sflag:$0x3], $0x80, $0x38;
	[tilespmem:$0x10000] =	vst v63  }
0x2b2: {  	s25 =	sor.u32 $0x2000, s20;
	s26 =	sadd.s32 $0x1000, s19  }
0x2b3: {  	[hbm4b:s26+s2] =	stream.linear.scatter [tilespmem:s25], [sflag:$0x3], $0x80, $0x38;
	[tilespmem:$0x10000] =	vst v63  }
0x2b4: {  	s28 =	sor.u32 $0x2400, s20;
	s29 =	sadd.s32 $0x1080, s19  }
0x2b5: {  	[hbm4b:s29+s2] =	stream.linear.scatter [tilespmem:s28], [sflag:$0x3], $0x80, $0x38;
	[tilespmem:$0x10000] =	vst v63  }
0x2b6: {  	s30 =	sor.u32 $0x2800, s20;
	s31 =	sadd.s32 $0x1100, s19  }
0x2b7: {  	[hbm4b:s31+s2] =	stream.linear.scatter [tilespmem:s30], [sflag:$0x3], $0x80, $0x38;
	[tilespmem:$0x10000] =	vst v63  }
0x2b8: {  	s23 =	sor.u32 $0x2C00, s20;
	s24 =	sadd.s32 $0x1180, s19  }
0x2b9: {  	[hbm4b:s24+s2] =	stream.linear.scatter [tilespmem:s23], [sflag:$0x3], $0x80, $0x38;
	[tilespmem:$0x10000] =	vst v63  }
0x2ba: {  	s25 =	sor.u32 $0x3000, s20;
	s26 =	sadd.s32 $0x1800, s19  }
0x2bb: {  	[hbm4b:s26+s2] =	stream.linear.scatter [tilespmem:s25], [sflag:$0x3], $0x80, $0x38;
	[tilespmem:$0x10000] =	vst v63  }
0x2bc: {  	s28 =	sor.u32 $0x3400, s20;
	s29 =	sadd.s32 $0x1880, s19  }
0x2bd: {  	[hbm4b:s29+s2] =	stream.linear.scatter [tilespmem:s28], [sflag:$0x3], $0x80, $0x38;
	[tilespmem:$0x10000] =	vst v63  }
0x2be: {  	s30 =	sor.u32 $0x3800, s20;
	s31 =	sadd.s32 $0x1900, s19  }
0x2bf: {  	[hbm4b:s31+s2] =	stream.linear.scatter [tilespmem:s30], [sflag:$0x3], $0x80, $0x38;
	[tilespmem:$0x10000] =	vst v63  }
0x2c0: {  	s23 =	sor.u32 $0x3C00, s20;
	s24 =	sadd.s32 $0x1980, s19  }
0x2c1: {  	[hbm4b:s24+s2] =	stream.linear.scatter [tilespmem:s23], [sflag:$0x3], $0x80, $0x38;
	[tilespmem:$0x10000] =	vst v63  }
0x2c2: {  	s25 =	sor.u32 $0x4000, s20;
	s26 =	sadd.s32 $0x2000, s19  }
0x2c3: {  	[hbm4b:s26+s2] =	stream.linear.scatter [tilespmem:s25], [sflag:$0x3], $0x80, $0x38;
	[tilespmem:$0x10000] =	vst v63  }
0x2c4: {  	s28 =	sor.u32 $0x4400, s20;
	s29 =	sadd.s32 $0x2080, s19  }
0x2c5: {  	[hbm4b:s29+s2] =	stream.linear.scatter [tilespmem:s28], [sflag:$0x3], $0x80, $0x38;
	[tilespmem:$0x10000] =	vst v63  }
0x2c6: {  	s30 =	sor.u32 $0x4800, s20;
	s31 =	sadd.s32 $0x2100, s19  }
0x2c7: {  	[hbm4b:s31+s2] =	stream.linear.scatter [tilespmem:s30], [sflag:$0x3], $0x80, $0x38;
	[tilespmem:$0x10000] =	vst v63  }
0x2c8: {  	s23 =	sor.u32 $0x4C00, s20;
	s24 =	sadd.s32 $0x2180, s19  }
0x2c9: {  	[hbm4b:s24+s2] =	stream.linear.scatter [tilespmem:s23], [sflag:$0x3], $0x80, $0x38;
	[tilespmem:$0x10000] =	vst v63  }
0x2ca: {  	s25 =	sor.u32 $0x5000, s20;
	s26 =	sadd.s32 $0x2800, s19  }
0x2cb: {  	[hbm4b:s26+s2] =	stream.linear.scatter [tilespmem:s25], [sflag:$0x3], $0x80, $0x38;
	[tilespmem:$0x10000] =	vst v63  }
0x2cc: {  	s28 =	sor.u32 $0x5400, s20;
	s29 =	sadd.s32 $0x2880, s19  }
0x2cd: {  	[hbm4b:s29+s2] =	stream.linear.scatter [tilespmem:s28], [sflag:$0x3], $0x80, $0x38;
	[tilespmem:$0x10000] =	vst v63  }
0x2ce: {  	s30 =	sor.u32 $0x5800, s20;
	s31 =	sadd.s32 $0x2900, s19  }
0x2cf: {  	[hbm4b:s31+s2] =	stream.linear.scatter [tilespmem:s30], [sflag:$0x3], $0x80, $0x38;
	[tilespmem:$0x10000] =	vst v63  }
0x2d0: {  	s22 =	smov.u32 s17;
	s23 =	sor.u32 $0x5C00, s20;
	s24 =	sadd.s32 $0x2980, s19  }
0x2d1: {  	[hbm4b:s24+s2] =	stream.linear.scatter [tilespmem:s23], [sflag:$0x3], $0x80, $0x38;
	[tilespmem:$0x10000] =	vst v63  }
0x2d2: {  	s14 =	sand.u32 $0x600, s18;
	s25 =	sor.u32 $0x6000, s20;
	s26 =	sadd.s32 $0x3000, s19  }
0x2d3: {  	[hbm4b:s26+s2] =	stream.linear.scatter [tilespmem:s25], [sflag:$0x3], $0x80, $0x38;
	[tilespmem:$0x10000] =	vst v63  }
0x2d4: {  	p0 =	sne.s32 s17, $0x3E0;
	s28 =	sor.u32 $0x6400, s20;
	s29 =	sadd.s32 $0x3080, s19  }
0x2d5: {  	[hbm4b:s29+s2] =	stream.linear.scatter [tilespmem:s28], [sflag:$0x3], $0x80, $0x38;
	[tilespmem:$0x10000] =	vst v63  }
0x2d6: {  	s17 =	sadd.s32 $0x20, s17;
	s30 =	sor.u32 $0x6800, s20;
	s31 =	sadd.s32 $0x3100, s19  }
0x2d7: {  	[hbm4b:s31+s2] =	stream.linear.scatter [tilespmem:s30], [sflag:$0x3], $0x80, $0x38;
	[tilespmem:$0x10000] =	vst v63  }
0x2d8: {  	s16 =	sadd.s32 $0x10, s16;
	s23 =	sor.u32 $0x6C00, s20;
	s24 =	sadd.s32 $0x3180, s19  }
0x2d9: {  	[hbm4b:s24+s2] =	stream.linear.scatter [tilespmem:s23], [sflag:$0x3], $0x80, $0x38;
	[tilespmem:$0x10000] =	vst v63  }
0x2da: {  	s21 =	rddreg [dreg:$0x5];
	s25 =	sor.u32 $0x7000, s20;
	s26 =	sadd.s32 $0x3800, s19  }
0x2db: {  	[hbm4b:s26+s2] =	stream.linear.scatter [tilespmem:s25], [sflag:$0x3], $0x80, $0x38;
	[tilespmem:$0x10000] =	vst v63  }
.Ltmp2:
0x2dc: {  	s18 =	sadd.s32 $0x40, s18;
	s15 =	smov.u32 s22;
	(pc) =	sbr.rel @p0 .LBB2_6-.Ltmp2, $4  }
0x2dd: {  	s28 =	sor.u32 $0x7400, s20;
	s29 =	sadd.s32 $0x3880, s19;
	s30 =	sor.u32 $0x7800, s20  }
0x2de: {  	[hbm4b:s29+s2] =	stream.linear.scatter [tilespmem:s28], [sflag:$0x3], $0x80, $0x38;
	[tilespmem:$0x10000] =	vst v63  }
0x2df: {  	s31 =	sadd.s32 $0x3900, s19;
	s20 =	sor.u32 $0x7C00, s20;
	s19 =	sadd.s32 $0x3980, s19  }
0x2e0: {  	[hbm4b:s31+s2] =	stream.linear.scatter [tilespmem:s30], [sflag:$0x3], $0x80, $0x38;
	[tilespmem:$0x10000] =	vst v63  }
0x2e1: {  	[hbm4b:s19+s2] =	stream.linear.scatter [tilespmem:s20], [sflag:$0x3], $0x80, $0x38;
	[tilespmem:$0x10000] =	vst v63  }
0x2e2: {  	s16 =	sand.u32 $0x70, s16;
	s14 =	sadd.s32 s14, s21  }
0x2e3: {  	s15 =	sand.u32 $0x380, s15;
	s14 =	sadd.s32 s16, s14  }
0x2e4: {  	[hbm4b:s14+s2] =	stream.linear.scatter [tilespmem:s15], [sflag:$0x3], $0x80, $0x38;
	[tilespmem:$0x10000] =	vst v63  }
0x2e5: {  	s31 =	sor.u32 $0x400, s15;
	s17 =	sadd.s32 $0x80, s14  }
0x2e6: {  	[hbm4b:s17+s2] =	stream.linear.scatter [tilespmem:s31], [sflag:$0x3], $0x80, $0x38;
	[tilespmem:$0x10000] =	vst v63  }
0x2e7: {  	s18 =	sadd.s32 $0x100, s14;
	s17 =	sor.u32 $0x800, s15  }
0x2e8: {  	[hbm4b:s18+s2] =	stream.linear.scatter [tilespmem:s17], [sflag:$0x3], $0x80, $0x38;
	[tilespmem:$0x10000] =	vst v63  }
0x2e9: {  	s19 =	sor.u32 $0xC00, s15;
	s20 =	sadd.s32 $0x180, s14  }
0x2ea: {  	[hbm4b:s20+s2] =	stream.linear.scatter [tilespmem:s19], [sflag:$0x3], $0x80, $0x38;
	[tilespmem:$0x10000] =	vst v63  }
0x2eb: {  	s21 =	sor.u32 $0x1000, s15;
	s22 =	sadd.s32 $0x800, s14  }
0x2ec: {  	[hbm4b:s22+s2] =	stream.linear.scatter [tilespmem:s21], [sflag:$0x3], $0x80, $0x38;
	[tilespmem:$0x10000] =	vst v63  }
0x2ed: {  	s23 =	sor.u32 $0x1400, s15;
	s24 =	sadd.s32 $0x880, s14  }
0x2ee: {  	[hbm4b:s24+s2] =	stream.linear.scatter [tilespmem:s23], [sflag:$0x3], $0x80, $0x38;
	[tilespmem:$0x10000] =	vst v63  }
0x2ef: {  	s25 =	sor.u32 $0x1800, s15;
	s26 =	sadd.s32 $0x900, s14  }
0x2f0: {  	[hbm4b:s26+s2] =	stream.linear.scatter [tilespmem:s25], [sflag:$0x3], $0x80, $0x38;
	[tilespmem:$0x10000] =	vst v63  }
0x2f1: {  	s28 =	sor.u32 $0x1C00, s15;
	s29 =	sadd.s32 $0x980, s14  }
0x2f2: {  	[hbm4b:s29+s2] =	stream.linear.scatter [tilespmem:s28], [sflag:$0x3], $0x80, $0x38;
	[tilespmem:$0x10000] =	vst v63  }
0x2f3: {  	s30 =	sor.u32 $0x2000, s15;
	s31 =	sadd.s32 $0x1000, s14  }
0x2f4: {  	[hbm4b:s31+s2] =	stream.linear.scatter [tilespmem:s30], [sflag:$0x3], $0x80, $0x38;
	[tilespmem:$0x10000] =	vst v63  }
0x2f5: {  	s17 =	sor.u32 $0x2400, s15;
	s18 =	sadd.s32 $0x1080, s14  }
0x2f6: {  	[hbm4b:s18+s2] =	stream.linear.scatter [tilespmem:s17], [sflag:$0x3], $0x80, $0x38;
	[tilespmem:$0x10000] =	vst v63  }
0x2f7: {  	s19 =	sor.u32 $0x2800, s15;
	s20 =	sadd.s32 $0x1100, s14  }
0x2f8: {  	[hbm4b:s20+s2] =	stream.linear.scatter [tilespmem:s19], [sflag:$0x3], $0x80, $0x38;
	[tilespmem:$0x10000] =	vst v63  }
0x2f9: {  	s21 =	sor.u32 $0x2C00, s15;
	s22 =	sadd.s32 $0x1180, s14  }
0x2fa: {  	[hbm4b:s22+s2] =	stream.linear.scatter [tilespmem:s21], [sflag:$0x3], $0x80, $0x38;
	[tilespmem:$0x10000] =	vst v63  }
0x2fb: {  	s23 =	sor.u32 $0x3000, s15;
	s24 =	sadd.s32 $0x1800, s14  }
0x2fc: {  	[hbm4b:s24+s2] =	stream.linear.scatter [tilespmem:s23], [sflag:$0x3], $0x80, $0x38;
	[tilespmem:$0x10000] =	vst v63  }
0x2fd: {  	s25 =	sor.u32 $0x3400, s15;
	s26 =	sadd.s32 $0x1880, s14  }
0x2fe: {  	[hbm4b:s26+s2] =	stream.linear.scatter [tilespmem:s25], [sflag:$0x3], $0x80, $0x38;
	[tilespmem:$0x10000] =	vst v63  }
0x2ff: {  	s28 =	sor.u32 $0x3800, s15;
	s29 =	sadd.s32 $0x1900, s14  }
0x300: {  	[hbm4b:s29+s2] =	stream.linear.scatter [tilespmem:s28], [sflag:$0x3], $0x80, $0x38;
	[tilespmem:$0x10000] =	vst v63  }
0x301: {  	s30 =	sor.u32 $0x3C00, s15;
	s31 =	sadd.s32 $0x1980, s14  }
0x302: {  	[hbm4b:s31+s2] =	stream.linear.scatter [tilespmem:s30], [sflag:$0x3], $0x80, $0x38;
	[tilespmem:$0x10000] =	vst v63  }
0x303: {  	s17 =	sor.u32 $0x4000, s15;
	s18 =	sadd.s32 $0x2000, s14  }
0x304: {  	[hbm4b:s18+s2] =	stream.linear.scatter [tilespmem:s17], [sflag:$0x3], $0x80, $0x38;
	[tilespmem:$0x10000] =	vst v63  }
0x305: {  	s19 =	sor.u32 $0x4400, s15;
	s20 =	sadd.s32 $0x2080, s14  }
0x306: {  	[hbm4b:s20+s2] =	stream.linear.scatter [tilespmem:s19], [sflag:$0x3], $0x80, $0x38;
	[tilespmem:$0x10000] =	vst v63  }
0x307: {  	s21 =	sor.u32 $0x4800, s15;
	s22 =	sadd.s32 $0x2100, s14  }
0x308: {  	[hbm4b:s22+s2] =	stream.linear.scatter [tilespmem:s21], [sflag:$0x3], $0x80, $0x38;
	[tilespmem:$0x10000] =	vst v63  }
0x309: {  	s23 =	sor.u32 $0x4C00, s15;
	s24 =	sadd.s32 $0x2180, s14  }
0x30a: {  	[hbm4b:s24+s2] =	stream.linear.scatter [tilespmem:s23], [sflag:$0x3], $0x80, $0x38;
	[tilespmem:$0x10000] =	vst v63  }
0x30b: {  	s25 =	sor.u32 $0x5000, s15;
	s26 =	sadd.s32 $0x2800, s14  }
0x30c: {  	[hbm4b:s26+s2] =	stream.linear.scatter [tilespmem:s25], [sflag:$0x3], $0x80, $0x38;
	[tilespmem:$0x10000] =	vst v63  }
0x30d: {  	s28 =	sor.u32 $0x5400, s15;
	s29 =	sadd.s32 $0x2880, s14  }
0x30e: {  	[hbm4b:s29+s2] =	stream.linear.scatter [tilespmem:s28], [sflag:$0x3], $0x80, $0x38;
	[tilespmem:$0x10000] =	vst v63  }
0x30f: {  	s30 =	sor.u32 $0x5800, s15;
	s31 =	sadd.s32 $0x2900, s14  }
0x310: {  	[hbm4b:s31+s2] =	stream.linear.scatter [tilespmem:s30], [sflag:$0x3], $0x80, $0x38;
	[tilespmem:$0x10000] =	vst v63  }
0x311: {  	s17 =	sor.u32 $0x5C00, s15;
	s18 =	sadd.s32 $0x2980, s14  }
0x312: {  	[hbm4b:s18+s2] =	stream.linear.scatter [tilespmem:s17], [sflag:$0x3], $0x80, $0x38;
	[tilespmem:$0x10000] =	vst v63  }
0x313: {  	s19 =	sor.u32 $0x6000, s15;
	s20 =	sadd.s32 $0x3000, s14  }
0x314: {  	[hbm4b:s20+s2] =	stream.linear.scatter [tilespmem:s19], [sflag:$0x3], $0x80, $0x38;
	[tilespmem:$0x10000] =	vst v63  }
0x315: {  	s21 =	sor.u32 $0x6400, s15;
	s22 =	sadd.s32 $0x3080, s14  }
0x316: {  	[hbm4b:s22+s2] =	stream.linear.scatter [tilespmem:s21], [sflag:$0x3], $0x80, $0x38;
	[tilespmem:$0x10000] =	vst v63  }
0x317: {  	s23 =	sor.u32 $0x6800, s15;
	s24 =	sadd.s32 $0x3100, s14  }
0x318: {  	[hbm4b:s24+s2] =	stream.linear.scatter [tilespmem:s23], [sflag:$0x3], $0x80, $0x38;
	[tilespmem:$0x10000] =	vst v63  }
0x319: {  	s25 =	sor.u32 $0x6C00, s15;
	s26 =	sadd.s32 $0x3180, s14  }
0x31a: {  	[hbm4b:s26+s2] =	stream.linear.scatter [tilespmem:s25], [sflag:$0x3], $0x80, $0x38;
	[tilespmem:$0x10000] =	vst v63  }
0x31b: {  	s28 =	sor.u32 $0x7000, s15;
	s29 =	sadd.s32 $0x3800, s14  }
0x31c: {  	[hbm4b:s29+s2] =	stream.linear.scatter [tilespmem:s28], [sflag:$0x3], $0x80, $0x38;
	[tilespmem:$0x10000] =	vst v63  }
0x31d: {  	s30 =	sor.u32 $0x7400, s15;
	s31 =	sadd.s32 $0x3880, s14  }
0x31e: {  	[hbm4b:s31+s2] =	stream.linear.scatter [tilespmem:s30], [sflag:$0x3], $0x80, $0x38;
	[tilespmem:$0x10000] =	vst v63  }
0x31f: {  	s18 =	sor.u32 $0x7800, s15;
	s19 =	sadd.s32 $0x3900, s14  }
0x320: {  	[hbm4b:s19+s2] =	stream.linear.scatter [tilespmem:s18], [sflag:$0x3], $0x80, $0x38;
	[tilespmem:$0x10000] =	vst v63  }
0x321: {  	s15 =	sor.u32 $0x7C00, s15;
	s14 =	sadd.s32 $0x3980, s14  }
0x322: {  	[hbm4b:s14+s2] =	stream.linear.scatter [tilespmem:s15], [sflag:$0x3], $0x80, $0x38;
	[tilespmem:$0x10000] =	vst v63  }
0x323: {  	_ =	swait.ge [sflag:s10], $0x1000  }
0x324: {  	[sflag:s10] =	ssyncset.done $0x0  }
0x325: {  	[sflag:s10] =	ssyncadd.s32 $0xFFFFF000  }
0x326: {  	_ =	swait.ge [sflag:s10], $0x1000  }
0x327: {  	[sflag:s10] =	ssyncset.done $0x0  }
0x328: {  	[sflag:s10] =	ssyncadd.s32 $0xFFFFF000  }
0x329: {  	_ =	swait.ge [sflag:s10], $0x1000  }
0x32a: {  	[sflag:s10] =	ssyncset.done $0x0  }
0x32b: {  	[sflag:s10] =	ssyncadd.s32 $0xFFFFF000  }
0x32c: {  	_ =	swait.ge [sflag:s10], $0x1000  }
0x32d: {  	[sflag:s10] =	ssyncset.done $0x0  }
0x32e: {  	[sflag:s10] =	ssyncadd.s32 $0xFFFFF000  }
0x32f: {  	_ =	swait.ge [sflag:s10], $0x1000  }
0x330: {  	[sflag:s10] =	ssyncset.done $0x0  }
0x331: {  	[sflag:s10] =	ssyncadd.s32 $0xFFFFF000  }
0x332: {  	_ =	swait.ge [sflag:s10], $0x1000  }
0x333: {  	[sflag:s10] =	ssyncset.done $0x0  }
0x334: {  	[sflag:s10] =	ssyncadd.s32 $0xFFFFF000  }
0x335: {  	_ =	swait.ge [sflag:s10], $0x1000  }
0x336: {  	[sflag:s10] =	ssyncset.done $0x0  }
0x337: {  	[sflag:s10] =	ssyncadd.s32 $0xFFFFF000  }
0x338: {  	_ =	swait.ge [sflag:s10], $0x1000  }
0x339: {  	[sflag:s10] =	ssyncset.done $0x0  }
0x33a: {  	[sflag:s10] =	ssyncadd.s32 $0xFFFFF000  }
0x33b: {  	_ =	swait.ge [sflag:s10], $0x1000  }
0x33c: {  	[sflag:s10] =	ssyncset.done $0x0  }
0x33d: {  	[sflag:s10] =	ssyncadd.s32 $0xFFFFF000  }
0x33e: {  	_ =	swait.ge [sflag:s10], $0x1000  }
0x33f: {  	[sflag:s10] =	ssyncset.done $0x0  }
0x340: {  	[sflag:s10] =	ssyncadd.s32 $0xFFFFF000  }
0x341: {  	_ =	swait.ge [sflag:s10], $0x1000  }
0x342: {  	[sflag:s10] =	ssyncset.done $0x0  }
0x343: {  	[sflag:s10] =	ssyncadd.s32 $0xFFFFF000  }
0x344: {  	_ =	swait.ge [sflag:s10], $0x1000  }
0x345: {  	[sflag:s10] =	ssyncset.done $0x0  }
0x346: {  	[sflag:s10] =	ssyncadd.s32 $0xFFFFF000  }
0x347: {  	_ =	swait.ge [sflag:s10], $0x1000  }
0x348: {  	[sflag:s10] =	ssyncset.done $0x0  }
0x349: {  	[sflag:s10] =	ssyncadd.s32 $0xFFFFF000  }
0x34a: {  	_ =	swait.ge [sflag:s10], $0x1000  }
0x34b: {  	[sflag:s10] =	ssyncset.done $0x0  }
0x34c: {  	[sflag:s10] =	ssyncadd.s32 $0xFFFFF000  }
0x34d: {  	_ =	swait.ge [sflag:s10], $0x1000  }
0x34e: {  	[sflag:s10] =	ssyncset.done $0x0  }
0x34f: {  	[sflag:s10] =	ssyncadd.s32 $0xFFFFF000  }
0x350: {  	_ =	swait.ge [sflag:s10], $0x1000  }
0x351: {  	[sflag:s10] =	ssyncset.done $0x0  }
0x352: {  	[sflag:s10] =	ssyncadd.s32 $0xFFFFF000  }
0x353: {  	_ =	swait.ge [sflag:s10], $0x1000  }
0x354: {  	[sflag:s10] =	ssyncset.done $0x0  }
0x355: {  	[sflag:s10] =	ssyncadd.s32 $0xFFFFF000  }
0x356: {  	_ =	swait.ge [sflag:s10], $0x1000  }
0x357: {  	[sflag:s10] =	ssyncset.done $0x0  }
0x358: {  	[sflag:s10] =	ssyncadd.s32 $0xFFFFF000  }
0x359: {  	_ =	swait.ge [sflag:s10], $0x1000  }
0x35a: {  	[sflag:s10] =	ssyncset.done $0x0  }
0x35b: {  	[sflag:s10] =	ssyncadd.s32 $0xFFFFF000  }
0x35c: {  	_ =	swait.ge [sflag:s10], $0x1000  }
0x35d: {  	[sflag:s10] =	ssyncset.done $0x0  }
0x35e: {  	[sflag:s10] =	ssyncadd.s32 $0xFFFFF000  }
0x35f: {  	_ =	swait.ge [sflag:s10], $0x1000  }
0x360: {  	[sflag:s10] =	ssyncset.done $0x0  }
0x361: {  	[sflag:s10] =	ssyncadd.s32 $0xFFFFF000  }
0x362: {  	_ =	swait.ge [sflag:s10], $0x1000  }
0x363: {  	[sflag:s10] =	ssyncset.done $0x0  }
0x364: {  	[sflag:s10] =	ssyncadd.s32 $0xFFFFF000  }
0x365: {  	_ =	swait.ge [sflag:s10], $0x1000  }
0x366: {  	[sflag:s10] =	ssyncset.done $0x0  }
0x367: {  	[sflag:s10] =	ssyncadd.s32 $0xFFFFF000  }
0x368: {  	_ =	swait.ge [sflag:s10], $0x1000  }
0x369: {  	[sflag:s10] =	ssyncset.done $0x0  }
0x36a: {  	[sflag:s10] =	ssyncadd.s32 $0xFFFFF000  }
0x36b: {  	_ =	swait.ge [sflag:s10], $0x1000  }
0x36c: {  	[sflag:s10] =	ssyncset.done $0x0  }
0x36d: {  	[sflag:s10] =	ssyncadd.s32 $0xFFFFF000  }
0x36e: {  	_ =	swait.ge [sflag:s10], $0x1000  }
0x36f: {  	[sflag:s10] =	ssyncset.done $0x0  }
0x370: {  	[sflag:s10] =	ssyncadd.s32 $0xFFFFF000  }
0x371: {  	_ =	swait.ge [sflag:s10], $0x1000  }
0x372: {  	[sflag:s10] =	ssyncset.done $0x0  }
0x373: {  	[sflag:s10] =	ssyncadd.s32 $0xFFFFF000  }
0x374: {  	_ =	swait.ge [sflag:s10], $0x1000  }
0x375: {  	[sflag:s10] =	ssyncset.done $0x0  }
0x376: {  	[sflag:s10] =	ssyncadd.s32 $0xFFFFF000  }
0x377: {  	_ =	swait.ge [sflag:s10], $0x1000  }
0x378: {  	[sflag:s10] =	ssyncset.done $0x0  }
0x379: {  	[sflag:s10] =	ssyncadd.s32 $0xFFFFF000  }
0x37a: {  	_ =	swait.ge [sflag:s10], $0x1000  }
0x37b: {  	[sflag:s10] =	ssyncset.done $0x0  }
0x37c: {  	[sflag:s10] =	ssyncadd.s32 $0xFFFFF000  }
0x37d: {  	_ =	swait.ge [sflag:s10], $0x1000  }
0x37e: {  	[sflag:s10] =	ssyncset.done $0x0  }
0x37f: {  	[sflag:s10] =	ssyncadd.s32 $0xFFFFF000  }
0x380: {  	_ =	swait.ge [sflag:s10], $0x1000  }
0x381: {  	[sflag:s10] =	ssyncset.done $0x0  }
0x382: {  	[sflag:s10] =	ssyncadd.s32 $0xFFFFF000  }
0x383: {  	s21 =	simm.s32 $0x0;
	_ =	swait.ge [sflag:s11], $0x8000  }
0x384: {  	s22 =	sand.u32 $0x600, s21;
	s18 =	sand.u32 $0x380, s21;
	s20 =	rddreg [dreg:$0x6]  }
0x385: {  	s15 =	sand.u32 $0x70, s21;
	[sflag:s11] =	ssyncset.done $0x0;
	s14 =	sadd.s32 s22, s20  }
0x386: {  	s23 =	sor.u32 $0x8000, s18;
	[sflag:s11] =	ssyncadd.s32 $0xFFFF8000;
	s19 =	sadd.s32 s15, s14  }
0x387: {  	[hbm4b:s19+s2] =	stream.linear.scatter [tilespmem:s23], [sflag:$0x4], $0x80, $0x38;
	[tilespmem:$0x10000] =	vst v63  }
0x388: {  	s24 =	sor.u32 $0x8400, s18;
	s15 =	sadd.s32 $0x80, s19  }
0x389: {  	[hbm4b:s15+s2] =	stream.linear.scatter [tilespmem:s24], [sflag:$0x4], $0x80, $0x38;
	[tilespmem:$0x10000] =	vst v63  }
0x38a: {  	s25 =	sor.u32 $0x8800, s18;
	s26 =	sadd.s32 $0x100, s19  }
0x38b: {  	[hbm4b:s26+s2] =	stream.linear.scatter [tilespmem:s25], [sflag:$0x4], $0x80, $0x38;
	[tilespmem:$0x10000] =	vst v63  }
0x38c: {  	s28 =	sor.u32 $0x8C00, s18;
	s29 =	sadd.s32 $0x180, s19  }
0x38d: {  	[hbm4b:s29+s2] =	stream.linear.scatter [tilespmem:s28], [sflag:$0x4], $0x80, $0x38;
	[tilespmem:$0x10000] =	vst v63  }
0x38e: {  	s30 =	sor.u32 $0x9000, s18;
	s31 =	sadd.s32 $0x800, s19  }
0x38f: {  	[hbm4b:s31+s2] =	stream.linear.scatter [tilespmem:s30], [sflag:$0x4], $0x80, $0x38;
	[tilespmem:$0x10000] =	vst v63  }
0x390: {  	s16 =	sadd.s32 $0x880, s19;
	s15 =	sor.u32 $0x9400, s18  }
0x391: {  	[hbm4b:s16+s2] =	stream.linear.scatter [tilespmem:s15], [sflag:$0x4], $0x80, $0x38;
	[tilespmem:$0x10000] =	vst v63  }
0x392: {  	s17 =	sor.u32 $0x9800, s18;
	s20 =	sadd.s32 $0x900, s19  }
0x393: {  	[hbm4b:s20+s2] =	stream.linear.scatter [tilespmem:s17], [sflag:$0x4], $0x80, $0x38;
	[tilespmem:$0x10000] =	vst v63  }
0x394: {  	s21 =	sor.u32 $0x9C00, s18;
	s22 =	sadd.s32 $0x980, s19  }
0x395: {  	[hbm4b:s22+s2] =	stream.linear.scatter [tilespmem:s21], [sflag:$0x4], $0x80, $0x38;
	[tilespmem:$0x10000] =	vst v63  }
0x396: {  	s23 =	sor.u32 $0xA000, s18;
	s24 =	sadd.s32 $0x1000, s19  }
0x397: {  	[hbm4b:s24+s2] =	stream.linear.scatter [tilespmem:s23], [sflag:$0x4], $0x80, $0x38;
	[tilespmem:$0x10000] =	vst v63  }
0x398: {  	s25 =	sor.u32 $0xA400, s18;
	s26 =	sadd.s32 $0x1080, s19  }
0x399: {  	[hbm4b:s26+s2] =	stream.linear.scatter [tilespmem:s25], [sflag:$0x4], $0x80, $0x38;
	[tilespmem:$0x10000] =	vst v63  }
0x39a: {  	s28 =	sor.u32 $0xA800, s18;
	s29 =	sadd.s32 $0x1100, s19  }
0x39b: {  	[hbm4b:s29+s2] =	stream.linear.scatter [tilespmem:s28], [sflag:$0x4], $0x80, $0x38;
	[tilespmem:$0x10000] =	vst v63  }
0x39c: {  	s30 =	sor.u32 $0xAC00, s18;
	s31 =	sadd.s32 $0x1180, s19  }
0x39d: {  	[hbm4b:s31+s2] =	stream.linear.scatter [tilespmem:s30], [sflag:$0x4], $0x80, $0x38;
	[tilespmem:$0x10000] =	vst v63  }
0x39e: {  	s15 =	sor.u32 $0xB000, s18;
	s16 =	sadd.s32 $0x1800, s19  }
0x39f: {  	[hbm4b:s16+s2] =	stream.linear.scatter [tilespmem:s15], [sflag:$0x4], $0x80, $0x38;
	[tilespmem:$0x10000] =	vst v63  }
0x3a0: {  	s17 =	sor.u32 $0xB400, s18;
	s20 =	sadd.s32 $0x1880, s19  }
0x3a1: {  	[hbm4b:s20+s2] =	stream.linear.scatter [tilespmem:s17], [sflag:$0x4], $0x80, $0x38;
	[tilespmem:$0x10000] =	vst v63  }
0x3a2: {  	s21 =	sor.u32 $0xB800, s18;
	s22 =	sadd.s32 $0x1900, s19  }
0x3a3: {  	[hbm4b:s22+s2] =	stream.linear.scatter [tilespmem:s21], [sflag:$0x4], $0x80, $0x38;
	[tilespmem:$0x10000] =	vst v63  }
0x3a4: {  	s23 =	sor.u32 $0xBC00, s18;
	s24 =	sadd.s32 $0x1980, s19  }
0x3a5: {  	[hbm4b:s24+s2] =	stream.linear.scatter [tilespmem:s23], [sflag:$0x4], $0x80, $0x38;
	[tilespmem:$0x10000] =	vst v63  }
0x3a6: {  	s25 =	sor.u32 $0xC000, s18;
	s26 =	sadd.s32 $0x2000, s19  }
0x3a7: {  	[hbm4b:s26+s2] =	stream.linear.scatter [tilespmem:s25], [sflag:$0x4], $0x80, $0x38;
	[tilespmem:$0x10000] =	vst v63  }
0x3a8: {  	s28 =	sor.u32 $0xC400, s18;
	s29 =	sadd.s32 $0x2080, s19  }
0x3a9: {  	[hbm4b:s29+s2] =	stream.linear.scatter [tilespmem:s28], [sflag:$0x4], $0x80, $0x38;
	[tilespmem:$0x10000] =	vst v63  }
0x3aa: {  	s30 =	sor.u32 $0xC800, s18;
	s31 =	sadd.s32 $0x2100, s19  }
0x3ab: {  	[hbm4b:s31+s2] =	stream.linear.scatter [tilespmem:s30], [sflag:$0x4], $0x80, $0x38;
	[tilespmem:$0x10000] =	vst v63  }
0x3ac: {  	s15 =	sor.u32 $0xCC00, s18;
	s16 =	sadd.s32 $0x2180, s19  }
0x3ad: {  	[hbm4b:s16+s2] =	stream.linear.scatter [tilespmem:s15], [sflag:$0x4], $0x80, $0x38;
	[tilespmem:$0x10000] =	vst v63  }
0x3ae: {  	s17 =	sor.u32 $0xD000, s18;
	s20 =	sadd.s32 $0x2800, s19  }
0x3af: {  	[hbm4b:s20+s2] =	stream.linear.scatter [tilespmem:s17], [sflag:$0x4], $0x80, $0x38;
	[tilespmem:$0x10000] =	vst v63  }
0x3b0: {  	s21 =	sor.u32 $0xD400, s18;
	s22 =	sadd.s32 $0x2880, s19;
	s23 =	sor.u32 $0xD800, s18  }
0x3b1: {  	[hbm4b:s22+s2] =	stream.linear.scatter [tilespmem:s21], [sflag:$0x4], $0x80, $0x38;
	[tilespmem:$0x10000] =	vst v63  }
0x3b2: {  	s24 =	sadd.s32 $0x2900, s19;
	s25 =	sor.u32 $0xDC00, s18;
	s26 =	sadd.s32 $0x2980, s19  }
0x3b3: {  	[hbm4b:s24+s2] =	stream.linear.scatter [tilespmem:s23], [sflag:$0x4], $0x80, $0x38;
	[tilespmem:$0x10000] =	vst v63  }
0x3b4: {  	s28 =	sor.u32 $0xE000, s18;
	s29 =	sadd.s32 $0x3000, s19;
	s30 =	sor.u32 $0xE400, s18  }
0x3b5: {  	[hbm4b:s26+s2] =	stream.linear.scatter [tilespmem:s25], [sflag:$0x4], $0x80, $0x38;
	[tilespmem:$0x10000] =	vst v63  }
0x3b6: {  	s31 =	sadd.s32 $0x3080, s19;
	s16 =	sor.u32 $0xE800, s18;
	s20 =	simm.s32 $0x20  }
0x3b7: {  	[hbm4b:s29+s2] =	stream.linear.scatter [tilespmem:s28], [sflag:$0x4], $0x80, $0x38;
	[tilespmem:$0x10000] =	vst v63  }
0x3b8: {  	s17 =	sadd.s32 $0x3100, s19;
	s14 =	sand.u32 $0x380, s20;
	s22 =	sor.u32 $0xEC00, s18  }
0x3b9: {  	[hbm4b:s31+s2] =	stream.linear.scatter [tilespmem:s30], [sflag:$0x4], $0x80, $0x38;
	[tilespmem:$0x10000] =	vst v63  }
0x3ba: {  	s21 =	simm.s32 $0x40;
	s23 =	sadd.s32 $0x3180, s19;
	s24 =	simm.s32 $0x40  }
0x3bb: {  	[hbm4b:s17+s2] =	stream.linear.scatter [tilespmem:s16], [sflag:$0x4], $0x80, $0x38;
	[tilespmem:$0x10000] =	vst v63  }
0x3bc: {  	s15 =	sand.u32 $0x600, s24;
	s25 =	sor.u32 $0xF000, s18;
	s26 =	sadd.s32 $0x3800, s19  }
0x3bd: {  	[hbm4b:s23+s2] =	stream.linear.scatter [tilespmem:s22], [sflag:$0x4], $0x80, $0x38;
	[tilespmem:$0x10000] =	vst v63  }
0x3be: {  	s28 =	sor.u32 $0xF400, s18;
	s29 =	sadd.s32 $0x3880, s19;
	s30 =	sor.u32 $0xF800, s18  }
0x3bf: {  	[hbm4b:s26+s2] =	stream.linear.scatter [tilespmem:s25], [sflag:$0x4], $0x80, $0x38;
	[tilespmem:$0x10000] =	vst v63  }
0x3c0: {  	s31 =	sadd.s32 $0x3900, s19;
	s16 =	simm.s32 $0x10;
	s17 =	simm.s32 $0x80  }
0x3c1: {  	[hbm4b:s29+s2] =	stream.linear.scatter [tilespmem:s28], [sflag:$0x4], $0x80, $0x38;
	[tilespmem:$0x10000] =	vst v63  }
0x3c2: {  	s22 =	rddreg [dreg:$0x6];
	s23 =	sor.u32 $0xFC00, s18;
	s18 =	sadd.s32 $0x3980, s19  }
0x3c3: {  	[hbm4b:s31+s2] =	stream.linear.scatter [tilespmem:s30], [sflag:$0x4], $0x80, $0x38;
	[tilespmem:$0x10000] =	vst v63  }
.LBB2_8:
0x3c4: {  	[hbm4b:s18+s2] =	stream.linear.scatter [tilespmem:s23], [sflag:$0x4], $0x80, $0x38;
	[tilespmem:$0x10000] =	vst v63  }
0x3c5: {  	s20 =	sand.u32 $0x70, s16;
	s22 =	sadd.s32 s15, s22  }
0x3c6: {  	s26 =	sor.u32 $0x8000, s14;
	s20 =	sadd.s32 s20, s22  }
0x3c7: {  	[hbm4b:s20+s2] =	stream.linear.scatter [tilespmem:s26], [sflag:$0x4], $0x80, $0x38;
	[tilespmem:$0x10000] =	vst v63  }
0x3c8: {  	s28 =	sor.u32 $0x8400, s14;
	s29 =	sadd.s32 $0x80, s20  }
0x3c9: {  	[hbm4b:s29+s2] =	stream.linear.scatter [tilespmem:s28], [sflag:$0x4], $0x80, $0x38;
	[tilespmem:$0x10000] =	vst v63  }
0x3ca: {  	s30 =	sor.u32 $0x8800, s14;
	s31 =	sadd.s32 $0x100, s20  }
0x3cb: {  	[hbm4b:s31+s2] =	stream.linear.scatter [tilespmem:s30], [sflag:$0x4], $0x80, $0x38;
	[tilespmem:$0x10000] =	vst v63  }
0x3cc: {  	s23 =	sor.u32 $0x8C00, s14;
	s24 =	sadd.s32 $0x180, s20  }
0x3cd: {  	[hbm4b:s24+s2] =	stream.linear.scatter [tilespmem:s23], [sflag:$0x4], $0x80, $0x38;
	[tilespmem:$0x10000] =	vst v63  }
0x3ce: {  	s25 =	sor.u32 $0x9000, s14;
	s26 =	sadd.s32 $0x800, s20  }
0x3cf: {  	[hbm4b:s26+s2] =	stream.linear.scatter [tilespmem:s25], [sflag:$0x4], $0x80, $0x38;
	[tilespmem:$0x10000] =	vst v63  }
0x3d0: {  	s28 =	sor.u32 $0x9400, s14;
	s29 =	sadd.s32 $0x880, s20  }
0x3d1: {  	[hbm4b:s29+s2] =	stream.linear.scatter [tilespmem:s28], [sflag:$0x4], $0x80, $0x38;
	[tilespmem:$0x10000] =	vst v63  }
0x3d2: {  	s30 =	sor.u32 $0x9800, s14;
	s31 =	sadd.s32 $0x900, s20  }
0x3d3: {  	[hbm4b:s31+s2] =	stream.linear.scatter [tilespmem:s30], [sflag:$0x4], $0x80, $0x38;
	[tilespmem:$0x10000] =	vst v63  }
0x3d4: {  	s23 =	sor.u32 $0x9C00, s14;
	s24 =	sadd.s32 $0x980, s20  }
0x3d5: {  	[hbm4b:s24+s2] =	stream.linear.scatter [tilespmem:s23], [sflag:$0x4], $0x80, $0x38;
	[tilespmem:$0x10000] =	vst v63  }
0x3d6: {  	s25 =	sor.u32 $0xA000, s14;
	s26 =	sadd.s32 $0x1000, s20  }
0x3d7: {  	[hbm4b:s26+s2] =	stream.linear.scatter [tilespmem:s25], [sflag:$0x4], $0x80, $0x38;
	[tilespmem:$0x10000] =	vst v63  }
0x3d8: {  	s28 =	sor.u32 $0xA400, s14;
	s29 =	sadd.s32 $0x1080, s20  }
0x3d9: {  	[hbm4b:s29+s2] =	stream.linear.scatter [tilespmem:s28], [sflag:$0x4], $0x80, $0x38;
	[tilespmem:$0x10000] =	vst v63  }
0x3da: {  	s30 =	sor.u32 $0xA800, s14;
	s31 =	sadd.s32 $0x1100, s20  }
0x3db: {  	[hbm4b:s31+s2] =	stream.linear.scatter [tilespmem:s30], [sflag:$0x4], $0x80, $0x38;
	[tilespmem:$0x10000] =	vst v63  }
0x3dc: {  	s23 =	sor.u32 $0xAC00, s14;
	s24 =	sadd.s32 $0x1180, s20  }
0x3dd: {  	[hbm4b:s24+s2] =	stream.linear.scatter [tilespmem:s23], [sflag:$0x4], $0x80, $0x38;
	[tilespmem:$0x10000] =	vst v63  }
0x3de: {  	s25 =	sor.u32 $0xB000, s14;
	s26 =	sadd.s32 $0x1800, s20  }
0x3df: {  	[hbm4b:s26+s2] =	stream.linear.scatter [tilespmem:s25], [sflag:$0x4], $0x80, $0x38;
	[tilespmem:$0x10000] =	vst v63  }
0x3e0: {  	s28 =	sor.u32 $0xB400, s14;
	s29 =	sadd.s32 $0x1880, s20  }
0x3e1: {  	[hbm4b:s29+s2] =	stream.linear.scatter [tilespmem:s28], [sflag:$0x4], $0x80, $0x38;
	[tilespmem:$0x10000] =	vst v63  }
0x3e2: {  	s30 =	sor.u32 $0xB800, s14;
	s31 =	sadd.s32 $0x1900, s20  }
0x3e3: {  	[hbm4b:s31+s2] =	stream.linear.scatter [tilespmem:s30], [sflag:$0x4], $0x80, $0x38;
	[tilespmem:$0x10000] =	vst v63  }
0x3e4: {  	s23 =	sor.u32 $0xBC00, s14;
	s24 =	sadd.s32 $0x1980, s20  }
0x3e5: {  	[hbm4b:s24+s2] =	stream.linear.scatter [tilespmem:s23], [sflag:$0x4], $0x80, $0x38;
	[tilespmem:$0x10000] =	vst v63  }
0x3e6: {  	s25 =	sor.u32 $0xC000, s14;
	s26 =	sadd.s32 $0x2000, s20  }
0x3e7: {  	[hbm4b:s26+s2] =	stream.linear.scatter [tilespmem:s25], [sflag:$0x4], $0x80, $0x38;
	[tilespmem:$0x10000] =	vst v63  }
0x3e8: {  	s28 =	sor.u32 $0xC400, s14;
	s29 =	sadd.s32 $0x2080, s20  }
0x3e9: {  	[hbm4b:s29+s2] =	stream.linear.scatter [tilespmem:s28], [sflag:$0x4], $0x80, $0x38;
	[tilespmem:$0x10000] =	vst v63  }
0x3ea: {  	s30 =	sor.u32 $0xC800, s14;
	s31 =	sadd.s32 $0x2100, s20  }
0x3eb: {  	[hbm4b:s31+s2] =	stream.linear.scatter [tilespmem:s30], [sflag:$0x4], $0x80, $0x38;
	[tilespmem:$0x10000] =	vst v63  }
0x3ec: {  	s23 =	sor.u32 $0xCC00, s14;
	s24 =	sadd.s32 $0x2180, s20  }
0x3ed: {  	[hbm4b:s24+s2] =	stream.linear.scatter [tilespmem:s23], [sflag:$0x4], $0x80, $0x38;
	[tilespmem:$0x10000] =	vst v63  }
0x3ee: {  	s25 =	sor.u32 $0xD000, s14;
	s26 =	sadd.s32 $0x2800, s20  }
0x3ef: {  	[hbm4b:s26+s2] =	stream.linear.scatter [tilespmem:s25], [sflag:$0x4], $0x80, $0x38;
	[tilespmem:$0x10000] =	vst v63  }
0x3f0: {  	s28 =	sor.u32 $0xD400, s14;
	s29 =	sadd.s32 $0x2880, s20  }
0x3f1: {  	[hbm4b:s29+s2] =	stream.linear.scatter [tilespmem:s28], [sflag:$0x4], $0x80, $0x38;
	[tilespmem:$0x10000] =	vst v63  }
0x3f2: {  	s18 =	smov.u32 s21;
	s30 =	sor.u32 $0xD800, s14;
	s31 =	sadd.s32 $0x2900, s20  }
0x3f3: {  	[hbm4b:s31+s2] =	stream.linear.scatter [tilespmem:s30], [sflag:$0x4], $0x80, $0x38;
	[tilespmem:$0x10000] =	vst v63  }
0x3f4: {  	s15 =	sand.u32 $0x600, s17;
	s23 =	sor.u32 $0xDC00, s14;
	s24 =	sadd.s32 $0x2980, s20  }
0x3f5: {  	[hbm4b:s24+s2] =	stream.linear.scatter [tilespmem:s23], [sflag:$0x4], $0x80, $0x38;
	[tilespmem:$0x10000] =	vst v63  }
0x3f6: {  	s19 =	sadd.s32 $0x20, s21;
	s25 =	sor.u32 $0xE000, s14;
	s26 =	sadd.s32 $0x3000, s20  }
0x3f7: {  	[hbm4b:s26+s2] =	stream.linear.scatter [tilespmem:s25], [sflag:$0x4], $0x80, $0x38;
	[tilespmem:$0x10000] =	vst v63  }
0x3f8: {  	p0 =	sne.s32 s21, $0x3E0;
	s28 =	sor.u32 $0xE400, s14;
	s29 =	sadd.s32 $0x3080, s20  }
0x3f9: {  	[hbm4b:s29+s2] =	stream.linear.scatter [tilespmem:s28], [sflag:$0x4], $0x80, $0x38;
	[tilespmem:$0x10000] =	vst v63  }
0x3fa: {  	s16 =	sadd.s32 $0x10, s16;
	s30 =	sor.u32 $0xE800, s14;
	s31 =	sadd.s32 $0x3100, s20  }
0x3fb: {  	[hbm4b:s31+s2] =	stream.linear.scatter [tilespmem:s30], [sflag:$0x4], $0x80, $0x38;
	[tilespmem:$0x10000] =	vst v63  }
0x3fc: {  	s17 =	sadd.s32 $0x40, s17;
	s23 =	sor.u32 $0xEC00, s14;
	s24 =	sadd.s32 $0x3180, s20  }
0x3fd: {  	[hbm4b:s24+s2] =	stream.linear.scatter [tilespmem:s23], [sflag:$0x4], $0x80, $0x38;
	[tilespmem:$0x10000] =	vst v63  }
0x3fe: {  	s22 =	rddreg [dreg:$0x6];
	s25 =	sor.u32 $0xF000, s14;
	s26 =	sadd.s32 $0x3800, s20  }
0x3ff: {  	[hbm4b:s26+s2] =	stream.linear.scatter [tilespmem:s25], [sflag:$0x4], $0x80, $0x38;
	[tilespmem:$0x10000] =	vst v63  }
.Ltmp3:
0x400: {  	s21 =	smov.u32 s19;
	s28 =	sor.u32 $0xF400, s14;
	(pc) =	sbr.rel @p0 .LBB2_8-.Ltmp3, $4  }
0x401: {  	s29 =	sadd.s32 $0x3880, s20;
	s30 =	sor.u32 $0xF800, s14;
	s31 =	sadd.s32 $0x3900, s20  }
0x402: {  	[hbm4b:s29+s2] =	stream.linear.scatter [tilespmem:s28], [sflag:$0x4], $0x80, $0x38;
	[tilespmem:$0x10000] =	vst v63  }
0x403: {  	s23 =	sor.u32 $0xFC00, s14;
	s14 =	sand.u32 $0x380, s18;
	s18 =	sadd.s32 $0x3980, s20  }
0x404: {  	[hbm4b:s31+s2] =	stream.linear.scatter [tilespmem:s30], [sflag:$0x4], $0x80, $0x38;
	[tilespmem:$0x10000] =	vst v63  }
0x405: {  	[hbm4b:s18+s2] =	stream.linear.scatter [tilespmem:s23], [sflag:$0x4], $0x80, $0x38;
	[tilespmem:$0x10000] =	vst v63  }
0x406: {  	s16 =	sand.u32 $0x70, s16;
	s15 =	sadd.s32 s15, s22  }
0x407: {  	s25 =	sor.u32 $0x8000, s14;
	s15 =	sadd.s32 s16, s15  }
0x408: {  	[hbm4b:s15+s2] =	stream.linear.scatter [tilespmem:s25], [sflag:$0x4], $0x80, $0x38;
	[tilespmem:$0x10000] =	vst v63  }
0x409: {  	s26 =	sor.u32 $0x8400, s14;
	s17 =	sadd.s32 $0x80, s15  }
0x40a: {  	[hbm4b:s17+s2] =	stream.linear.scatter [tilespmem:s26], [sflag:$0x4], $0x80, $0x38;
	[tilespmem:$0x10000] =	vst v63  }
0x40b: {  	s28 =	sor.u32 $0x8800, s14;
	s29 =	sadd.s32 $0x100, s15  }
0x40c: {  	[hbm4b:s29+s2] =	stream.linear.scatter [tilespmem:s28], [sflag:$0x4], $0x80, $0x38;
	[tilespmem:$0x10000] =	vst v63  }
0x40d: {  	s30 =	sor.u32 $0x8C00, s14;
	s31 =	sadd.s32 $0x180, s15  }
0x40e: {  	[hbm4b:s31+s2] =	stream.linear.scatter [tilespmem:s30], [sflag:$0x4], $0x80, $0x38;
	[tilespmem:$0x10000] =	vst v63  }
0x40f: {  	s18 =	sadd.s32 $0x800, s15;
	s17 =	sor.u32 $0x9000, s14  }
0x410: {  	[hbm4b:s18+s2] =	stream.linear.scatter [tilespmem:s17], [sflag:$0x4], $0x80, $0x38;
	[tilespmem:$0x10000] =	vst v63  }
0x411: {  	s19 =	sor.u32 $0x9400, s14;
	s20 =	sadd.s32 $0x880, s15  }
0x412: {  	[hbm4b:s20+s2] =	stream.linear.scatter [tilespmem:s19], [sflag:$0x4], $0x80, $0x38;
	[tilespmem:$0x10000] =	vst v63  }
0x413: {  	s21 =	sor.u32 $0x9800, s14;
	s22 =	sadd.s32 $0x900, s15  }
0x414: {  	[hbm4b:s22+s2] =	stream.linear.scatter [tilespmem:s21], [sflag:$0x4], $0x80, $0x38;
	[tilespmem:$0x10000] =	vst v63  }
0x415: {  	s23 =	sor.u32 $0x9C00, s14;
	s24 =	sadd.s32 $0x980, s15  }
0x416: {  	[hbm4b:s24+s2] =	stream.linear.scatter [tilespmem:s23], [sflag:$0x4], $0x80, $0x38;
	[tilespmem:$0x10000] =	vst v63  }
0x417: {  	s25 =	sor.u32 $0xA000, s14;
	s26 =	sadd.s32 $0x1000, s15  }
0x418: {  	[hbm4b:s26+s2] =	stream.linear.scatter [tilespmem:s25], [sflag:$0x4], $0x80, $0x38;
	[tilespmem:$0x10000] =	vst v63  }
0x419: {  	s28 =	sor.u32 $0xA400, s14;
	s29 =	sadd.s32 $0x1080, s15  }
0x41a: {  	[hbm4b:s29+s2] =	stream.linear.scatter [tilespmem:s28], [sflag:$0x4], $0x80, $0x38;
	[tilespmem:$0x10000] =	vst v63  }
0x41b: {  	s30 =	sor.u32 $0xA800, s14;
	s31 =	sadd.s32 $0x1100, s15  }
0x41c: {  	[hbm4b:s31+s2] =	stream.linear.scatter [tilespmem:s30], [sflag:$0x4], $0x80, $0x38;
	[tilespmem:$0x10000] =	vst v63  }
0x41d: {  	s17 =	sor.u32 $0xAC00, s14;
	s18 =	sadd.s32 $0x1180, s15  }
0x41e: {  	[hbm4b:s18+s2] =	stream.linear.scatter [tilespmem:s17], [sflag:$0x4], $0x80, $0x38;
	[tilespmem:$0x10000] =	vst v63  }
0x41f: {  	s19 =	sor.u32 $0xB000, s14;
	s20 =	sadd.s32 $0x1800, s15  }
0x420: {  	[hbm4b:s20+s2] =	stream.linear.scatter [tilespmem:s19], [sflag:$0x4], $0x80, $0x38;
	[tilespmem:$0x10000] =	vst v63  }
0x421: {  	s21 =	sor.u32 $0xB400, s14;
	s22 =	sadd.s32 $0x1880, s15  }
0x422: {  	[hbm4b:s22+s2] =	stream.linear.scatter [tilespmem:s21], [sflag:$0x4], $0x80, $0x38;
	[tilespmem:$0x10000] =	vst v63  }
0x423: {  	s23 =	sor.u32 $0xB800, s14;
	s24 =	sadd.s32 $0x1900, s15  }
0x424: {  	[hbm4b:s24+s2] =	stream.linear.scatter [tilespmem:s23], [sflag:$0x4], $0x80, $0x38;
	[tilespmem:$0x10000] =	vst v63  }
0x425: {  	s25 =	sor.u32 $0xBC00, s14;
	s26 =	sadd.s32 $0x1980, s15  }
0x426: {  	[hbm4b:s26+s2] =	stream.linear.scatter [tilespmem:s25], [sflag:$0x4], $0x80, $0x38;
	[tilespmem:$0x10000] =	vst v63  }
0x427: {  	s28 =	sor.u32 $0xC000, s14;
	s29 =	sadd.s32 $0x2000, s15  }
0x428: {  	[hbm4b:s29+s2] =	stream.linear.scatter [tilespmem:s28], [sflag:$0x4], $0x80, $0x38;
	[tilespmem:$0x10000] =	vst v63  }
0x429: {  	s30 =	sor.u32 $0xC400, s14;
	s31 =	sadd.s32 $0x2080, s15  }
0x42a: {  	[hbm4b:s31+s2] =	stream.linear.scatter [tilespmem:s30], [sflag:$0x4], $0x80, $0x38;
	[tilespmem:$0x10000] =	vst v63  }
0x42b: {  	s17 =	sor.u32 $0xC800, s14;
	s18 =	sadd.s32 $0x2100, s15  }
0x42c: {  	[hbm4b:s18+s2] =	stream.linear.scatter [tilespmem:s17], [sflag:$0x4], $0x80, $0x38;
	[tilespmem:$0x10000] =	vst v63  }
0x42d: {  	s19 =	sor.u32 $0xCC00, s14;
	s20 =	sadd.s32 $0x2180, s15  }
0x42e: {  	[hbm4b:s20+s2] =	stream.linear.scatter [tilespmem:s19], [sflag:$0x4], $0x80, $0x38;
	[tilespmem:$0x10000] =	vst v63  }
0x42f: {  	s21 =	sor.u32 $0xD000, s14;
	s22 =	sadd.s32 $0x2800, s15  }
0x430: {  	[hbm4b:s22+s2] =	stream.linear.scatter [tilespmem:s21], [sflag:$0x4], $0x80, $0x38;
	[tilespmem:$0x10000] =	vst v63  }
0x431: {  	s23 =	sor.u32 $0xD400, s14;
	s24 =	sadd.s32 $0x2880, s15  }
0x432: {  	[hbm4b:s24+s2] =	stream.linear.scatter [tilespmem:s23], [sflag:$0x4], $0x80, $0x38;
	[tilespmem:$0x10000] =	vst v63  }
0x433: {  	s25 =	sor.u32 $0xD800, s14;
	s26 =	sadd.s32 $0x2900, s15  }
0x434: {  	[hbm4b:s26+s2] =	stream.linear.scatter [tilespmem:s25], [sflag:$0x4], $0x80, $0x38;
	[tilespmem:$0x10000] =	vst v63  }
0x435: {  	s28 =	sor.u32 $0xDC00, s14;
	s29 =	sadd.s32 $0x2980, s15  }
0x436: {  	[hbm4b:s29+s2] =	stream.linear.scatter [tilespmem:s28], [sflag:$0x4], $0x80, $0x38;
	[tilespmem:$0x10000] =	vst v63  }
0x437: {  	s30 =	sor.u32 $0xE000, s14;
	s31 =	sadd.s32 $0x3000, s15  }
0x438: {  	[hbm4b:s31+s2] =	stream.linear.scatter [tilespmem:s30], [sflag:$0x4], $0x80, $0x38;
	[tilespmem:$0x10000] =	vst v63  }
0x439: {  	s18 =	sor.u32 $0xE400, s14;
	s19 =	sadd.s32 $0x3080, s15  }
0x43a: {  	[hbm4b:s19+s2] =	stream.linear.scatter [tilespmem:s18], [sflag:$0x4], $0x80, $0x38;
	[tilespmem:$0x10000] =	vst v63  }
0x43b: {  	s20 =	sor.u32 $0xE800, s14;
	s21 =	sadd.s32 $0x3100, s15  }
0x43c: {  	[hbm4b:s21+s2] =	stream.linear.scatter [tilespmem:s20], [sflag:$0x4], $0x80, $0x38;
	[tilespmem:$0x10000] =	vst v63  }
0x43d: {  	s22 =	sor.u32 $0xEC00, s14;
	s23 =	sadd.s32 $0x3180, s15  }
0x43e: {  	[hbm4b:s23+s2] =	stream.linear.scatter [tilespmem:s22], [sflag:$0x4], $0x80, $0x38;
	[tilespmem:$0x10000] =	vst v63  }
0x43f: {  	s24 =	sor.u32 $0xF000, s14;
	s25 =	sadd.s32 $0x3800, s15  }
0x440: {  	[hbm4b:s25+s2] =	stream.linear.scatter [tilespmem:s24], [sflag:$0x4], $0x80, $0x38;
	[tilespmem:$0x10000] =	vst v63  }
0x441: {  	s26 =	sor.u32 $0xF400, s14;
	s28 =	sadd.s32 $0x3880, s15  }
0x442: {  	[hbm4b:s28+s2] =	stream.linear.scatter [tilespmem:s26], [sflag:$0x4], $0x80, $0x38;
	[tilespmem:$0x10000] =	vst v63  }
0x443: {  	s29 =	sor.u32 $0xF800, s14;
	s30 =	sadd.s32 $0x3900, s15  }
0x444: {  	[hbm4b:s30+s2] =	stream.linear.scatter [tilespmem:s29], [sflag:$0x4], $0x80, $0x38;
	[tilespmem:$0x10000] =	vst v63  }
0x445: {  	s31 =	sor.u32 $0xFC00, s14;
	s15 =	sadd.s32 $0x3980, s15  }
0x446: {  	[hbm4b:s15+s2] =	stream.linear.scatter [tilespmem:s31], [sflag:$0x4], $0x80, $0x38;
	[tilespmem:$0x10000] =	vst v63  }
0x447: {  	_ =	swait.ge [sflag:s12], $0x1000  }
0x448: {  	[sflag:s12] =	ssyncset.done $0x0  }
0x449: {  	[sflag:s12] =	ssyncadd.s32 $0xFFFFF000  }
0x44a: {  	_ =	swait.ge [sflag:s12], $0x1000  }
0x44b: {  	[sflag:s12] =	ssyncset.done $0x0  }
0x44c: {  	[sflag:s12] =	ssyncadd.s32 $0xFFFFF000  }
0x44d: {  	_ =	swait.ge [sflag:s12], $0x1000  }
0x44e: {  	[sflag:s12] =	ssyncset.done $0x0  }
0x44f: {  	[sflag:s12] =	ssyncadd.s32 $0xFFFFF000  }
0x450: {  	_ =	swait.ge [sflag:s12], $0x1000  }
0x451: {  	[sflag:s12] =	ssyncset.done $0x0  }
0x452: {  	[sflag:s12] =	ssyncadd.s32 $0xFFFFF000  }
0x453: {  	_ =	swait.ge [sflag:s12], $0x1000  }
0x454: {  	[sflag:s12] =	ssyncset.done $0x0  }
0x455: {  	[sflag:s12] =	ssyncadd.s32 $0xFFFFF000  }
0x456: {  	_ =	swait.ge [sflag:s12], $0x1000  }
0x457: {  	[sflag:s12] =	ssyncset.done $0x0  }
0x458: {  	[sflag:s12] =	ssyncadd.s32 $0xFFFFF000  }
0x459: {  	_ =	swait.ge [sflag:s12], $0x1000  }
0x45a: {  	[sflag:s12] =	ssyncset.done $0x0  }
0x45b: {  	[sflag:s12] =	ssyncadd.s32 $0xFFFFF000  }
0x45c: {  	_ =	swait.ge [sflag:s12], $0x1000  }
0x45d: {  	[sflag:s12] =	ssyncset.done $0x0  }
0x45e: {  	[sflag:s12] =	ssyncadd.s32 $0xFFFFF000  }
0x45f: {  	_ =	swait.ge [sflag:s12], $0x1000  }
0x460: {  	[sflag:s12] =	ssyncset.done $0x0  }
0x461: {  	[sflag:s12] =	ssyncadd.s32 $0xFFFFF000  }
0x462: {  	_ =	swait.ge [sflag:s12], $0x1000  }
0x463: {  	[sflag:s12] =	ssyncset.done $0x0  }
0x464: {  	[sflag:s12] =	ssyncadd.s32 $0xFFFFF000  }
0x465: {  	_ =	swait.ge [sflag:s12], $0x1000  }
0x466: {  	[sflag:s12] =	ssyncset.done $0x0  }
0x467: {  	[sflag:s12] =	ssyncadd.s32 $0xFFFFF000  }
0x468: {  	_ =	swait.ge [sflag:s12], $0x1000  }
0x469: {  	[sflag:s12] =	ssyncset.done $0x0  }
0x46a: {  	[sflag:s12] =	ssyncadd.s32 $0xFFFFF000  }
0x46b: {  	_ =	swait.ge [sflag:s12], $0x1000  }
0x46c: {  	[sflag:s12] =	ssyncset.done $0x0  }
0x46d: {  	[sflag:s12] =	ssyncadd.s32 $0xFFFFF000  }
0x46e: {  	_ =	swait.ge [sflag:s12], $0x1000  }
0x46f: {  	[sflag:s12] =	ssyncset.done $0x0  }
0x470: {  	[sflag:s12] =	ssyncadd.s32 $0xFFFFF000  }
0x471: {  	_ =	swait.ge [sflag:s12], $0x1000  }
0x472: {  	[sflag:s12] =	ssyncset.done $0x0  }
0x473: {  	[sflag:s12] =	ssyncadd.s32 $0xFFFFF000  }
0x474: {  	_ =	swait.ge [sflag:s12], $0x1000  }
0x475: {  	[sflag:s12] =	ssyncset.done $0x0  }
0x476: {  	[sflag:s12] =	ssyncadd.s32 $0xFFFFF000  }
0x477: {  	_ =	swait.ge [sflag:s12], $0x1000  }
0x478: {  	[sflag:s12] =	ssyncset.done $0x0  }
0x479: {  	[sflag:s12] =	ssyncadd.s32 $0xFFFFF000  }
0x47a: {  	_ =	swait.ge [sflag:s12], $0x1000  }
0x47b: {  	[sflag:s12] =	ssyncset.done $0x0  }
0x47c: {  	[sflag:s12] =	ssyncadd.s32 $0xFFFFF000  }
0x47d: {  	_ =	swait.ge [sflag:s12], $0x1000  }
0x47e: {  	[sflag:s12] =	ssyncset.done $0x0  }
0x47f: {  	[sflag:s12] =	ssyncadd.s32 $0xFFFFF000  }
0x480: {  	_ =	swait.ge [sflag:s12], $0x1000  }
0x481: {  	[sflag:s12] =	ssyncset.done $0x0  }
0x482: {  	[sflag:s12] =	ssyncadd.s32 $0xFFFFF000  }
0x483: {  	_ =	swait.ge [sflag:s12], $0x1000  }
0x484: {  	[sflag:s12] =	ssyncset.done $0x0  }
0x485: {  	[sflag:s12] =	ssyncadd.s32 $0xFFFFF000  }
0x486: {  	_ =	swait.ge [sflag:s12], $0x1000  }
0x487: {  	[sflag:s12] =	ssyncset.done $0x0  }
0x488: {  	[sflag:s12] =	ssyncadd.s32 $0xFFFFF000  }
0x489: {  	_ =	swait.ge [sflag:s12], $0x1000  }
0x48a: {  	[sflag:s12] =	ssyncset.done $0x0  }
0x48b: {  	[sflag:s12] =	ssyncadd.s32 $0xFFFFF000  }
0x48c: {  	_ =	swait.ge [sflag:s12], $0x1000  }
0x48d: {  	[sflag:s12] =	ssyncset.done $0x0  }
0x48e: {  	[sflag:s12] =	ssyncadd.s32 $0xFFFFF000  }
0x48f: {  	_ =	swait.ge [sflag:s12], $0x1000  }
0x490: {  	[sflag:s12] =	ssyncset.done $0x0  }
0x491: {  	[sflag:s12] =	ssyncadd.s32 $0xFFFFF000  }
0x492: {  	_ =	swait.ge [sflag:s12], $0x1000  }
0x493: {  	[sflag:s12] =	ssyncset.done $0x0  }
0x494: {  	[sflag:s12] =	ssyncadd.s32 $0xFFFFF000  }
0x495: {  	_ =	swait.ge [sflag:s12], $0x1000  }
0x496: {  	[sflag:s12] =	ssyncset.done $0x0  }
0x497: {  	[sflag:s12] =	ssyncadd.s32 $0xFFFFF000  }
0x498: {  	_ =	swait.ge [sflag:s12], $0x1000  }
0x499: {  	[sflag:s12] =	ssyncset.done $0x0  }
0x49a: {  	[sflag:s12] =	ssyncadd.s32 $0xFFFFF000  }
0x49b: {  	_ =	swait.ge [sflag:s12], $0x1000  }
0x49c: {  	[sflag:s12] =	ssyncset.done $0x0  }
0x49d: {  	[sflag:s12] =	ssyncadd.s32 $0xFFFFF000  }
0x49e: {  	_ =	swait.ge [sflag:s12], $0x1000  }
0x49f: {  	[sflag:s12] =	ssyncset.done $0x0  }
0x4a0: {  	s13 =	sadd.s32 $0x1, s13;
	[sflag:s12] =	ssyncadd.s32 $0xFFFFF000  }
0x4a1: {  	p0 =	sne.s32 s13, s7;
	_ =	swait.ge [sflag:s12], $0x1000  }
.Ltmp4:
0x4a2: {  	[sflag:s12] =	ssyncset.done $0x0;
	(pc) =	sbr.rel @p0 .LBB2_1-.Ltmp4, $4  }
0x4a3: {  	[sflag:s12] =	ssyncadd.s32 $0xFFFFF000  }
0x4a4: {  	_ =	swait.ge [sflag:s12], $0x1000  }
0x4a5: {  	[sflag:s12] =	ssyncset.done $0x0  }
0x4a6: {  	[sflag:s12] =	ssyncadd.s32 $0xFFFFF000  }
0x4a7: {  	_ =	sfence.sel $0x180000  }
0x4a8: {  	[bflag:$0x0] =	sbarrier.arrive $0xFFFF  }
0x4a9: {  	p0 =	sne.s32 s1, $0x0;
	_ =	strace $0x90000047  }
0x4aa: {  	s0 =	sadd.s32 @!p0 $0x100000, s0;
	[bflag:$0x2] =	sbarrier.arrive $0xFFFF  }
0x4ab: {  	[sflag:s0] =	ssyncadd.tile.s32 @!p0 $0x1;
	_ =	shalt  }
.Lfunc_end2:
_tile_overlayer_lowered:
.L_overlay_start_2:
0x4ac: {  	(tag) =	ssettag $0x2  }
0x4ad: {  	s0 =	rddreg [dreg:$0x0];
	s2 =	stileid.u32  }
0x4ae: {  	s1 =	rddreg [dreg:$0x1];
	p0 =	sne.s32 s2, $0x0  }
0x4af: {  	s3 =	rddreg [dreg:$0x2];
	[bflag:$0x3] =	sbarrier.arrive $0xFFFF;
	s2 =	simm.s32 @!p0 $0x1C05  }
0x4b0: {  	[timem:s3], [sflag:s2] =	dma.local @!p0 [hbm:s0], s1  }
0x4b1: {  	s0 =	simm.s32 @!p0 $0x5  }
0x4b2: {  	_ =	swait.ge @!p0 [sflag:s0], s1  }
0x4b3: {  	s1 =	ssub.s32 @!p0 $0x0, s1;
	[sflag:s0] =	ssyncset.done @!p0 $0x0  }
0x4b4: {  	[sflag:s0] =	ssyncadd.s32 @!p0 s1  }
0x4b5: {  	[bflag:$0x3] =	sbarrier.arrive $0xFFFF  }
0x4b6: {  	_ =	shalt  }

</sc_bundles>
